<compile_context>
chip_gen: v7x
topology: tpu7x:2x2x1
jax: 0.10.2.dev20260603
libtpu: 0.0.44.dev20260713+nightly
codegen_flags: <defaults>
</compile_context>

<pallas_src>
import jax
import jax.numpy as jnp
from jax import lax
from jax.experimental import pallas as pl
from jax.experimental.pallas import tpu as pltpu
from jax.experimental.pallas import tpu_sc as plsc

N, D_MODEL, D_FF, C = 4096, 2048, 4096, 2
BLK_N = 1024
BLK_F = 512
NF = D_FF // BLK_F
R = N // BLK_N

NC, NS, L = 2, 16, 16
NW = NC * NS
RPW = N // NW
CPW = RPW // L
GCH = 32
NGC = RPW // GCH

_sc_mesh = plsc.VectorSubcoreMesh(core_axis_name="c", subcore_axis_name="s")


def _route_kernel(mask_hbm, x_hbm, xg_hbm, pos_hbm, kcnt_hbm,
                  mv, idxv, posv, dstm, rows, kv, gsem, ssem):
    wid = lax.axis_index("s") * NC + lax.axis_index("c")
    base = wid * RPW

    pltpu.sync_copy(mask_hbm, mv)

    def _psum(c, acc):
        return acc + jnp.sum(mv[pl.ds(c * L, L)])
    tile_off = lax.fori_loop(0, wid * CPW, _psum, jnp.int32(0))
    k_total = lax.fori_loop(0, N // L, _psum, jnp.int32(0))

    zero16 = jnp.zeros((L,), jnp.int32)
    for c in range(CPW):
        idxv[pl.ds(c * L, L)] = zero16
    run = jnp.int32(0)
    io = lax.iota(jnp.int32, L)
    for c in range(CPW):
        m16 = mv[pl.ds(base + c * L, L)]
        incl = plsc.cumsum(m16) + run
        posv[pl.ds(c * L, L)] = incl + tile_off - 1
        mb = m16 != 0
        gids = io + (base + c * L)
        plsc.store_scatter(idxv, [incl - 1], gids, mask=mb)
        run = run + jnp.sum(m16)
    local_cnt = run

    for j in range(NGC):
        for h in range(GCH // L):
            lane = io + (j * GCH + h * L)
            d = jnp.where(lane < local_cnt, tile_off + lane, N - 1)
            dstm[j, pl.ds(h * L, L)] = d

    pltpu.sync_copy(posv, pos_hbm.at[pl.ds(base, RPW)])

    @pl.when(wid == 0)
    def _():
        kv[...] = jnp.full((L,), k_total, jnp.int32)
        pltpu.sync_copy(kv, kcnt_hbm)

    for j in range(NGC):
        @pl.when(j * GCH < local_cnt)
        def _():
            pltpu.async_copy(x_hbm.at[idxv.at[pl.ds(j * GCH, GCH)]],
                             rows, gsem).wait()
            pltpu.async_copy(rows, xg_hbm.at[dstm.at[j]], ssem).wait()


def _route(mask_i32, x):
    return pl.kernel(
        _route_kernel,
        out_type=[
            jax.ShapeDtypeStruct((N, D_MODEL), jnp.float32),
            jax.ShapeDtypeStruct((N,), jnp.int32),
            jax.ShapeDtypeStruct((L,), jnp.int32),
        ],
        mesh=_sc_mesh,
        compiler_params=pltpu.CompilerParams(needs_layout_passes=False),
        scratch_types=[
            pltpu.VMEM((N,), jnp.int32),
            pltpu.VMEM((RPW,), jnp.int32),
            pltpu.VMEM((RPW,), jnp.int32),
            pltpu.VMEM((NGC, GCH), jnp.int32),
            pltpu.VMEM((GCH, D_MODEL), jnp.float32),
            pltpu.VMEM((L,), jnp.int32),
            pltpu.SemaphoreType.DMA,
            pltpu.SemaphoreType.DMA,
        ],
    )(mask_i32, x)


def _dense_kernel(x_ref, m_ref,
                  w1a1_ref, w2a1_ref, w1b1_ref, w2b1_ref,
                  w1a2_ref, w2a2_ref, w1b2_ref, w2b2_ref,
                  out1_ref, out2_ref, pred_ref):
    f = pl.program_id(1)
    xb = x_ref[...]
    xb16 = xb.astype(jnp.bfloat16)

    def stream_f32(w1_ref, w2_ref):
        h = jax.nn.gelu(jnp.dot(xb, w1_ref[...],
                                preferred_element_type=jnp.float32))
        return jnp.dot(h, w2_ref[...], preferred_element_type=jnp.float32)

    def stream_bf16(w1_ref, w2_ref):
        h = jax.nn.gelu(jnp.dot(xb16, w1_ref[...].astype(jnp.bfloat16),
                                preferred_element_type=jnp.float32))
        return jnp.dot(h.astype(jnp.bfloat16),
                       w2_ref[...].astype(jnp.bfloat16),
                       preferred_element_type=jnp.float32)

    c1 = stream_f32(w1a1_ref, w2a1_ref) + stream_f32(w1b1_ref, w2b1_ref)
    c2 = stream_bf16(w1a2_ref, w2a2_ref) + stream_bf16(w1b2_ref, w2b2_ref)

    @pl.when(f == 0)
    def _():
        out1_ref[...] = c1
        out2_ref[...] = c2

    @pl.when(f > 0)
    def _():
        out1_ref[...] += c1
        out2_ref[...] += c2

    @pl.when(f == NF - 1)
    def _():
        l1 = out1_ref[...]
        mask = m_ref[...] != 0
        out2_ref[...] = jnp.where(mask, out2_ref[...], 0.0)
        pred_ref[...] = (l1[:, 1:2] > l1[:, 0:1]).astype(jnp.float32)


def _dense(x, mask_i32, l1_W1a, l1_W2a, l1_W1b, l1_W2b,
           l2_W1a, l2_W2a, l2_W1b, l2_W2b):
    row_blk = lambda i, f: (i, 0)
    w1_blk = lambda i, f: (0, f)
    w2_blk = lambda i, f: (f, 0)
    return pl.pallas_call(
        _dense_kernel,
        grid=(R, NF),
        compiler_params=pltpu.CompilerParams(
            vmem_limit_bytes=64 * 1024 * 1024),
        in_specs=[
            pl.BlockSpec((BLK_N, D_MODEL), row_blk),
            pl.BlockSpec((BLK_N, 1), row_blk),
            pl.BlockSpec((D_MODEL, BLK_F), w1_blk),
            pl.BlockSpec((BLK_F, C), w2_blk),
            pl.BlockSpec((D_MODEL, BLK_F), w1_blk),
            pl.BlockSpec((BLK_F, C), w2_blk),
            pl.BlockSpec((D_MODEL, BLK_F), w1_blk),
            pl.BlockSpec((BLK_F, C), w2_blk),
            pl.BlockSpec((D_MODEL, BLK_F), w1_blk),
            pl.BlockSpec((BLK_F, C), w2_blk),
        ],
        out_specs=[
            pl.BlockSpec((BLK_N, C), row_blk),
            pl.BlockSpec((BLK_N, C), row_blk),
            pl.BlockSpec((BLK_N, 1), row_blk),
        ],
        out_shape=[
            jax.ShapeDtypeStruct((N, C), jnp.float32),
            jax.ShapeDtypeStruct((N, C), jnp.float32),
            jax.ShapeDtypeStruct((N, 1), jnp.float32),
        ],
    )(x, mask_i32, l1_W1a, l1_W2a, l1_W1b, l1_W2b,
      l2_W1a, l2_W2a, l2_W1b, l2_W2b)


def _l1_kernel(x_ref, w1a_ref, w2a_ref, w1b_ref, w2b_ref, out1_ref, pred_ref):
    f = pl.program_id(1)
    xb = x_ref[...]

    def stream(w1_ref, w2_ref):
        h = jax.nn.gelu(jnp.dot(xb, w1_ref[...],
                                preferred_element_type=jnp.float32))
        return jnp.dot(h, w2_ref[...], preferred_element_type=jnp.float32)

    c1 = stream(w1a_ref, w2a_ref) + stream(w1b_ref, w2b_ref)

    @pl.when(f == 0)
    def _():
        out1_ref[...] = c1

    @pl.when(f > 0)
    def _():
        out1_ref[...] += c1

    @pl.when(f == NF - 1)
    def _():
        l1 = out1_ref[...]
        pred_ref[...] = (l1[:, 1:2] > l1[:, 0:1]).astype(jnp.float32)


def _layer1(x, w1a, w2a, w1b, w2b):
    row_blk = lambda i, f: (i, 0)
    w1_blk = lambda i, f: (0, f)
    w2_blk = lambda i, f: (f, 0)
    return pl.pallas_call(
        _l1_kernel,
        grid=(R, NF),
        in_specs=[
            pl.BlockSpec((BLK_N, D_MODEL), row_blk),
            pl.BlockSpec((D_MODEL, BLK_F), w1_blk),
            pl.BlockSpec((BLK_F, C), w2_blk),
            pl.BlockSpec((D_MODEL, BLK_F), w1_blk),
            pl.BlockSpec((BLK_F, C), w2_blk),
        ],
        out_specs=[
            pl.BlockSpec((BLK_N, C), row_blk),
            pl.BlockSpec((BLK_N, 1), row_blk),
        ],
        out_shape=[
            jax.ShapeDtypeStruct((N, C), jnp.float32),
            jax.ShapeDtypeStruct((N, 1), jnp.float32),
        ],
    )(x, w1a, w2a, w1b, w2b)


def _l2_kernel(kref, xg_ref, w1a_ref, w2a_ref, w1b_ref, w2b_ref, l2c_ref):
    i = pl.program_id(0)
    f = pl.program_id(1)
    nab = (kref[0] + BLK_N - 1) // BLK_N

    @pl.when(i < nab)
    def _():
        xb = xg_ref[...]

        def stream(w1_ref, w2_ref):
            h = jax.nn.gelu(jnp.dot(xb, w1_ref[...],
                                    preferred_element_type=jnp.float32))
            return jnp.dot(h, w2_ref[...], preferred_element_type=jnp.float32)

        c2 = stream(w1a_ref, w2a_ref) + stream(w1b_ref, w2b_ref)

        @pl.when(f == 0)
        def _():
            l2c_ref[...] = c2

        @pl.when(f > 0)
        def _():
            l2c_ref[...] += c2


def _nab(kref):
    return (kref[0] + BLK_N - 1) // BLK_N


def _layer2(kcnt, xg, w1a, w2a, w1b, w2b):
    def xg_blk(i, f, kref):
        return (jnp.minimum(i, jnp.maximum(_nab(kref) - 1, 0)), 0)

    def w1_blk(i, f, kref):
        return (0, jnp.where(i < _nab(kref), f, NF - 1))

    def w2_blk(i, f, kref):
        return (jnp.where(i < _nab(kref), f, NF - 1), 0)

    return pl.pallas_call(
        _l2_kernel,
        grid_spec=pltpu.PrefetchScalarGridSpec(
            num_scalar_prefetch=1,
            grid=(R, NF),
            in_specs=[
                pl.BlockSpec((BLK_N, D_MODEL), xg_blk),
                pl.BlockSpec((D_MODEL, BLK_F), w1_blk),
                pl.BlockSpec((BLK_F, C), w2_blk),
                pl.BlockSpec((D_MODEL, BLK_F), w1_blk),
                pl.BlockSpec((BLK_F, C), w2_blk),
            ],
            out_specs=pl.BlockSpec((BLK_N, C), lambda i, f, kref: (i, 0)),
        ),
        out_shape=jax.ShapeDtypeStruct((N, C), jnp.float32),
    )(kcnt, xg, w1a, w2a, w1b, w2b)


def _unroute_kernel(l2f_hbm, pos_hbm, mask_hbm, out_hbm, l2v, pv, mv, outv):
    wid = lax.axis_index("s") * NC + lax.axis_index("c")
    base = wid * RPW

    pltpu.sync_copy(l2f_hbm, l2v)
    pltpu.sync_copy(pos_hbm.at[pl.ds(base, RPW)], pv)
    pltpu.sync_copy(mask_hbm.at[pl.ds(base, RPW)], mv)

    io = lax.iota(jnp.int32, L)
    zf = jnp.zeros((L,), jnp.float32)
    for c in range(CPW):
        p = jnp.maximum(pv[pl.ds(c * L, L)], 0)
        m = mv[pl.ds(c * L, L)] != 0
        g0 = plsc.load_gather(l2v, [2 * p])
        g1 = plsc.load_gather(l2v, [2 * p + 1])
        r0 = jnp.where(m, g0, zf)
        r1 = jnp.where(m, g1, zf)
        plsc.store_scatter(outv, [c * 2 * L + 2 * io], r0)
        plsc.store_scatter(outv, [c * 2 * L + 2 * io + 1], r1)

    pltpu.sync_copy(outv, out_hbm.at[pl.ds(base * 2, RPW * 2)])


def _unroute(l2flat, pos, mask_i32):
    return pl.kernel(
        _unroute_kernel,
        out_type=jax.ShapeDtypeStruct((2 * N,), jnp.float32),
        mesh=_sc_mesh,
        compiler_params=pltpu.CompilerParams(needs_layout_passes=False),
        scratch_types=[
            pltpu.VMEM((2 * N,), jnp.float32),
            pltpu.VMEM((RPW,), jnp.int32),
            pltpu.VMEM((RPW,), jnp.int32),
            pltpu.VMEM((2 * RPW,), jnp.float32),
        ],
    )(l2flat, pos, mask_i32)


B2N = 512
R2 = N // B2N


def _twophase_kernel(kref, x_ref, xg_ref,
                     w1a1_ref, w2a1_ref, w1b1_ref, w2b1_ref,
                     w1a2_ref, w2a2_ref, w1b2_ref, w2b2_ref,
                     out1_ref, pred_ref, l2c_ref):
    t = pl.program_id(0)
    f = pl.program_id(1)
    nab = (kref[0] + B2N - 1) // B2N

    def stream(xb, w1_ref, w2_ref):
        h = jax.nn.gelu(jnp.dot(xb, w1_ref[...],
                                preferred_element_type=jnp.float32))
        return jnp.dot(h, w2_ref[...], preferred_element_type=jnp.float32)

    @pl.when(t < R)
    def _():
        xb = x_ref[...]
        c1 = stream(xb, w1a1_ref, w2a1_ref) + stream(xb, w1b1_ref, w2b1_ref)

        @pl.when(f == 0)
        def _():
            out1_ref[...] = c1

        @pl.when(f > 0)
        def _():
            out1_ref[...] += c1

        @pl.when(f == NF - 1)
        def _():
            l1 = out1_ref[...]
            pred_ref[...] = (l1[:, 1:2] > l1[:, 0:1]).astype(jnp.float32)

    @pl.when((t >= R) & (t - R < nab))
    def _():
        xb = xg_ref[...]
        c2 = stream(xb, w1a2_ref, w2a2_ref) + stream(xb, w1b2_ref, w2b2_ref)

        @pl.when(f == 0)
        def _():
            l2c_ref[...] = c2

        @pl.when(f > 0)
        def _():
            l2c_ref[...] += c2


def _twophase(kcnt, x, xg,
              l1_W1a, l1_W2a, l1_W1b, l1_W2b,
              l2_W1a, l2_W2a, l2_W1b, l2_W2b):
    def nab_of(kref):
        return (kref[0] + B2N - 1) // B2N

    def x_blk(t, f, kref):
        return (jnp.minimum(t, R - 1), 0)

    def xg_blk(t, f, kref):
        t2 = jnp.maximum(t - R, 0)
        return (jnp.minimum(t2, jnp.maximum(nab_of(kref) - 1, 0)), 0)

    def w1l1_blk(t, f, kref):
        return (0, jnp.where(t < R, f, NF - 1))

    def w2l1_blk(t, f, kref):
        return (jnp.where(t < R, f, NF - 1), 0)

    def w1l2_blk(t, f, kref):
        return (0, jnp.where((t >= R) & (t - R < nab_of(kref)), f, 0))

    def w2l2_blk(t, f, kref):
        return (jnp.where((t >= R) & (t - R < nab_of(kref)), f, 0), 0)

    def out1_blk(t, f, kref):
        return (jnp.minimum(t, R - 1), 0)

    def l2c_blk(t, f, kref):
        return (jnp.minimum(jnp.maximum(t - R, 0), R2 - 1), 0)

    return pl.pallas_call(
        _twophase_kernel,
        grid_spec=pltpu.PrefetchScalarGridSpec(
            num_scalar_prefetch=1,
            grid=(R + R2, NF),
            in_specs=[
                pl.BlockSpec((BLK_N, D_MODEL), x_blk),
                pl.BlockSpec((B2N, D_MODEL), xg_blk),
                pl.BlockSpec((D_MODEL, BLK_F), w1l1_blk),
                pl.BlockSpec((BLK_F, C), w2l1_blk),
                pl.BlockSpec((D_MODEL, BLK_F), w1l1_blk),
                pl.BlockSpec((BLK_F, C), w2l1_blk),
                pl.BlockSpec((D_MODEL, BLK_F), w1l2_blk),
                pl.BlockSpec((BLK_F, C), w2l2_blk),
                pl.BlockSpec((D_MODEL, BLK_F), w1l2_blk),
                pl.BlockSpec((BLK_F, C), w2l2_blk),
            ],
            out_specs=[
                pl.BlockSpec((BLK_N, C), out1_blk),
                pl.BlockSpec((BLK_N, 1), out1_blk),
                pl.BlockSpec((B2N, C), l2c_blk),
            ],
        ),
        out_shape=[
            jax.ShapeDtypeStruct((N, C), jnp.float32),
            jax.ShapeDtypeStruct((N, 1), jnp.float32),
            jax.ShapeDtypeStruct((N, C), jnp.float32),
        ],
        compiler_params=pltpu.CompilerParams(
            vmem_limit_bytes=100 * 1024 * 1024),
    )(kcnt, x, xg,
      l1_W1a, l1_W2a, l1_W1b, l1_W2b,
      l2_W1a, l2_W2a, l2_W1b, l2_W2b)


def kernel(x, mask, l1_W1a, l1_W2a, l1_W1b, l1_W2b,
           l2_W1a, l2_W2a, l2_W1b, l2_W2b):
    mask_i32 = mask.astype(jnp.int32)
    xg, pos, kcnt = _route(mask_i32, x)
    out1, predf, l2c = _twophase(kcnt, x, xg,
                                 l1_W1a, l1_W2a, l1_W1b, l1_W2b,
                                 l2_W1a, l2_W2a, l2_W1b, l2_W2b)
    out2 = _unroute(l2c.reshape(2 * N), pos, mask_i32).reshape(N, C)
    pred = predf.reshape(N).astype(jnp.bool_)
    return (out1, out2, pred)

# --- scband reference (transcript-rebuilt; emitter-appended) ---
"""Pipeline reference for scband-hierarchical-shapeformer-34299608826075 (READ-ONLY COPY).

The authoritative reference and input builder live on the scoring server;
editing this copy changes nothing except your own understanding.
"""

import jax, jax.numpy as jnp
import numpy as np

N, D_MODEL, D_FF, C = 4096, 2048, 4096, 2


def _dual_stream_mlp(x, W1a, W2a, W1b, W2b):
    a = jax.nn.gelu(x @ W1a) @ W2a
    b = jax.nn.gelu(x @ W1b) @ W2b
    return a + b


def setup_inputs(seed: int = 0) -> dict:
    key = jax.random.key(seed)
    ks = jax.random.split(key, 12)
    x = jax.random.normal(ks[0], (N, D_MODEL), dtype=jnp.float32)
    mask = jax.random.randint(ks[1], (N,), 0, 2).astype(jnp.bool_)
    s1 = 1.0 / np.sqrt(D_MODEL)
    s2 = 1.0 / np.sqrt(D_FF)
    def w(k, shape, s):
        return jax.random.normal(k, shape, dtype=jnp.float32) * s
    return {
        "x": x,
        "mask": mask,
        "l1_W1a": w(ks[2], (D_MODEL, D_FF), s1),
        "l1_W2a": w(ks[3], (D_FF, C), s2),
        "l1_W1b": w(ks[4], (D_MODEL, D_FF), s1),
        "l1_W2b": w(ks[5], (D_FF, C), s2),
        "l2_W1a": w(ks[6], (D_MODEL, D_FF), s1),
        "l2_W2a": w(ks[7], (D_FF, C), s2),
        "l2_W1b": w(ks[8], (D_MODEL, D_FF), s1),
        "l2_W2b": w(ks[9], (D_FF, C), s2),
    }


def reference(x, mask, l1_W1a, l1_W2a, l1_W1b, l1_W2b, l2_W1a, l2_W2a, l2_W1b, l2_W2b):
    # layer='both' path with mask provided
    layer1_logits = _dual_stream_mlp(x, l1_W1a, l1_W2a, l1_W1b, l1_W2b)
    layer1_probs = jax.nn.softmax(layer1_logits, axis=1)
    layer1_pred = jnp.argmax(layer1_probs, axis=1)
    diseased_mask_pred = layer1_pred == 1
    l2_out = _dual_stream_mlp(x, l2_W1a, l2_W2a, l2_W1b, l2_W2b)
    layer2_logits = jnp.where(mask[:, None], l2_out, jnp.zeros_like(layer1_logits))
    return (layer1_logits, layer2_logits, diseased_mask_pred)

if __name__ == "__main__":
    import jax
    _d = setup_inputs()
    print(jax.jit(kernel)(*tuple(_d.values())))

</pallas_src>

<mosaic_0001>
#map = affine_map<(d0, d1) -> (0)>
module attributes {stable_mosaic.version = 14 : i64} {
  func.func @_unroute_kernel(%arg0: i32, %arg1: i32, %arg2: memref<8192xf32, #tpu.memory_space<hbm>>, %arg3: memref<4096xi32, #tpu.memory_space<hbm>>, %arg4: memref<4096xi32, #tpu.memory_space<hbm>>, %arg5: memref<8192xf32, #tpu.memory_space<hbm>>, %arg6: memref<8192xf32, #tpu.memory_space<vmem>>, %arg7: memref<128xi32, #tpu.memory_space<vmem>>, %arg8: memref<128xi32, #tpu.memory_space<vmem>>, %arg9: memref<256xf32, #tpu.memory_space<vmem>>) attributes {dimension_semantics = [#tpu.dimension_semantics<core_parallel>, #tpu.dimension_semantics<subcore_parallel>], iteration_bounds = array<i64: 2, 16>, scalar_prefetch = 0 : i64, scratch_operands = 4 : i64, tpu.core_type = #tpu.core_type<sc_vector_subcore>, window_params = [{transform_indices = #map}, {transform_indices = #map}, {transform_indices = #map}, {transform_indices = #map}]} {
    %mul3A = arith.constant 2 : i32
    %mul3A_0 = arith.muli %arg1, %mul3A : i32
    %add3A = arith.addi %mul3A_0, %arg0 : i32
    %mul3A_1 = arith.constant 128 : i32
    %mul3A_2 = arith.muli %add3A, %mul3A_1 : i32
    "tpu.region"() ({
      %run_scoped3A = tpu.sem_alloc : memref<!tpu.dma_semaphore, #tpu.memory_space<semaphore_mem>>
      tpu.enqueue_dma source(%arg2 : memref<8192xf32, #tpu.memory_space<hbm>>) target(%arg6 : memref<8192xf32, #tpu.memory_space<vmem>>) target_semaphore(%run_scoped3A : memref<!tpu.dma_semaphore, #tpu.memory_space<semaphore_mem>>)
      tpu.wait_dma2 semaphore(%run_scoped3A : memref<!tpu.dma_semaphore, #tpu.memory_space<semaphore_mem>>) src(%arg2 : memref<8192xf32, #tpu.memory_space<hbm>>) dst(%arg6 : memref<8192xf32, #tpu.memory_space<vmem>>)
      tpu.yield
    }) : () -> ()
    "tpu.region"() ({
      %run_scoped3A = tpu.sem_alloc : memref<!tpu.dma_semaphore, #tpu.memory_space<semaphore_mem>>
      %dma_start3A = tpu.memref_slice %arg3[%mul3A_2] : memref<4096xi32, #tpu.memory_space<hbm>> -> memref<128xi32, #tpu.memory_space<hbm>>
      %dma_start3A_305 = tpu.memref_slice %arg3[%mul3A_2] : memref<4096xi32, #tpu.memory_space<hbm>> -> memref<128xi32, #tpu.memory_space<hbm>>
      tpu.enqueue_dma source(%dma_start3A_305 : memref<128xi32, #tpu.memory_space<hbm>>) target(%arg7 : memref<128xi32, #tpu.memory_space<vmem>>) target_semaphore(%run_scoped3A : memref<!tpu.dma_semaphore, #tpu.memory_space<semaphore_mem>>)
      %dma_wait3A = tpu.memref_slice %arg3[%mul3A_2] : memref<4096xi32, #tpu.memory_space<hbm>> -> memref<128xi32, #tpu.memory_space<hbm>>
      %dma_wait3A_306 = tpu.memref_slice %arg3[%mul3A_2] : memref<4096xi32, #tpu.memory_space<hbm>> -> memref<128xi32, #tpu.memory_space<hbm>>
      tpu.wait_dma2 semaphore(%run_scoped3A : memref<!tpu.dma_semaphore, #tpu.memory_space<semaphore_mem>>) src(%dma_wait3A_306 : memref<128xi32, #tpu.memory_space<hbm>>) dst(%arg7 : memref<128xi32, #tpu.memory_space<vmem>>)
      tpu.yield
    }) : () -> ()
    "tpu.region"() ({
      %run_scoped3A = tpu.sem_alloc : memref<!tpu.dma_semaphore, #tpu.memory_space<semaphore_mem>>
      %dma_start3A = tpu.memref_slice %arg4[%mul3A_2] : memref<4096xi32, #tpu.memory_space<hbm>> -> memref<128xi32, #tpu.memory_space<hbm>>
      %dma_start3A_305 = tpu.memref_slice %arg4[%mul3A_2] : memref<4096xi32, #tpu.memory_space<hbm>> -> memref<128xi32, #tpu.memory_space<hbm>>
      tpu.enqueue_dma source(%dma_start3A_305 : memref<128xi32, #tpu.memory_space<hbm>>) target(%arg8 : memref<128xi32, #tpu.memory_space<vmem>>) target_semaphore(%run_scoped3A : memref<!tpu.dma_semaphore, #tpu.memory_space<semaphore_mem>>)
      %dma_wait3A = tpu.memref_slice %arg4[%mul3A_2] : memref<4096xi32, #tpu.memory_space<hbm>> -> memref<128xi32, #tpu.memory_space<hbm>>
      %dma_wait3A_306 = tpu.memref_slice %arg4[%mul3A_2] : memref<4096xi32, #tpu.memory_space<hbm>> -> memref<128xi32, #tpu.memory_space<hbm>>
      tpu.wait_dma2 semaphore(%run_scoped3A : memref<!tpu.dma_semaphore, #tpu.memory_space<semaphore_mem>>) src(%dma_wait3A_306 : memref<128xi32, #tpu.memory_space<hbm>>) dst(%arg8 : memref<128xi32, #tpu.memory_space<vmem>>)
      tpu.yield
    }) : () -> ()
    %iota3A = tpu.iota {dimensions = array<i32: 0>} : vector<16xi32>
    %broadcast_in_dim3A = arith.constant 0.000000e+00 : f32
    %broadcast_in_dim3A_3 = vector.broadcast %broadcast_in_dim3A : f32 to vector<16xf32>
    %get3A = arith.constant 0 : index
    %get3A_4 = tpu.vector_load %arg7[%get3A] {strides = array<i32>} : memref<128xi32, #tpu.memory_space<vmem>>, vector<16xi32>,
    %max3A = arith.constant 0 : i32
    %max3A_5 = vector.broadcast %max3A : i32 to vector<16xi32>
    %max3A_6 = arith.maxsi %get3A_4, %max3A_5 : vector<16xi32>
    %get3A_7 = arith.constant 0 : index
    %get3A_8 = tpu.vector_load %arg8[%get3A_7] {strides = array<i32>} : memref<128xi32, #tpu.memory_space<vmem>>, vector<16xi32>,
    %ne3A = arith.constant 0 : i32
    %ne3A_9 = vector.broadcast %ne3A : i32 to vector<16xi32>
    %ne3A_10 = arith.cmpi ne, %get3A_8, %ne3A_9 : vector<16xi32>
    %mul3A_11 = arith.constant 2 : i32
    %mul3A_12 = vector.broadcast %mul3A_11 : i32 to vector<16xi32>
    %mul3A_13 = arith.muli %mul3A_12, %max3A_6 : vector<16xi32>
    %gather3A = tpu.vector_load_idx %arg6[%mul3A_13] : memref<8192xf32, #tpu.memory_space<vmem>>[vector<16xi32>], vector<16xf32>,
    %mul3A_14 = arith.constant 2 : i32
    %mul3A_15 = vector.broadcast %mul3A_14 : i32 to vector<16xi32>
    %mul3A_16 = arith.muli %mul3A_15, %max3A_6 : vector<16xi32>
    %add3A_17 = arith.constant 1 : i32
    %add3A_18 = vector.broadcast %add3A_17 : i32 to vector<16xi32>
    %add3A_19 = arith.addi %mul3A_16, %add3A_18 : vector<16xi32>
    %gather3A_20 = tpu.vector_load_idx %arg6[%add3A_19] : memref<8192xf32, #tpu.memory_space<vmem>>[vector<16xi32>], vector<16xf32>,
    %select_n3A = arith.select %ne3A_10, %gather3A, %broadcast_in_dim3A_3 : vector<16xi1>, vector<16xf32>
    %select_n3A_21 = arith.select %ne3A_10, %gather3A_20, %broadcast_in_dim3A_3 : vector<16xi1>, vector<16xf32>
    %mul3A_22 = arith.constant 2 : i32
    %mul3A_23 = vector.broadcast %mul3A_22 : i32 to vector<16xi32>
    %mul3A_24 = arith.muli %mul3A_23, %iota3A : vector<16xi32>
    %add3A_25 = arith.constant 0 : i32
    %add3A_26 = vector.broadcast %add3A_25 : i32 to vector<16xi32>
    %add3A_27 = arith.addi %add3A_26, %mul3A_24 : vector<16xi32>
    tpu.vector_store_idx %arg9[%add3A_27], %select_n3A : memref<256xf32, #tpu.memory_space<vmem>>[vector<16xi32>], vector<16xf32>,
    %mul3A_28 = arith.constant 2 : i32
    %mul3A_29 = vector.broadcast %mul3A_28 : i32 to vector<16xi32>
    %mul3A_30 = arith.muli %mul3A_29, %iota3A : vector<16xi32>
    %add3A_31 = arith.constant 0 : i32
    %add3A_32 = vector.broadcast %add3A_31 : i32 to vector<16xi32>
    %add3A_33 = arith.addi %add3A_32, %mul3A_30 : vector<16xi32>
    %add3A_34 = arith.constant 1 : i32
    %add3A_35 = vector.broadcast %add3A_34 : i32 to vector<16xi32>
    %add3A_36 = arith.addi %add3A_33, %add3A_35 : vector<16xi32>
    tpu.vector_store_idx %arg9[%add3A_36], %select_n3A_21 : memref<256xf32, #tpu.memory_space<vmem>>[vector<16xi32>], vector<16xf32>,
    %get3A_37 = arith.constant 16 : index
    %get3A_38 = tpu.vector_load %arg7[%get3A_37] {strides = array<i32>} : memref<128xi32, #tpu.memory_space<vmem>>, vector<16xi32>,
    %max3A_39 = arith.constant 0 : i32
    %max3A_40 = vector.broadcast %max3A_39 : i32 to vector<16xi32>
    %max3A_41 = arith.maxsi %get3A_38, %max3A_40 : vector<16xi32>
    %get3A_42 = arith.constant 16 : index
    %get3A_43 = tpu.vector_load %arg8[%get3A_42] {strides = array<i32>} : memref<128xi32, #tpu.memory_space<vmem>>, vector<16xi32>,
    %ne3A_44 = arith.constant 0 : i32
    %ne3A_45 = vector.broadcast %ne3A_44 : i32 to vector<16xi32>
    %ne3A_46 = arith.cmpi ne, %get3A_43, %ne3A_45 : vector<16xi32>
    %mul3A_47 = arith.constant 2 : i32
    %mul3A_48 = vector.broadcast %mul3A_47 : i32 to vector<16xi32>
    %mul3A_49 = arith.muli %mul3A_48, %max3A_41 : vector<16xi32>
    %gather3A_50 = tpu.vector_load_idx %arg6[%mul3A_49] : memref<8192xf32, #tpu.memory_space<vmem>>[vector<16xi32>], vector<16xf32>,
    %mul3A_51 = arith.constant 2 : i32
    %mul3A_52 = vector.broadcast %mul3A_51 : i32 to vector<16xi32>
    %mul3A_53 = arith.muli %mul3A_52, %max3A_41 : vector<16xi32>
    %add3A_54 = arith.constant 1 : i32
    %add3A_55 = vector.broadcast %add3A_54 : i32 to vector<16xi32>
    %add3A_56 = arith.addi %mul3A_53, %add3A_55 : vector<16xi32>
    %gather3A_57 = tpu.vector_load_idx %arg6[%add3A_56] : memref<8192xf32, #tpu.memory_space<vmem>>[vector<16xi32>], vector<16xf32>,
    %select_n3A_58 = arith.select %ne3A_46, %gather3A_50, %broadcast_in_dim3A_3 : vector<16xi1>, vector<16xf32>
    %select_n3A_59 = arith.select %ne3A_46, %gather3A_57, %broadcast_in_dim3A_3 : vector<16xi1>, vector<16xf32>
    %mul3A_60 = arith.constant 2 : i32
    %mul3A_61 = vector.broadcast %mul3A_60 : i32 to vector<16xi32>
    %mul3A_62 = arith.muli %mul3A_61, %iota3A : vector<16xi32>
    %add3A_63 = arith.constant 32 : i32
    %add3A_64 = vector.broadcast %add3A_63 : i32 to vector<16xi32>
    %add3A_65 = arith.addi %add3A_64, %mul3A_62 : vector<16xi32>
    tpu.vector_store_idx %arg9[%add3A_65], %select_n3A_58 : memref<256xf32, #tpu.memory_space<vmem>>[vector<16xi32>], vector<16xf32>,
    %mul3A_66 = arith.constant 2 : i32
    %mul3A_67 = vector.broadcast %mul3A_66 : i32 to vector<16xi32>
    %mul3A_68 = arith.muli %mul3A_67, %iota3A : vector<16xi32>
    %add3A_69 = arith.constant 32 : i32
    %add3A_70 = vector.broadcast %add3A_69 : i32 to vector<16xi32>
    %add3A_71 = arith.addi %add3A_70, %mul3A_68 : vector<16xi32>
    %add3A_72 = arith.constant 1 : i32
    %add3A_73 = vector.broadcast %add3A_72 : i32 to vector<16xi32>
    %add3A_74 = arith.addi %add3A_71, %add3A_73 : vector<16xi32>
    tpu.vector_store_idx %arg9[%add3A_74], %select_n3A_59 : memref<256xf32, #tpu.memory_space<vmem>>[vector<16xi32>], vector<16xf32>,
    %get3A_75 = arith.constant 32 : index
    %get3A_76 = tpu.vector_load %arg7[%get3A_75] {strides = array<i32>} : memref<128xi32, #tpu.memory_space<vmem>>, vector<16xi32>,
    %max3A_77 = arith.constant 0 : i32
    %max3A_78 = vector.broadcast %max3A_77 : i32 to vector<16xi32>
    %max3A_79 = arith.maxsi %get3A_76, %max3A_78 : vector<16xi32>
    %get3A_80 = arith.constant 32 : index
    %get3A_81 = tpu.vector_load %arg8[%get3A_80] {strides = array<i32>} : memref<128xi32, #tpu.memory_space<vmem>>, vector<16xi32>,
    %ne3A_82 = arith.constant 0 : i32
    %ne3A_83 = vector.broadcast %ne3A_82 : i32 to vector<16xi32>
    %ne3A_84 = arith.cmpi ne, %get3A_81, %ne3A_83 : vector<16xi32>
    %mul3A_85 = arith.constant 2 : i32
    %mul3A_86 = vector.broadcast %mul3A_85 : i32 to vector<16xi32>
    %mul3A_87 = arith.muli %mul3A_86, %max3A_79 : vector<16xi32>
    %gather3A_88 = tpu.vector_load_idx %arg6[%mul3A_87] : memref<8192xf32, #tpu.memory_space<vmem>>[vector<16xi32>], vector<16xf32>,
    %mul3A_89 = arith.constant 2 : i32
    %mul3A_90 = vector.broadcast %mul3A_89 : i32 to vector<16xi32>
    %mul3A_91 = arith.muli %mul3A_90, %max3A_79 : vector<16xi32>
    %add3A_92 = arith.constant 1 : i32
    %add3A_93 = vector.broadcast %add3A_92 : i32 to vector<16xi32>
    %add3A_94 = arith.addi %mul3A_91, %add3A_93 : vector<16xi32>
    %gather3A_95 = tpu.vector_load_idx %arg6[%add3A_94] : memref<8192xf32, #tpu.memory_space<vmem>>[vector<16xi32>], vector<16xf32>,
    %select_n3A_96 = arith.select %ne3A_84, %gather3A_88, %broadcast_in_dim3A_3 : vector<16xi1>, vector<16xf32>
    %select_n3A_97 = arith.select %ne3A_84, %gather3A_95, %broadcast_in_dim3A_3 : vector<16xi1>, vector<16xf32>
    %mul3A_98 = arith.constant 2 : i32
    %mul3A_99 = vector.broadcast %mul3A_98 : i32 to vector<16xi32>
    %mul3A_100 = arith.muli %mul3A_99, %iota3A : vector<16xi32>
    %add3A_101 = arith.constant 64 : i32
    %add3A_102 = vector.broadcast %add3A_101 : i32 to vector<16xi32>
    %add3A_103 = arith.addi %add3A_102, %mul3A_100 : vector<16xi32>
    tpu.vector_store_idx %arg9[%add3A_103], %select_n3A_96 : memref<256xf32, #tpu.memory_space<vmem>>[vector<16xi32>], vector<16xf32>,
    %mul3A_104 = arith.constant 2 : i32
    %mul3A_105 = vector.broadcast %mul3A_104 : i32 to vector<16xi32>
    %mul3A_106 = arith.muli %mul3A_105, %iota3A : vector<16xi32>
    %add3A_107 = arith.constant 64 : i32
    %add3A_108 = vector.broadcast %add3A_107 : i32 to vector<16xi32>
    %add3A_109 = arith.addi %add3A_108, %mul3A_106 : vector<16xi32>
    %add3A_110 = arith.constant 1 : i32
    %add3A_111 = vector.broadcast %add3A_110 : i32 to vector<16xi32>
    %add3A_112 = arith.addi %add3A_109, %add3A_111 : vector<16xi32>
    tpu.vector_store_idx %arg9[%add3A_112], %select_n3A_97 : memref<256xf32, #tpu.memory_space<vmem>>[vector<16xi32>], vector<16xf32>,
    %get3A_113 = arith.constant 48 : index
    %get3A_114 = tpu.vector_load %arg7[%get3A_113] {strides = array<i32>} : memref<128xi32, #tpu.memory_space<vmem>>, vector<16xi32>,
    %max3A_115 = arith.constant 0 : i32
    %max3A_116 = vector.broadcast %max3A_115 : i32 to vector<16xi32>
    %max3A_117 = arith.maxsi %get3A_114, %max3A_116 : vector<16xi32>
    %get3A_118 = arith.constant 48 : index
    %get3A_119 = tpu.vector_load %arg8[%get3A_118] {strides = array<i32>} : memref<128xi32, #tpu.memory_space<vmem>>, vector<16xi32>,
    %ne3A_120 = arith.constant 0 : i32
    %ne3A_121 = vector.broadcast %ne3A_120 : i32 to vector<16xi32>
    %ne3A_122 = arith.cmpi ne, %get3A_119, %ne3A_121 : vector<16xi32>
    %mul3A_123 = arith.constant 2 : i32
    %mul3A_124 = vector.broadcast %mul3A_123 : i32 to vector<16xi32>
    %mul3A_125 = arith.muli %mul3A_124, %max3A_117 : vector<16xi32>
    %gather3A_126 = tpu.vector_load_idx %arg6[%mul3A_125] : memref<8192xf32, #tpu.memory_space<vmem>>[vector<16xi32>], vector<16xf32>,
    %mul3A_127 = arith.constant 2 : i32
    %mul3A_128 = vector.broadcast %mul3A_127 : i32 to vector<16xi32>
    %mul3A_129 = arith.muli %mul3A_128, %max3A_117 : vector<16xi32>
    %add3A_130 = arith.constant 1 : i32
    %add3A_131 = vector.broadcast %add3A_130 : i32 to vector<16xi32>
    %add3A_132 = arith.addi %mul3A_129, %add3A_131 : vector<16xi32>
    %gather3A_133 = tpu.vector_load_idx %arg6[%add3A_132] : memref<8192xf32, #tpu.memory_space<vmem>>[vector<16xi32>], vector<16xf32>,
    %select_n3A_134 = arith.select %ne3A_122, %gather3A_126, %broadcast_in_dim3A_3 : vector<16xi1>, vector<16xf32>
    %select_n3A_135 = arith.select %ne3A_122, %gather3A_133, %broadcast_in_dim3A_3 : vector<16xi1>, vector<16xf32>
    %mul3A_136 = arith.constant 2 : i32
    %mul3A_137 = vector.broadcast %mul3A_136 : i32 to vector<16xi32>
    %mul3A_138 = arith.muli %mul3A_137, %iota3A : vector<16xi32>
    %add3A_139 = arith.constant 96 : i32
    %add3A_140 = vector.broadcast %add3A_139 : i32 to vector<16xi32>
    %add3A_141 = arith.addi %add3A_140, %mul3A_138 : vector<16xi32>
    tpu.vector_store_idx %arg9[%add3A_141], %select_n3A_134 : memref<256xf32, #tpu.memory_space<vmem>>[vector<16xi32>], vector<16xf32>,
    %mul3A_142 = arith.constant 2 : i32
    %mul3A_143 = vector.broadcast %mul3A_142 : i32 to vector<16xi32>
    %mul3A_144 = arith.muli %mul3A_143, %iota3A : vector<16xi32>
    %add3A_145 = arith.constant 96 : i32
    %add3A_146 = vector.broadcast %add3A_145 : i32 to vector<16xi32>
    %add3A_147 = arith.addi %add3A_146, %mul3A_144 : vector<16xi32>
    %add3A_148 = arith.constant 1 : i32
    %add3A_149 = vector.broadcast %add3A_148 : i32 to vector<16xi32>
    %add3A_150 = arith.addi %add3A_147, %add3A_149 : vector<16xi32>
    tpu.vector_store_idx %arg9[%add3A_150], %select_n3A_135 : memref<256xf32, #tpu.memory_space<vmem>>[vector<16xi32>], vector<16xf32>,
    %get3A_151 = arith.constant 64 : index
    %get3A_152 = tpu.vector_load %arg7[%get3A_151] {strides = array<i32>} : memref<128xi32, #tpu.memory_space<vmem>>, vector<16xi32>,
    %max3A_153 = arith.constant 0 : i32
    %max3A_154 = vector.broadcast %max3A_153 : i32 to vector<16xi32>
    %max3A_155 = arith.maxsi %get3A_152, %max3A_154 : vector<16xi32>
    %get3A_156 = arith.constant 64 : index
    %get3A_157 = tpu.vector_load %arg8[%get3A_156] {strides = array<i32>} : memref<128xi32, #tpu.memory_space<vmem>>, vector<16xi32>,
    %ne3A_158 = arith.constant 0 : i32
    %ne3A_159 = vector.broadcast %ne3A_158 : i32 to vector<16xi32>
    %ne3A_160 = arith.cmpi ne, %get3A_157, %ne3A_159 : vector<16xi32>
    %mul3A_161 = arith.constant 2 : i32
    %mul3A_162 = vector.broadcast %mul3A_161 : i32 to vector<16xi32>
    %mul3A_163 = arith.muli %mul3A_162, %max3A_155 : vector<16xi32>
    %gather3A_164 = tpu.vector_load_idx %arg6[%mul3A_163] : memref<8192xf32, #tpu.memory_space<vmem>>[vector<16xi32>], vector<16xf32>,
    %mul3A_165 = arith.constant 2 : i32
    %mul3A_166 = vector.broadcast %mul3A_165 : i32 to vector<16xi32>
    %mul3A_167 = arith.muli %mul3A_166, %max3A_155 : vector<16xi32>
    %add3A_168 = arith.constant 1 : i32
    %add3A_169 = vector.broadcast %add3A_168 : i32 to vector<16xi32>
    %add3A_170 = arith.addi %mul3A_167, %add3A_169 : vector<16xi32>
    %gather3A_171 = tpu.vector_load_idx %arg6[%add3A_170] : memref<8192xf32, #tpu.memory_space<vmem>>[vector<16xi32>], vector<16xf32>,
    %select_n3A_172 = arith.select %ne3A_160, %gather3A_164, %broadcast_in_dim3A_3 : vector<16xi1>, vector<16xf32>
    %select_n3A_173 = arith.select %ne3A_160, %gather3A_171, %broadcast_in_dim3A_3 : vector<16xi1>, vector<16xf32>
    %mul3A_174 = arith.constant 2 : i32
    %mul3A_175 = vector.broadcast %mul3A_174 : i32 to vector<16xi32>
    %mul3A_176 = arith.muli %mul3A_175, %iota3A : vector<16xi32>
    %add3A_177 = arith.constant 128 : i32
    %add3A_178 = vector.broadcast %add3A_177 : i32 to vector<16xi32>
    %add3A_179 = arith.addi %add3A_178, %mul3A_176 : vector<16xi32>
    tpu.vector_store_idx %arg9[%add3A_179], %select_n3A_172 : memref<256xf32, #tpu.memory_space<vmem>>[vector<16xi32>], vector<16xf32>,
    %mul3A_180 = arith.constant 2 : i32
    %mul3A_181 = vector.broadcast %mul3A_180 : i32 to vector<16xi32>
    %mul3A_182 = arith.muli %mul3A_181, %iota3A : vector<16xi32>
    %add3A_183 = arith.constant 128 : i32
    %add3A_184 = vector.broadcast %add3A_183 : i32 to vector<16xi32>
    %add3A_185 = arith.addi %add3A_184, %mul3A_182 : vector<16xi32>
    %add3A_186 = arith.constant 1 : i32
    %add3A_187 = vector.broadcast %add3A_186 : i32 to vector<16xi32>
    %add3A_188 = arith.addi %add3A_185, %add3A_187 : vector<16xi32>
    tpu.vector_store_idx %arg9[%add3A_188], %select_n3A_173 : memref<256xf32, #tpu.memory_space<vmem>>[vector<16xi32>], vector<16xf32>,
    %get3A_189 = arith.constant 80 : index
    %get3A_190 = tpu.vector_load %arg7[%get3A_189] {strides = array<i32>} : memref<128xi32, #tpu.memory_space<vmem>>, vector<16xi32>,
    %max3A_191 = arith.constant 0 : i32
    %max3A_192 = vector.broadcast %max3A_191 : i32 to vector<16xi32>
    %max3A_193 = arith.maxsi %get3A_190, %max3A_192 : vector<16xi32>
    %get3A_194 = arith.constant 80 : index
    %get3A_195 = tpu.vector_load %arg8[%get3A_194] {strides = array<i32>} : memref<128xi32, #tpu.memory_space<vmem>>, vector<16xi32>,
    %ne3A_196 = arith.constant 0 : i32
    %ne3A_197 = vector.broadcast %ne3A_196 : i32 to vector<16xi32>
    %ne3A_198 = arith.cmpi ne, %get3A_195, %ne3A_197 : vector<16xi32>
    %mul3A_199 = arith.constant 2 : i32
    %mul3A_200 = vector.broadcast %mul3A_199 : i32 to vector<16xi32>
    %mul3A_201 = arith.muli %mul3A_200, %max3A_193 : vector<16xi32>
    %gather3A_202 = tpu.vector_load_idx %arg6[%mul3A_201] : memref<8192xf32, #tpu.memory_space<vmem>>[vector<16xi32>], vector<16xf32>,
    %mul3A_203 = arith.constant 2 : i32
    %mul3A_204 = vector.broadcast %mul3A_203 : i32 to vector<16xi32>
    %mul3A_205 = arith.muli %mul3A_204, %max3A_193 : vector<16xi32>
    %add3A_206 = arith.constant 1 : i32
    %add3A_207 = vector.broadcast %add3A_206 : i32 to vector<16xi32>
    %add3A_208 = arith.addi %mul3A_205, %add3A_207 : vector<16xi32>
    %gather3A_209 = tpu.vector_load_idx %arg6[%add3A_208] : memref<8192xf32, #tpu.memory_space<vmem>>[vector<16xi32>], vector<16xf32>,
    %select_n3A_210 = arith.select %ne3A_198, %gather3A_202, %broadcast_in_dim3A_3 : vector<16xi1>, vector<16xf32>
    %select_n3A_211 = arith.select %ne3A_198, %gather3A_209, %broadcast_in_dim3A_3 : vector<16xi1>, vector<16xf32>
    %mul3A_212 = arith.constant 2 : i32
    %mul3A_213 = vector.broadcast %mul3A_212 : i32 to vector<16xi32>
    %mul3A_214 = arith.muli %mul3A_213, %iota3A : vector<16xi32>
    %add3A_215 = arith.constant 160 : i32
    %add3A_216 = vector.broadcast %add3A_215 : i32 to vector<16xi32>
    %add3A_217 = arith.addi %add3A_216, %mul3A_214 : vector<16xi32>
    tpu.vector_store_idx %arg9[%add3A_217], %select_n3A_210 : memref<256xf32, #tpu.memory_space<vmem>>[vector<16xi32>], vector<16xf32>,
    %mul3A_218 = arith.constant 2 : i32
    %mul3A_219 = vector.broadcast %mul3A_218 : i32 to vector<16xi32>
    %mul3A_220 = arith.muli %mul3A_219, %iota3A : vector<16xi32>
    %add3A_221 = arith.constant 160 : i32
    %add3A_222 = vector.broadcast %add3A_221 : i32 to vector<16xi32>
    %add3A_223 = arith.addi %add3A_222, %mul3A_220 : vector<16xi32>
    %add3A_224 = arith.constant 1 : i32
    %add3A_225 = vector.broadcast %add3A_224 : i32 to vector<16xi32>
    %add3A_226 = arith.addi %add3A_223, %add3A_225 : vector<16xi32>
    tpu.vector_store_idx %arg9[%add3A_226], %select_n3A_211 : memref<256xf32, #tpu.memory_space<vmem>>[vector<16xi32>], vector<16xf32>,
    %get3A_227 = arith.constant 96 : index
    %get3A_228 = tpu.vector_load %arg7[%get3A_227] {strides = array<i32>} : memref<128xi32, #tpu.memory_space<vmem>>, vector<16xi32>,
    %max3A_229 = arith.constant 0 : i32
    %max3A_230 = vector.broadcast %max3A_229 : i32 to vector<16xi32>
    %max3A_231 = arith.maxsi %get3A_228, %max3A_230 : vector<16xi32>
    %get3A_232 = arith.constant 96 : index
    %get3A_233 = tpu.vector_load %arg8[%get3A_232] {strides = array<i32>} : memref<128xi32, #tpu.memory_space<vmem>>, vector<16xi32>,
    %ne3A_234 = arith.constant 0 : i32
    %ne3A_235 = vector.broadcast %ne3A_234 : i32 to vector<16xi32>
    %ne3A_236 = arith.cmpi ne, %get3A_233, %ne3A_235 : vector<16xi32>
    %mul3A_237 = arith.constant 2 : i32
    %mul3A_238 = vector.broadcast %mul3A_237 : i32 to vector<16xi32>
    %mul3A_239 = arith.muli %mul3A_238, %max3A_231 : vector<16xi32>
    %gather3A_240 = tpu.vector_load_idx %arg6[%mul3A_239] : memref<8192xf32, #tpu.memory_space<vmem>>[vector<16xi32>], vector<16xf32>,
    %mul3A_241 = arith.constant 2 : i32
    %mul3A_242 = vector.broadcast %mul3A_241 : i32 to vector<16xi32>
    %mul3A_243 = arith.muli %mul3A_242, %max3A_231 : vector<16xi32>
    %add3A_244 = arith.constant 1 : i32
    %add3A_245 = vector.broadcast %add3A_244 : i32 to vector<16xi32>
    %add3A_246 = arith.addi %mul3A_243, %add3A_245 : vector<16xi32>
    %gather3A_247 = tpu.vector_load_idx %arg6[%add3A_246] : memref<8192xf32, #tpu.memory_space<vmem>>[vector<16xi32>], vector<16xf32>,
    %select_n3A_248 = arith.select %ne3A_236, %gather3A_240, %broadcast_in_dim3A_3 : vector<16xi1>, vector<16xf32>
    %select_n3A_249 = arith.select %ne3A_236, %gather3A_247, %broadcast_in_dim3A_3 : vector<16xi1>, vector<16xf32>
    %mul3A_250 = arith.constant 2 : i32
    %mul3A_251 = vector.broadcast %mul3A_250 : i32 to vector<16xi32>
    %mul3A_252 = arith.muli %mul3A_251, %iota3A : vector<16xi32>
    %add3A_253 = arith.constant 192 : i32
    %add3A_254 = vector.broadcast %add3A_253 : i32 to vector<16xi32>
    %add3A_255 = arith.addi %add3A_254, %mul3A_252 : vector<16xi32>
    tpu.vector_store_idx %arg9[%add3A_255], %select_n3A_248 : memref<256xf32, #tpu.memory_space<vmem>>[vector<16xi32>], vector<16xf32>,
    %mul3A_256 = arith.constant 2 : i32
    %mul3A_257 = vector.broadcast %mul3A_256 : i32 to vector<16xi32>
    %mul3A_258 = arith.muli %mul3A_257, %iota3A : vector<16xi32>
    %add3A_259 = arith.constant 192 : i32
    %add3A_260 = vector.broadcast %add3A_259 : i32 to vector<16xi32>
    %add3A_261 = arith.addi %add3A_260, %mul3A_258 : vector<16xi32>
    %add3A_262 = arith.constant 1 : i32
    %add3A_263 = vector.broadcast %add3A_262 : i32 to vector<16xi32>
    %add3A_264 = arith.addi %add3A_261, %add3A_263 : vector<16xi32>
    tpu.vector_store_idx %arg9[%add3A_264], %select_n3A_249 : memref<256xf32, #tpu.memory_space<vmem>>[vector<16xi32>], vector<16xf32>,
    %get3A_265 = arith.constant 112 : index
    %get3A_266 = tpu.vector_load %arg7[%get3A_265] {strides = array<i32>} : memref<128xi32, #tpu.memory_space<vmem>>, vector<16xi32>,
    %max3A_267 = arith.constant 0 : i32
    %max3A_268 = vector.broadcast %max3A_267 : i32 to vector<16xi32>
    %max3A_269 = arith.maxsi %get3A_266, %max3A_268 : vector<16xi32>
    %get3A_270 = arith.constant 112 : index
    %get3A_271 = tpu.vector_load %arg8[%get3A_270] {strides = array<i32>} : memref<128xi32, #tpu.memory_space<vmem>>, vector<16xi32>,
    %ne3A_272 = arith.constant 0 : i32
    %ne3A_273 = vector.broadcast %ne3A_272 : i32 to vector<16xi32>
    %ne3A_274 = arith.cmpi ne, %get3A_271, %ne3A_273 : vector<16xi32>
    %mul3A_275 = arith.constant 2 : i32
    %mul3A_276 = vector.broadcast %mul3A_275 : i32 to vector<16xi32>
    %mul3A_277 = arith.muli %mul3A_276, %max3A_269 : vector<16xi32>
    %gather3A_278 = tpu.vector_load_idx %arg6[%mul3A_277] : memref<8192xf32, #tpu.memory_space<vmem>>[vector<16xi32>], vector<16xf32>,
    %mul3A_279 = arith.constant 2 : i32
    %mul3A_280 = vector.broadcast %mul3A_279 : i32 to vector<16xi32>
    %mul3A_281 = arith.muli %mul3A_280, %max3A_269 : vector<16xi32>
    %add3A_282 = arith.constant 1 : i32
    %add3A_283 = vector.broadcast %add3A_282 : i32 to vector<16xi32>
    %add3A_284 = arith.addi %mul3A_281, %add3A_283 : vector<16xi32>
    %gather3A_285 = tpu.vector_load_idx %arg6[%add3A_284] : memref<8192xf32, #tpu.memory_space<vmem>>[vector<16xi32>], vector<16xf32>,
    %select_n3A_286 = arith.select %ne3A_274, %gather3A_278, %broadcast_in_dim3A_3 : vector<16xi1>, vector<16xf32>
    %select_n3A_287 = arith.select %ne3A_274, %gather3A_285, %broadcast_in_dim3A_3 : vector<16xi1>, vector<16xf32>
    %mul3A_288 = arith.constant 2 : i32
    %mul3A_289 = vector.broadcast %mul3A_288 : i32 to vector<16xi32>
    %mul3A_290 = arith.muli %mul3A_289, %iota3A : vector<16xi32>
    %add3A_291 = arith.constant 224 : i32
    %add3A_292 = vector.broadcast %add3A_291 : i32 to vector<16xi32>
    %add3A_293 = arith.addi %add3A_292, %mul3A_290 : vector<16xi32>
    tpu.vector_store_idx %arg9[%add3A_293], %select_n3A_286 : memref<256xf32, #tpu.memory_space<vmem>>[vector<16xi32>], vector<16xf32>,
    %mul3A_294 = arith.constant 2 : i32
    %mul3A_295 = vector.broadcast %mul3A_294 : i32 to vector<16xi32>
    %mul3A_296 = arith.muli %mul3A_295, %iota3A : vector<16xi32>
    %add3A_297 = arith.constant 224 : i32
    %add3A_298 = vector.broadcast %add3A_297 : i32 to vector<16xi32>
    %add3A_299 = arith.addi %add3A_298, %mul3A_296 : vector<16xi32>
    %add3A_300 = arith.constant 1 : i32
    %add3A_301 = vector.broadcast %add3A_300 : i32 to vector<16xi32>
    %add3A_302 = arith.addi %add3A_299, %add3A_301 : vector<16xi32>
    tpu.vector_store_idx %arg9[%add3A_302], %select_n3A_287 : memref<256xf32, #tpu.memory_space<vmem>>[vector<16xi32>], vector<16xf32>,
    %mul3A_303 = arith.constant 2 : i32
    %mul3A_304 = arith.muli %mul3A_2, %mul3A_303 : i32
    "tpu.region"() ({
      %run_scoped3A = tpu.sem_alloc : memref<!tpu.dma_semaphore, #tpu.memory_space<semaphore_mem>>
      %dma_start3A = tpu.memref_slice %arg5[%mul3A_304] : memref<8192xf32, #tpu.memory_space<hbm>> -> memref<256xf32, #tpu.memory_space<hbm>>
      %dma_start3A_305 = tpu.memref_slice %arg5[%mul3A_304] : memref<8192xf32, #tpu.memory_space<hbm>> -> memref<256xf32, #tpu.memory_space<hbm>>
      tpu.enqueue_dma source(%arg9 : memref<256xf32, #tpu.memory_space<vmem>>) target(%dma_start3A_305 : memref<256xf32, #tpu.memory_space<hbm>>) target_semaphore(%run_scoped3A : memref<!tpu.dma_semaphore, #tpu.memory_space<semaphore_mem>>)
      %dma_wait3A = tpu.memref_slice %arg5[%mul3A_304] : memref<8192xf32, #tpu.memory_space<hbm>> -> memref<256xf32, #tpu.memory_space<hbm>>
      %dma_wait3A_306 = tpu.memref_slice %arg5[%mul3A_304] : memref<8192xf32, #tpu.memory_space<hbm>> -> memref<256xf32, #tpu.memory_space<hbm>>
      tpu.wait_dma2 semaphore(%run_scoped3A : memref<!tpu.dma_semaphore, #tpu.memory_space<semaphore_mem>>) src(%arg9 : memref<256xf32, #tpu.memory_space<vmem>>) dst(%dma_wait3A_306 : memref<256xf32, #tpu.memory_space<hbm>>)
      tpu.yield
    }) : () -> ()
    return
  }
}

#map = affine_map<(d0, d1) -> (0)>
#map1 = affine_map<(d0, d1) -> (0, 0)>
module attributes {stable_mosaic.version = 14 : i64} {
  func.func @_route_kernel(%arg0: i32, %arg1: i32, %arg2: memref<4096xi32, #tpu.memory_space<hbm>>, %arg3: memref<4096x2048xf32, #tpu.memory_space<hbm>>, %arg4: memref<4096x2048xf32, #tpu.memory_space<hbm>>, %arg5: memref<4096xi32, #tpu.memory_space<hbm>>, %arg6: memref<16xi32, #tpu.memory_space<hbm>>, %arg7: memref<4096xi32, #tpu.memory_space<vmem>>, %arg8: memref<128xi32, #tpu.memory_space<vmem>>, %arg9: memref<128xi32, #tpu.memory_space<vmem>>, %arg10: memref<4x32xi32, #tpu.memory_space<vmem>>, %arg11: memref<32x2048xf32, #tpu.memory_space<vmem>>, %arg12: memref<16xi32, #tpu.memory_space<vmem>>, %arg13: memref<!tpu.dma_semaphore, #tpu.memory_space<semaphore_mem>>, %arg14: memref<!tpu.dma_semaphore, #tpu.memory_space<semaphore_mem>>) attributes {dimension_semantics = [#tpu.dimension_semantics<core_parallel>, #tpu.dimension_semantics<subcore_parallel>], iteration_bounds = array<i64: 2, 16>, scalar_prefetch = 0 : i64, scratch_operands = 8 : i64, tpu.core_type = #tpu.core_type<sc_vector_subcore>, window_params = [{transform_indices = #map}, {transform_indices = #map1}, {transform_indices = #map1}, {transform_indices = #map}, {transform_indices = #map}]} {
    %mul3A = arith.constant 2 : i32
    %mul3A_0 = arith.muli %arg1, %mul3A : i32
    %add3A = arith.addi %mul3A_0, %arg0 : i32
    %mul3A_1 = arith.constant 128 : i32
    %mul3A_2 = arith.muli %add3A, %mul3A_1 : i32
    "tpu.region"() ({
      %run_scoped3A = tpu.sem_alloc : memref<!tpu.dma_semaphore, #tpu.memory_space<semaphore_mem>>
      tpu.enqueue_dma source(%arg2 : memref<4096xi32, #tpu.memory_space<hbm>>) target(%arg7 : memref<4096xi32, #tpu.memory_space<vmem>>) target_semaphore(%run_scoped3A : memref<!tpu.dma_semaphore, #tpu.memory_space<semaphore_mem>>)
      tpu.wait_dma2 semaphore(%run_scoped3A : memref<!tpu.dma_semaphore, #tpu.memory_space<semaphore_mem>>) src(%arg2 : memref<4096xi32, #tpu.memory_space<hbm>>) dst(%arg7 : memref<4096xi32, #tpu.memory_space<vmem>>)
      tpu.yield
    }) : () -> ()
    %mul3A_3 = arith.constant 8 : i32
    %mul3A_4 = arith.muli %add3A, %mul3A_3 : i32
    %while3A = arith.constant 0 : i32
    %while3A_5 = arith.constant 0 : i32
    %while3A_6 = arith.subi %mul3A_4, %while3A : i32
    %while3A_7 = arith.addi %while3A, %while3A_6 : i32
    %while3A_8 = arith.constant 1 : i32
    %while3A_9 = arith.divsi %while3A_6, %while3A_8 : i32
    %while3A_10 = arith.muli %while3A_9, %while3A_8 : i32
    %while3A_11 = arith.addi %while3A, %while3A_10 : i32
    %while3A_12 = arith.constant 1 : i32
    %while3A_13 = scf.for %while3A_413 = %while3A to %while3A_11 step %while3A_12 iter_args(%while3A_414 = %while3A_5) -> (i32)  : i32 {
      %mul3A_415 = arith.constant 16 : i32
      %mul3A_416 = arith.muli %while3A_413, %mul3A_415 : i32
      %get3A_417 = arith.index_cast %mul3A_416 : i32 to index
      %get3A_418 = tpu.vector_load %arg7[%get3A_417] {strides = array<i32>} : memref<4096xi32, #tpu.memory_space<vmem>>, vector<16xi32>,
      %reduce_sum3A_419 = arith.constant true
      %reduce_sum3A_420 = vector.broadcast %reduce_sum3A_419 : i1 to vector<16xi1>
      %reduce_sum3A_421 = tpu.scan <sum>, %get3A_418 masked %reduce_sum3A_420 : vector<16xi32>, vector<16xi1> -> vector<16xi32>
      %reduce_sum3A_422 = vector.extract %reduce_sum3A_421[15] : i32 from vector<16xi32>
      %add3A_423 = arith.addi %while3A_414, %reduce_sum3A_422 : i32
      scf.yield %add3A_423 : i32
    }
    %while3A_14 = arith.constant 1 : i32
    %while3A_15 = scf.for %while3A_413 = %while3A_11 to %while3A_7 step %while3A_14 iter_args(%while3A_414 = %while3A_13) -> (i32)  : i32 {
      %mul3A_415 = arith.constant 16 : i32
      %mul3A_416 = arith.muli %while3A_413, %mul3A_415 : i32
      %get3A_417 = arith.index_cast %mul3A_416 : i32 to index
      %get3A_418 = tpu.vector_load %arg7[%get3A_417] {strides = array<i32>} : memref<4096xi32, #tpu.memory_space<vmem>>, vector<16xi32>,
      %reduce_sum3A_419 = arith.constant true
      %reduce_sum3A_420 = vector.broadcast %reduce_sum3A_419 : i1 to vector<16xi1>
      %reduce_sum3A_421 = tpu.scan <sum>, %get3A_418 masked %reduce_sum3A_420 : vector<16xi32>, vector<16xi1> -> vector<16xi32>
      %reduce_sum3A_422 = vector.extract %reduce_sum3A_421[15] : i32 from vector<16xi32>
      %add3A_423 = arith.addi %while3A_414, %reduce_sum3A_422 : i32
      scf.yield %add3A_423 : i32
    }
    %scan3A = arith.constant 0 : i32
    %scan3A_16 = arith.constant 0 : i32
    %scan3A_17 = arith.constant 256 : i32
    %scan3A_18 = arith.addi %scan3A_16, %scan3A_17 : i32
    %scan3A_19 = arith.constant 1 : i32
    %scan3A_20 = scf.for %scan3A_413 = %scan3A_16 to %scan3A_18 step %scan3A_19 iter_args(%scan3A_414 = %scan3A) -> (i32)  : i32 {
      %mul3A_415 = arith.constant 16 : i32
      %mul3A_416 = arith.muli %scan3A_413, %mul3A_415 : i32
      %get3A_417 = arith.index_cast %mul3A_416 : i32 to index
      %get3A_418 = tpu.vector_load %arg7[%get3A_417] {strides = array<i32>} : memref<4096xi32, #tpu.memory_space<vmem>>, vector<16xi32>,
      %reduce_sum3A_419 = arith.constant true
      %reduce_sum3A_420 = vector.broadcast %reduce_sum3A_419 : i1 to vector<16xi1>
      %reduce_sum3A_421 = tpu.scan <sum>, %get3A_418 masked %reduce_sum3A_420 : vector<16xi32>, vector<16xi1> -> vector<16xi32>
      %reduce_sum3A_422 = vector.extract %reduce_sum3A_421[15] : i32 from vector<16xi32>
      %add3A_423 = arith.addi %scan3A_414, %reduce_sum3A_422 : i32
      scf.yield %add3A_423 : i32
    }
    %scan3A_21 = arith.constant 256 : i32
    %broadcast_in_dim3A = arith.constant 0 : i32
    %broadcast_in_dim3A_22 = vector.broadcast %broadcast_in_dim3A : i32 to vector<16xi32>
    %swap3A = arith.constant 0 : index
    %swap3A_23 = tpu.vector_load %arg8[%swap3A] {strides = array<i32>} : memref<128xi32, #tpu.memory_space<vmem>>, vector<16xi32>,
    tpu.vector_store %arg8[%swap3A], %broadcast_in_dim3A_22 {strides = array<i32>} : memref<128xi32, #tpu.memory_space<vmem>>, vector<16xi32>,
    %swap3A_24 = arith.constant 16 : index
    %swap3A_25 = tpu.vector_load %arg8[%swap3A_24] {strides = array<i32>} : memref<128xi32, #tpu.memory_space<vmem>>, vector<16xi32>,
    tpu.vector_store %arg8[%swap3A_24], %broadcast_in_dim3A_22 {strides = array<i32>} : memref<128xi32, #tpu.memory_space<vmem>>, vector<16xi32>,
    %swap3A_26 = arith.constant 32 : index
    %swap3A_27 = tpu.vector_load %arg8[%swap3A_26] {strides = array<i32>} : memref<128xi32, #tpu.memory_space<vmem>>, vector<16xi32>,
    tpu.vector_store %arg8[%swap3A_26], %broadcast_in_dim3A_22 {strides = array<i32>} : memref<128xi32, #tpu.memory_space<vmem>>, vector<16xi32>,
    %swap3A_28 = arith.constant 48 : index
    %swap3A_29 = tpu.vector_load %arg8[%swap3A_28] {strides = array<i32>} : memref<128xi32, #tpu.memory_space<vmem>>, vector<16xi32>,
    tpu.vector_store %arg8[%swap3A_28], %broadcast_in_dim3A_22 {strides = array<i32>} : memref<128xi32, #tpu.memory_space<vmem>>, vector<16xi32>,
    %swap3A_30 = arith.constant 64 : index
    %swap3A_31 = tpu.vector_load %arg8[%swap3A_30] {strides = array<i32>} : memref<128xi32, #tpu.memory_space<vmem>>, vector<16xi32>,
    tpu.vector_store %arg8[%swap3A_30], %broadcast_in_dim3A_22 {strides = array<i32>} : memref<128xi32, #tpu.memory_space<vmem>>, vector<16xi32>,
    %swap3A_32 = arith.constant 80 : index
    %swap3A_33 = tpu.vector_load %arg8[%swap3A_32] {strides = array<i32>} : memref<128xi32, #tpu.memory_space<vmem>>, vector<16xi32>,
    tpu.vector_store %arg8[%swap3A_32], %broadcast_in_dim3A_22 {strides = array<i32>} : memref<128xi32, #tpu.memory_space<vmem>>, vector<16xi32>,
    %swap3A_34 = arith.constant 96 : index
    %swap3A_35 = tpu.vector_load %arg8[%swap3A_34] {strides = array<i32>} : memref<128xi32, #tpu.memory_space<vmem>>, vector<16xi32>,
    tpu.vector_store %arg8[%swap3A_34], %broadcast_in_dim3A_22 {strides = array<i32>} : memref<128xi32, #tpu.memory_space<vmem>>, vector<16xi32>,
    %swap3A_36 = arith.constant 112 : index
    %swap3A_37 = tpu.vector_load %arg8[%swap3A_36] {strides = array<i32>} : memref<128xi32, #tpu.memory_space<vmem>>, vector<16xi32>,
    tpu.vector_store %arg8[%swap3A_36], %broadcast_in_dim3A_22 {strides = array<i32>} : memref<128xi32, #tpu.memory_space<vmem>>, vector<16xi32>,
    %iota3A = tpu.iota {dimensions = array<i32: 0>} : vector<16xi32>
    %add3A_38 = arith.constant 0 : i32
    %add3A_39 = arith.addi %mul3A_2, %add3A_38 : i32
    %get3A = arith.index_cast %add3A_39 : i32 to index
    %get3A_40 = tpu.vector_load %arg7[%get3A] {strides = array<i32>} : memref<4096xi32, #tpu.memory_space<vmem>>, vector<16xi32>,
    %broadcast_in_dim3A_41 = arith.constant true
    %broadcast_in_dim3A_42 = vector.broadcast %broadcast_in_dim3A_41 : i1 to vector<16xi1>
    %masked_cumsum3A = tpu.scan <sum>, %get3A_40 masked %broadcast_in_dim3A_42 : vector<16xi32>, vector<16xi1> -> vector<16xi32>
    %add3A_43 = arith.constant 0 : i32
    %add3A_44 = vector.broadcast %add3A_43 : i32 to vector<16xi32>
    %add3A_45 = arith.addi %masked_cumsum3A, %add3A_44 : vector<16xi32>
    %add3A_46 = vector.broadcast %while3A_15 : i32 to vector<16xi32>
    %add3A_47 = arith.addi %add3A_45, %add3A_46 : vector<16xi32>
    %sub3A = arith.constant 1 : i32
    %sub3A_48 = vector.broadcast %sub3A : i32 to vector<16xi32>
    %sub3A_49 = arith.subi %add3A_47, %sub3A_48 : vector<16xi32>
    %swap3A_50 = arith.constant 0 : index
    %swap3A_51 = tpu.vector_load %arg9[%swap3A_50] {strides = array<i32>} : memref<128xi32, #tpu.memory_space<vmem>>, vector<16xi32>,
    tpu.vector_store %arg9[%swap3A_50], %sub3A_49 {strides = array<i32>} : memref<128xi32, #tpu.memory_space<vmem>>, vector<16xi32>,
    %ne3A = arith.constant 0 : i32
    %ne3A_52 = vector.broadcast %ne3A : i32 to vector<16xi32>
    %ne3A_53 = arith.cmpi ne, %get3A_40, %ne3A_52 : vector<16xi32>
    %add3A_54 = arith.constant 0 : i32
    %add3A_55 = arith.addi %mul3A_2, %add3A_54 : i32
    %add3A_56 = vector.broadcast %add3A_55 : i32 to vector<16xi32>
    %add3A_57 = arith.addi %iota3A, %add3A_56 : vector<16xi32>
    %sub3A_58 = arith.constant 1 : i32
    %sub3A_59 = vector.broadcast %sub3A_58 : i32 to vector<16xi32>
    %sub3A_60 = arith.subi %add3A_45, %sub3A_59 : vector<16xi32>
    tpu.vector_store_idx %arg8[%sub3A_60], %add3A_57 masked %ne3A_53 : memref<128xi32, #tpu.memory_space<vmem>>[vector<16xi32>], vector<16xi32>, vector<16xi1>
    %reduce_sum3A = arith.constant true
    %reduce_sum3A_61 = vector.broadcast %reduce_sum3A : i1 to vector<16xi1>
    %reduce_sum3A_62 = tpu.scan <sum>, %get3A_40 masked %reduce_sum3A_61 : vector<16xi32>, vector<16xi1> -> vector<16xi32>
    %reduce_sum3A_63 = vector.extract %reduce_sum3A_62[15] : i32 from vector<16xi32>
    %add3A_64 = arith.constant 0 : i32
    %add3A_65 = arith.addi %add3A_64, %reduce_sum3A_63 : i32
    %add3A_66 = arith.constant 16 : i32
    %add3A_67 = arith.addi %mul3A_2, %add3A_66 : i32
    %get3A_68 = arith.index_cast %add3A_67 : i32 to index
    %get3A_69 = tpu.vector_load %arg7[%get3A_68] {strides = array<i32>} : memref<4096xi32, #tpu.memory_space<vmem>>, vector<16xi32>,
    %broadcast_in_dim3A_70 = arith.constant true
    %broadcast_in_dim3A_71 = vector.broadcast %broadcast_in_dim3A_70 : i1 to vector<16xi1>
    %masked_cumsum3A_72 = tpu.scan <sum>, %get3A_69 masked %broadcast_in_dim3A_71 : vector<16xi32>, vector<16xi1> -> vector<16xi32>
    %add3A_73 = vector.broadcast %add3A_65 : i32 to vector<16xi32>
    %add3A_74 = arith.addi %masked_cumsum3A_72, %add3A_73 : vector<16xi32>
    %add3A_75 = vector.broadcast %while3A_15 : i32 to vector<16xi32>
    %add3A_76 = arith.addi %add3A_74, %add3A_75 : vector<16xi32>
    %sub3A_77 = arith.constant 1 : i32
    %sub3A_78 = vector.broadcast %sub3A_77 : i32 to vector<16xi32>
    %sub3A_79 = arith.subi %add3A_76, %sub3A_78 : vector<16xi32>
    %swap3A_80 = arith.constant 16 : index
    %swap3A_81 = tpu.vector_load %arg9[%swap3A_80] {strides = array<i32>} : memref<128xi32, #tpu.memory_space<vmem>>, vector<16xi32>,
    tpu.vector_store %arg9[%swap3A_80], %sub3A_79 {strides = array<i32>} : memref<128xi32, #tpu.memory_space<vmem>>, vector<16xi32>,
    %ne3A_82 = arith.constant 0 : i32
    %ne3A_83 = vector.broadcast %ne3A_82 : i32 to vector<16xi32>
    %ne3A_84 = arith.cmpi ne, %get3A_69, %ne3A_83 : vector<16xi32>
    %add3A_85 = arith.constant 16 : i32
    %add3A_86 = arith.addi %mul3A_2, %add3A_85 : i32
    %add3A_87 = vector.broadcast %add3A_86 : i32 to vector<16xi32>
    %add3A_88 = arith.addi %iota3A, %add3A_87 : vector<16xi32>
    %sub3A_89 = arith.constant 1 : i32
    %sub3A_90 = vector.broadcast %sub3A_89 : i32 to vector<16xi32>
    %sub3A_91 = arith.subi %add3A_74, %sub3A_90 : vector<16xi32>
    tpu.vector_store_idx %arg8[%sub3A_91], %add3A_88 masked %ne3A_84 : memref<128xi32, #tpu.memory_space<vmem>>[vector<16xi32>], vector<16xi32>, vector<16xi1>
    %reduce_sum3A_92 = arith.constant true
    %reduce_sum3A_93 = vector.broadcast %reduce_sum3A_92 : i1 to vector<16xi1>
    %reduce_sum3A_94 = tpu.scan <sum>, %get3A_69 masked %reduce_sum3A_93 : vector<16xi32>, vector<16xi1> -> vector<16xi32>
    %reduce_sum3A_95 = vector.extract %reduce_sum3A_94[15] : i32 from vector<16xi32>
    %add3A_96 = arith.addi %add3A_65, %reduce_sum3A_95 : i32
    %add3A_97 = arith.constant 32 : i32
    %add3A_98 = arith.addi %mul3A_2, %add3A_97 : i32
    %get3A_99 = arith.index_cast %add3A_98 : i32 to index
    %get3A_100 = tpu.vector_load %arg7[%get3A_99] {strides = array<i32>} : memref<4096xi32, #tpu.memory_space<vmem>>, vector<16xi32>,
    %broadcast_in_dim3A_101 = arith.constant true
    %broadcast_in_dim3A_102 = vector.broadcast %broadcast_in_dim3A_101 : i1 to vector<16xi1>
    %masked_cumsum3A_103 = tpu.scan <sum>, %get3A_100 masked %broadcast_in_dim3A_102 : vector<16xi32>, vector<16xi1> -> vector<16xi32>
    %add3A_104 = vector.broadcast %add3A_96 : i32 to vector<16xi32>
    %add3A_105 = arith.addi %masked_cumsum3A_103, %add3A_104 : vector<16xi32>
    %add3A_106 = vector.broadcast %while3A_15 : i32 to vector<16xi32>
    %add3A_107 = arith.addi %add3A_105, %add3A_106 : vector<16xi32>
    %sub3A_108 = arith.constant 1 : i32
    %sub3A_109 = vector.broadcast %sub3A_108 : i32 to vector<16xi32>
    %sub3A_110 = arith.subi %add3A_107, %sub3A_109 : vector<16xi32>
    %swap3A_111 = arith.constant 32 : index
    %swap3A_112 = tpu.vector_load %arg9[%swap3A_111] {strides = array<i32>} : memref<128xi32, #tpu.memory_space<vmem>>, vector<16xi32>,
    tpu.vector_store %arg9[%swap3A_111], %sub3A_110 {strides = array<i32>} : memref<128xi32, #tpu.memory_space<vmem>>, vector<16xi32>,
    %ne3A_113 = arith.constant 0 : i32
    %ne3A_114 = vector.broadcast %ne3A_113 : i32 to vector<16xi32>
    %ne3A_115 = arith.cmpi ne, %get3A_100, %ne3A_114 : vector<16xi32>
    %add3A_116 = arith.constant 32 : i32
    %add3A_117 = arith.addi %mul3A_2, %add3A_116 : i32
    %add3A_118 = vector.broadcast %add3A_117 : i32 to vector<16xi32>
    %add3A_119 = arith.addi %iota3A, %add3A_118 : vector<16xi32>
    %sub3A_120 = arith.constant 1 : i32
    %sub3A_121 = vector.broadcast %sub3A_120 : i32 to vector<16xi32>
    %sub3A_122 = arith.subi %add3A_105, %sub3A_121 : vector<16xi32>
    tpu.vector_store_idx %arg8[%sub3A_122], %add3A_119 masked %ne3A_115 : memref<128xi32, #tpu.memory_space<vmem>>[vector<16xi32>], vector<16xi32>, vector<16xi1>
    %reduce_sum3A_123 = arith.constant true
    %reduce_sum3A_124 = vector.broadcast %reduce_sum3A_123 : i1 to vector<16xi1>
    %reduce_sum3A_125 = tpu.scan <sum>, %get3A_100 masked %reduce_sum3A_124 : vector<16xi32>, vector<16xi1> -> vector<16xi32>
    %reduce_sum3A_126 = vector.extract %reduce_sum3A_125[15] : i32 from vector<16xi32>
    %add3A_127 = arith.addi %add3A_96, %reduce_sum3A_126 : i32
    %add3A_128 = arith.constant 48 : i32
    %add3A_129 = arith.addi %mul3A_2, %add3A_128 : i32
    %get3A_130 = arith.index_cast %add3A_129 : i32 to index
    %get3A_131 = tpu.vector_load %arg7[%get3A_130] {strides = array<i32>} : memref<4096xi32, #tpu.memory_space<vmem>>, vector<16xi32>,
    %broadcast_in_dim3A_132 = arith.constant true
    %broadcast_in_dim3A_133 = vector.broadcast %broadcast_in_dim3A_132 : i1 to vector<16xi1>
    %masked_cumsum3A_134 = tpu.scan <sum>, %get3A_131 masked %broadcast_in_dim3A_133 : vector<16xi32>, vector<16xi1> -> vector<16xi32>
    %add3A_135 = vector.broadcast %add3A_127 : i32 to vector<16xi32>
    %add3A_136 = arith.addi %masked_cumsum3A_134, %add3A_135 : vector<16xi32>
    %add3A_137 = vector.broadcast %while3A_15 : i32 to vector<16xi32>
    %add3A_138 = arith.addi %add3A_136, %add3A_137 : vector<16xi32>
    %sub3A_139 = arith.constant 1 : i32
    %sub3A_140 = vector.broadcast %sub3A_139 : i32 to vector<16xi32>
    %sub3A_141 = arith.subi %add3A_138, %sub3A_140 : vector<16xi32>
    %swap3A_142 = arith.constant 48 : index
    %swap3A_143 = tpu.vector_load %arg9[%swap3A_142] {strides = array<i32>} : memref<128xi32, #tpu.memory_space<vmem>>, vector<16xi32>,
    tpu.vector_store %arg9[%swap3A_142], %sub3A_141 {strides = array<i32>} : memref<128xi32, #tpu.memory_space<vmem>>, vector<16xi32>,
    %ne3A_144 = arith.constant 0 : i32
    %ne3A_145 = vector.broadcast %ne3A_144 : i32 to vector<16xi32>
    %ne3A_146 = arith.cmpi ne, %get3A_131, %ne3A_145 : vector<16xi32>
    %add3A_147 = arith.constant 48 : i32
    %add3A_148 = arith.addi %mul3A_2, %add3A_147 : i32
    %add3A_149 = vector.broadcast %add3A_148 : i32 to vector<16xi32>
    %add3A_150 = arith.addi %iota3A, %add3A_149 : vector<16xi32>
    %sub3A_151 = arith.constant 1 : i32
    %sub3A_152 = vector.broadcast %sub3A_151 : i32 to vector<16xi32>
    %sub3A_153 = arith.subi %add3A_136, %sub3A_152 : vector<16xi32>
    tpu.vector_store_idx %arg8[%sub3A_153], %add3A_150 masked %ne3A_146 : memref<128xi32, #tpu.memory_space<vmem>>[vector<16xi32>], vector<16xi32>, vector<16xi1>
    %reduce_sum3A_154 = arith.constant true
    %reduce_sum3A_155 = vector.broadcast %reduce_sum3A_154 : i1 to vector<16xi1>
    %reduce_sum3A_156 = tpu.scan <sum>, %get3A_131 masked %reduce_sum3A_155 : vector<16xi32>, vector<16xi1> -> vector<16xi32>
    %reduce_sum3A_157 = vector.extract %reduce_sum3A_156[15] : i32 from vector<16xi32>
    %add3A_158 = arith.addi %add3A_127, %reduce_sum3A_157 : i32
    %add3A_159 = arith.constant 64 : i32
    %add3A_160 = arith.addi %mul3A_2, %add3A_159 : i32
    %get3A_161 = arith.index_cast %add3A_160 : i32 to index
    %get3A_162 = tpu.vector_load %arg7[%get3A_161] {strides = array<i32>} : memref<4096xi32, #tpu.memory_space<vmem>>, vector<16xi32>,
    %broadcast_in_dim3A_163 = arith.constant true
    %broadcast_in_dim3A_164 = vector.broadcast %broadcast_in_dim3A_163 : i1 to vector<16xi1>
    %masked_cumsum3A_165 = tpu.scan <sum>, %get3A_162 masked %broadcast_in_dim3A_164 : vector<16xi32>, vector<16xi1> -> vector<16xi32>
    %add3A_166 = vector.broadcast %add3A_158 : i32 to vector<16xi32>
    %add3A_167 = arith.addi %masked_cumsum3A_165, %add3A_166 : vector<16xi32>
    %add3A_168 = vector.broadcast %while3A_15 : i32 to vector<16xi32>
    %add3A_169 = arith.addi %add3A_167, %add3A_168 : vector<16xi32>
    %sub3A_170 = arith.constant 1 : i32
    %sub3A_171 = vector.broadcast %sub3A_170 : i32 to vector<16xi32>
    %sub3A_172 = arith.subi %add3A_169, %sub3A_171 : vector<16xi32>
    %swap3A_173 = arith.constant 64 : index
    %swap3A_174 = tpu.vector_load %arg9[%swap3A_173] {strides = array<i32>} : memref<128xi32, #tpu.memory_space<vmem>>, vector<16xi32>,
    tpu.vector_store %arg9[%swap3A_173], %sub3A_172 {strides = array<i32>} : memref<128xi32, #tpu.memory_space<vmem>>, vector<16xi32>,
    %ne3A_175 = arith.constant 0 : i32
    %ne3A_176 = vector.broadcast %ne3A_175 : i32 to vector<16xi32>
    %ne3A_177 = arith.cmpi ne, %get3A_162, %ne3A_176 : vector<16xi32>
    %add3A_178 = arith.constant 64 : i32
    %add3A_179 = arith.addi %mul3A_2, %add3A_178 : i32
    %add3A_180 = vector.broadcast %add3A_179 : i32 to vector<16xi32>
    %add3A_181 = arith.addi %iota3A, %add3A_180 : vector<16xi32>
    %sub3A_182 = arith.constant 1 : i32
    %sub3A_183 = vector.broadcast %sub3A_182 : i32 to vector<16xi32>
    %sub3A_184 = arith.subi %add3A_167, %sub3A_183 : vector<16xi32>
    tpu.vector_store_idx %arg8[%sub3A_184], %add3A_181 masked %ne3A_177 : memref<128xi32, #tpu.memory_space<vmem>>[vector<16xi32>], vector<16xi32>, vector<16xi1>
    %reduce_sum3A_185 = arith.constant true
    %reduce_sum3A_186 = vector.broadcast %reduce_sum3A_185 : i1 to vector<16xi1>
    %reduce_sum3A_187 = tpu.scan <sum>, %get3A_162 masked %reduce_sum3A_186 : vector<16xi32>, vector<16xi1> -> vector<16xi32>
    %reduce_sum3A_188 = vector.extract %reduce_sum3A_187[15] : i32 from vector<16xi32>
    %add3A_189 = arith.addi %add3A_158, %reduce_sum3A_188 : i32
    %add3A_190 = arith.constant 80 : i32
    %add3A_191 = arith.addi %mul3A_2, %add3A_190 : i32
    %get3A_192 = arith.index_cast %add3A_191 : i32 to index
    %get3A_193 = tpu.vector_load %arg7[%get3A_192] {strides = array<i32>} : memref<4096xi32, #tpu.memory_space<vmem>>, vector<16xi32>,
    %broadcast_in_dim3A_194 = arith.constant true
    %broadcast_in_dim3A_195 = vector.broadcast %broadcast_in_dim3A_194 : i1 to vector<16xi1>
    %masked_cumsum3A_196 = tpu.scan <sum>, %get3A_193 masked %broadcast_in_dim3A_195 : vector<16xi32>, vector<16xi1> -> vector<16xi32>
    %add3A_197 = vector.broadcast %add3A_189 : i32 to vector<16xi32>
    %add3A_198 = arith.addi %masked_cumsum3A_196, %add3A_197 : vector<16xi32>
    %add3A_199 = vector.broadcast %while3A_15 : i32 to vector<16xi32>
    %add3A_200 = arith.addi %add3A_198, %add3A_199 : vector<16xi32>
    %sub3A_201 = arith.constant 1 : i32
    %sub3A_202 = vector.broadcast %sub3A_201 : i32 to vector<16xi32>
    %sub3A_203 = arith.subi %add3A_200, %sub3A_202 : vector<16xi32>
    %swap3A_204 = arith.constant 80 : index
    %swap3A_205 = tpu.vector_load %arg9[%swap3A_204] {strides = array<i32>} : memref<128xi32, #tpu.memory_space<vmem>>, vector<16xi32>,
    tpu.vector_store %arg9[%swap3A_204], %sub3A_203 {strides = array<i32>} : memref<128xi32, #tpu.memory_space<vmem>>, vector<16xi32>,
    %ne3A_206 = arith.constant 0 : i32
    %ne3A_207 = vector.broadcast %ne3A_206 : i32 to vector<16xi32>
    %ne3A_208 = arith.cmpi ne, %get3A_193, %ne3A_207 : vector<16xi32>
    %add3A_209 = arith.constant 80 : i32
    %add3A_210 = arith.addi %mul3A_2, %add3A_209 : i32
    %add3A_211 = vector.broadcast %add3A_210 : i32 to vector<16xi32>
    %add3A_212 = arith.addi %iota3A, %add3A_211 : vector<16xi32>
    %sub3A_213 = arith.constant 1 : i32
    %sub3A_214 = vector.broadcast %sub3A_213 : i32 to vector<16xi32>
    %sub3A_215 = arith.subi %add3A_198, %sub3A_214 : vector<16xi32>
    tpu.vector_store_idx %arg8[%sub3A_215], %add3A_212 masked %ne3A_208 : memref<128xi32, #tpu.memory_space<vmem>>[vector<16xi32>], vector<16xi32>, vector<16xi1>
    %reduce_sum3A_216 = arith.constant true
    %reduce_sum3A_217 = vector.broadcast %reduce_sum3A_216 : i1 to vector<16xi1>
    %reduce_sum3A_218 = tpu.scan <sum>, %get3A_193 masked %reduce_sum3A_217 : vector<16xi32>, vector<16xi1> -> vector<16xi32>
    %reduce_sum3A_219 = vector.extract %reduce_sum3A_218[15] : i32 from vector<16xi32>
    %add3A_220 = arith.addi %add3A_189, %reduce_sum3A_219 : i32
    %add3A_221 = arith.constant 96 : i32
    %add3A_222 = arith.addi %mul3A_2, %add3A_221 : i32
    %get3A_223 = arith.index_cast %add3A_222 : i32 to index
    %get3A_224 = tpu.vector_load %arg7[%get3A_223] {strides = array<i32>} : memref<4096xi32, #tpu.memory_space<vmem>>, vector<16xi32>,
    %broadcast_in_dim3A_225 = arith.constant true
    %broadcast_in_dim3A_226 = vector.broadcast %broadcast_in_dim3A_225 : i1 to vector<16xi1>
    %masked_cumsum3A_227 = tpu.scan <sum>, %get3A_224 masked %broadcast_in_dim3A_226 : vector<16xi32>, vector<16xi1> -> vector<16xi32>
    %add3A_228 = vector.broadcast %add3A_220 : i32 to vector<16xi32>
    %add3A_229 = arith.addi %masked_cumsum3A_227, %add3A_228 : vector<16xi32>
    %add3A_230 = vector.broadcast %while3A_15 : i32 to vector<16xi32>
    %add3A_231 = arith.addi %add3A_229, %add3A_230 : vector<16xi32>
    %sub3A_232 = arith.constant 1 : i32
    %sub3A_233 = vector.broadcast %sub3A_232 : i32 to vector<16xi32>
    %sub3A_234 = arith.subi %add3A_231, %sub3A_233 : vector<16xi32>
    %swap3A_235 = arith.constant 96 : index
    %swap3A_236 = tpu.vector_load %arg9[%swap3A_235] {strides = array<i32>} : memref<128xi32, #tpu.memory_space<vmem>>, vector<16xi32>,
    tpu.vector_store %arg9[%swap3A_235], %sub3A_234 {strides = array<i32>} : memref<128xi32, #tpu.memory_space<vmem>>, vector<16xi32>,
    %ne3A_237 = arith.constant 0 : i32
    %ne3A_238 = vector.broadcast %ne3A_237 : i32 to vector<16xi32>
    %ne3A_239 = arith.cmpi ne, %get3A_224, %ne3A_238 : vector<16xi32>
    %add3A_240 = arith.constant 96 : i32
    %add3A_241 = arith.addi %mul3A_2, %add3A_240 : i32
    %add3A_242 = vector.broadcast %add3A_241 : i32 to vector<16xi32>
    %add3A_243 = arith.addi %iota3A, %add3A_242 : vector<16xi32>
    %sub3A_244 = arith.constant 1 : i32
    %sub3A_245 = vector.broadcast %sub3A_244 : i32 to vector<16xi32>
    %sub3A_246 = arith.subi %add3A_229, %sub3A_245 : vector<16xi32>
    tpu.vector_store_idx %arg8[%sub3A_246], %add3A_243 masked %ne3A_239 : memref<128xi32, #tpu.memory_space<vmem>>[vector<16xi32>], vector<16xi32>, vector<16xi1>
    %reduce_sum3A_247 = arith.constant true
    %reduce_sum3A_248 = vector.broadcast %reduce_sum3A_247 : i1 to vector<16xi1>
    %reduce_sum3A_249 = tpu.scan <sum>, %get3A_224 masked %reduce_sum3A_248 : vector<16xi32>, vector<16xi1> -> vector<16xi32>
    %reduce_sum3A_250 = vector.extract %reduce_sum3A_249[15] : i32 from vector<16xi32>
    %add3A_251 = arith.addi %add3A_220, %reduce_sum3A_250 : i32
    %add3A_252 = arith.constant 112 : i32
    %add3A_253 = arith.addi %mul3A_2, %add3A_252 : i32
    %get3A_254 = arith.index_cast %add3A_253 : i32 to index
    %get3A_255 = tpu.vector_load %arg7[%get3A_254] {strides = array<i32>} : memref<4096xi32, #tpu.memory_space<vmem>>, vector<16xi32>,
    %broadcast_in_dim3A_256 = arith.constant true
    %broadcast_in_dim3A_257 = vector.broadcast %broadcast_in_dim3A_256 : i1 to vector<16xi1>
    %masked_cumsum3A_258 = tpu.scan <sum>, %get3A_255 masked %broadcast_in_dim3A_257 : vector<16xi32>, vector<16xi1> -> vector<16xi32>
    %add3A_259 = vector.broadcast %add3A_251 : i32 to vector<16xi32>
    %add3A_260 = arith.addi %masked_cumsum3A_258, %add3A_259 : vector<16xi32>
    %add3A_261 = vector.broadcast %while3A_15 : i32 to vector<16xi32>
    %add3A_262 = arith.addi %add3A_260, %add3A_261 : vector<16xi32>
    %sub3A_263 = arith.constant 1 : i32
    %sub3A_264 = vector.broadcast %sub3A_263 : i32 to vector<16xi32>
    %sub3A_265 = arith.subi %add3A_262, %sub3A_264 : vector<16xi32>
    %swap3A_266 = arith.constant 112 : index
    %swap3A_267 = tpu.vector_load %arg9[%swap3A_266] {strides = array<i32>} : memref<128xi32, #tpu.memory_space<vmem>>, vector<16xi32>,
    tpu.vector_store %arg9[%swap3A_266], %sub3A_265 {strides = array<i32>} : memref<128xi32, #tpu.memory_space<vmem>>, vector<16xi32>,
    %ne3A_268 = arith.constant 0 : i32
    %ne3A_269 = vector.broadcast %ne3A_268 : i32 to vector<16xi32>
    %ne3A_270 = arith.cmpi ne, %get3A_255, %ne3A_269 : vector<16xi32>
    %add3A_271 = arith.constant 112 : i32
    %add3A_272 = arith.addi %mul3A_2, %add3A_271 : i32
    %add3A_273 = vector.broadcast %add3A_272 : i32 to vector<16xi32>
    %add3A_274 = arith.addi %iota3A, %add3A_273 : vector<16xi32>
    %sub3A_275 = arith.constant 1 : i32
    %sub3A_276 = vector.broadcast %sub3A_275 : i32 to vector<16xi32>
    %sub3A_277 = arith.subi %add3A_260, %sub3A_276 : vector<16xi32>
    tpu.vector_store_idx %arg8[%sub3A_277], %add3A_274 masked %ne3A_270 : memref<128xi32, #tpu.memory_space<vmem>>[vector<16xi32>], vector<16xi32>, vector<16xi1>
    %reduce_sum3A_278 = arith.constant true
    %reduce_sum3A_279 = vector.broadcast %reduce_sum3A_278 : i1 to vector<16xi1>
    %reduce_sum3A_280 = tpu.scan <sum>, %get3A_255 masked %reduce_sum3A_279 : vector<16xi32>, vector<16xi1> -> vector<16xi32>
    %reduce_sum3A_281 = vector.extract %reduce_sum3A_280[15] : i32 from vector<16xi32>
    %add3A_282 = arith.addi %add3A_251, %reduce_sum3A_281 : i32
    %add3A_283 = arith.constant 0 : i32
    %add3A_284 = vector.broadcast %add3A_283 : i32 to vector<16xi32>
    %add3A_285 = arith.addi %iota3A, %add3A_284 : vector<16xi32>
    %lt3A = vector.broadcast %add3A_282 : i32 to vector<16xi32>
    %lt3A_286 = arith.cmpi slt, %add3A_285, %lt3A : vector<16xi32>
    %add3A_287 = vector.broadcast %while3A_15 : i32 to vector<16xi32>
    %add3A_288 = arith.addi %add3A_287, %add3A_285 : vector<16xi32>
    %jit3A = arith.constant 4095 : i32
    %broadcast_in_dim3A_289 = vector.broadcast %jit3A : i32 to vector<16xi32>
    %select_n3A = arith.select %lt3A_286, %add3A_288, %broadcast_in_dim3A_289 : vector<16xi1>, vector<16xi32>
    %swap3A_290 = arith.constant 0 : i32
    %swap3A_291 = arith.index_cast %swap3A_290 : i32 to index
    %swap3A_292 = arith.constant 0 : index
    %swap3A_293 = tpu.vector_load %arg10[%swap3A_291, %swap3A_292] {strides = array<i32>} : memref<4x32xi32, #tpu.memory_space<vmem>>, vector<16xi32>,
    tpu.vector_store %arg10[%swap3A_291, %swap3A_292], %select_n3A {strides = array<i32>} : memref<4x32xi32, #tpu.memory_space<vmem>>, vector<16xi32>,
    %add3A_294 = arith.constant 16 : i32
    %add3A_295 = vector.broadcast %add3A_294 : i32 to vector<16xi32>
    %add3A_296 = arith.addi %iota3A, %add3A_295 : vector<16xi32>
    %lt3A_297 = vector.broadcast %add3A_282 : i32 to vector<16xi32>
    %lt3A_298 = arith.cmpi slt, %add3A_296, %lt3A_297 : vector<16xi32>
    %add3A_299 = vector.broadcast %while3A_15 : i32 to vector<16xi32>
    %add3A_300 = arith.addi %add3A_299, %add3A_296 : vector<16xi32>
    %jit3A_301 = arith.constant 4095 : i32
    %broadcast_in_dim3A_302 = vector.broadcast %jit3A_301 : i32 to vector<16xi32>
    %select_n3A_303 = arith.select %lt3A_298, %add3A_300, %broadcast_in_dim3A_302 : vector<16xi1>, vector<16xi32>
    %swap3A_304 = arith.constant 0 : i32
    %swap3A_305 = arith.index_cast %swap3A_304 : i32 to index
    %swap3A_306 = arith.constant 16 : index
    %swap3A_307 = tpu.vector_load %arg10[%swap3A_305, %swap3A_306] {strides = array<i32>} : memref<4x32xi32, #tpu.memory_space<vmem>>, vector<16xi32>,
    tpu.vector_store %arg10[%swap3A_305, %swap3A_306], %select_n3A_303 {strides = array<i32>} : memref<4x32xi32, #tpu.memory_space<vmem>>, vector<16xi32>,
    %add3A_308 = arith.constant 32 : i32
    %add3A_309 = vector.broadcast %add3A_308 : i32 to vector<16xi32>
    %add3A_310 = arith.addi %iota3A, %add3A_309 : vector<16xi32>
    %lt3A_311 = vector.broadcast %add3A_282 : i32 to vector<16xi32>
    %lt3A_312 = arith.cmpi slt, %add3A_310, %lt3A_311 : vector<16xi32>
    %add3A_313 = vector.broadcast %while3A_15 : i32 to vector<16xi32>
    %add3A_314 = arith.addi %add3A_313, %add3A_310 : vector<16xi32>
    %jit3A_315 = arith.constant 4095 : i32
    %broadcast_in_dim3A_316 = vector.broadcast %jit3A_315 : i32 to vector<16xi32>
    %select_n3A_317 = arith.select %lt3A_312, %add3A_314, %broadcast_in_dim3A_316 : vector<16xi1>, vector<16xi32>
    %swap3A_318 = arith.constant 1 : i32
    %swap3A_319 = arith.index_cast %swap3A_318 : i32 to index
    %swap3A_320 = arith.constant 0 : index
    %swap3A_321 = tpu.vector_load %arg10[%swap3A_319, %swap3A_320] {strides = array<i32>} : memref<4x32xi32, #tpu.memory_space<vmem>>, vector<16xi32>,
    tpu.vector_store %arg10[%swap3A_319, %swap3A_320], %select_n3A_317 {strides = array<i32>} : memref<4x32xi32, #tpu.memory_space<vmem>>, vector<16xi32>,
    %add3A_322 = arith.constant 48 : i32
    %add3A_323 = vector.broadcast %add3A_322 : i32 to vector<16xi32>
    %add3A_324 = arith.addi %iota3A, %add3A_323 : vector<16xi32>
    %lt3A_325 = vector.broadcast %add3A_282 : i32 to vector<16xi32>
    %lt3A_326 = arith.cmpi slt, %add3A_324, %lt3A_325 : vector<16xi32>
    %add3A_327 = vector.broadcast %while3A_15 : i32 to vector<16xi32>
    %add3A_328 = arith.addi %add3A_327, %add3A_324 : vector<16xi32>
    %jit3A_329 = arith.constant 4095 : i32
    %broadcast_in_dim3A_330 = vector.broadcast %jit3A_329 : i32 to vector<16xi32>
    %select_n3A_331 = arith.select %lt3A_326, %add3A_328, %broadcast_in_dim3A_330 : vector<16xi1>, vector<16xi32>
    %swap3A_332 = arith.constant 1 : i32
    %swap3A_333 = arith.index_cast %swap3A_332 : i32 to index
    %swap3A_334 = arith.constant 16 : index
    %swap3A_335 = tpu.vector_load %arg10[%swap3A_333, %swap3A_334] {strides = array<i32>} : memref<4x32xi32, #tpu.memory_space<vmem>>, vector<16xi32>,
    tpu.vector_store %arg10[%swap3A_333, %swap3A_334], %select_n3A_331 {strides = array<i32>} : memref<4x32xi32, #tpu.memory_space<vmem>>, vector<16xi32>,
    %add3A_336 = arith.constant 64 : i32
    %add3A_337 = vector.broadcast %add3A_336 : i32 to vector<16xi32>
    %add3A_338 = arith.addi %iota3A, %add3A_337 : vector<16xi32>
    %lt3A_339 = vector.broadcast %add3A_282 : i32 to vector<16xi32>
    %lt3A_340 = arith.cmpi slt, %add3A_338, %lt3A_339 : vector<16xi32>
    %add3A_341 = vector.broadcast %while3A_15 : i32 to vector<16xi32>
    %add3A_342 = arith.addi %add3A_341, %add3A_338 : vector<16xi32>
    %jit3A_343 = arith.constant 4095 : i32
    %broadcast_in_dim3A_344 = vector.broadcast %jit3A_343 : i32 to vector<16xi32>
    %select_n3A_345 = arith.select %lt3A_340, %add3A_342, %broadcast_in_dim3A_344 : vector<16xi1>, vector<16xi32>
    %swap3A_346 = arith.constant 2 : i32
    %swap3A_347 = arith.index_cast %swap3A_346 : i32 to index
    %swap3A_348 = arith.constant 0 : index
    %swap3A_349 = tpu.vector_load %arg10[%swap3A_347, %swap3A_348] {strides = array<i32>} : memref<4x32xi32, #tpu.memory_space<vmem>>, vector<16xi32>,
    tpu.vector_store %arg10[%swap3A_347, %swap3A_348], %select_n3A_345 {strides = array<i32>} : memref<4x32xi32, #tpu.memory_space<vmem>>, vector<16xi32>,
    %add3A_350 = arith.constant 80 : i32
    %add3A_351 = vector.broadcast %add3A_350 : i32 to vector<16xi32>
    %add3A_352 = arith.addi %iota3A, %add3A_351 : vector<16xi32>
    %lt3A_353 = vector.broadcast %add3A_282 : i32 to vector<16xi32>
    %lt3A_354 = arith.cmpi slt, %add3A_352, %lt3A_353 : vector<16xi32>
    %add3A_355 = vector.broadcast %while3A_15 : i32 to vector<16xi32>
    %add3A_356 = arith.addi %add3A_355, %add3A_352 : vector<16xi32>
    %jit3A_357 = arith.constant 4095 : i32
    %broadcast_in_dim3A_358 = vector.broadcast %jit3A_357 : i32 to vector<16xi32>
    %select_n3A_359 = arith.select %lt3A_354, %add3A_356, %broadcast_in_dim3A_358 : vector<16xi1>, vector<16xi32>
    %swap3A_360 = arith.constant 2 : i32
    %swap3A_361 = arith.index_cast %swap3A_360 : i32 to index
    %swap3A_362 = arith.constant 16 : index
    %swap3A_363 = tpu.vector_load %arg10[%swap3A_361, %swap3A_362] {strides = array<i32>} : memref<4x32xi32, #tpu.memory_space<vmem>>, vector<16xi32>,
    tpu.vector_store %arg10[%swap3A_361, %swap3A_362], %select_n3A_359 {strides = array<i32>} : memref<4x32xi32, #tpu.memory_space<vmem>>, vector<16xi32>,
    %add3A_364 = arith.constant 96 : i32
    %add3A_365 = vector.broadcast %add3A_364 : i32 to vector<16xi32>
    %add3A_366 = arith.addi %iota3A, %add3A_365 : vector<16xi32>
    %lt3A_367 = vector.broadcast %add3A_282 : i32 to vector<16xi32>
    %lt3A_368 = arith.cmpi slt, %add3A_366, %lt3A_367 : vector<16xi32>
    %add3A_369 = vector.broadcast %while3A_15 : i32 to vector<16xi32>
    %add3A_370 = arith.addi %add3A_369, %add3A_366 : vector<16xi32>
    %jit3A_371 = arith.constant 4095 : i32
    %broadcast_in_dim3A_372 = vector.broadcast %jit3A_371 : i32 to vector<16xi32>
    %select_n3A_373 = arith.select %lt3A_368, %add3A_370, %broadcast_in_dim3A_372 : vector<16xi1>, vector<16xi32>
    %swap3A_374 = arith.constant 3 : i32
    %swap3A_375 = arith.index_cast %swap3A_374 : i32 to index
    %swap3A_376 = arith.constant 0 : index
    %swap3A_377 = tpu.vector_load %arg10[%swap3A_375, %swap3A_376] {strides = array<i32>} : memref<4x32xi32, #tpu.memory_space<vmem>>, vector<16xi32>,
    tpu.vector_store %arg10[%swap3A_375, %swap3A_376], %select_n3A_373 {strides = array<i32>} : memref<4x32xi32, #tpu.memory_space<vmem>>, vector<16xi32>,
    %add3A_378 = arith.constant 112 : i32
    %add3A_379 = vector.broadcast %add3A_378 : i32 to vector<16xi32>
    %add3A_380 = arith.addi %iota3A, %add3A_379 : vector<16xi32>
    %lt3A_381 = vector.broadcast %add3A_282 : i32 to vector<16xi32>
    %lt3A_382 = arith.cmpi slt, %add3A_380, %lt3A_381 : vector<16xi32>
    %add3A_383 = vector.broadcast %while3A_15 : i32 to vector<16xi32>
    %add3A_384 = arith.addi %add3A_383, %add3A_380 : vector<16xi32>
    %jit3A_385 = arith.constant 4095 : i32
    %broadcast_in_dim3A_386 = vector.broadcast %jit3A_385 : i32 to vector<16xi32>
    %select_n3A_387 = arith.select %lt3A_382, %add3A_384, %broadcast_in_dim3A_386 : vector<16xi1>, vector<16xi32>
    %swap3A_388 = arith.constant 3 : i32
    %swap3A_389 = arith.index_cast %swap3A_388 : i32 to index
    %swap3A_390 = arith.constant 16 : index
    %swap3A_391 = tpu.vector_load %arg10[%swap3A_389, %swap3A_390] {strides = array<i32>} : memref<4x32xi32, #tpu.memory_space<vmem>>, vector<16xi32>,
    tpu.vector_store %arg10[%swap3A_389, %swap3A_390], %select_n3A_387 {strides = array<i32>} : memref<4x32xi32, #tpu.memory_space<vmem>>, vector<16xi32>,
    "tpu.region"() ({
      %run_scoped3A = tpu.sem_alloc : memref<!tpu.dma_semaphore, #tpu.memory_space<semaphore_mem>>
      %dma_start3A = tpu.memref_slice %arg5[%mul3A_2] : memref<4096xi32, #tpu.memory_space<hbm>> -> memref<128xi32, #tpu.memory_space<hbm>>
      %dma_start3A_413 = tpu.memref_slice %arg5[%mul3A_2] : memref<4096xi32, #tpu.memory_space<hbm>> -> memref<128xi32, #tpu.memory_space<hbm>>
      tpu.enqueue_dma source(%arg9 : memref<128xi32, #tpu.memory_space<vmem>>) target(%dma_start3A_413 : memref<128xi32, #tpu.memory_space<hbm>>) target_semaphore(%run_scoped3A : memref<!tpu.dma_semaphore, #tpu.memory_space<semaphore_mem>>)
      %dma_wait3A = tpu.memref_slice %arg5[%mul3A_2] : memref<4096xi32, #tpu.memory_space<hbm>> -> memref<128xi32, #tpu.memory_space<hbm>>
      %dma_wait3A_414 = tpu.memref_slice %arg5[%mul3A_2] : memref<4096xi32, #tpu.memory_space<hbm>> -> memref<128xi32, #tpu.memory_space<hbm>>
      tpu.wait_dma2 semaphore(%run_scoped3A : memref<!tpu.dma_semaphore, #tpu.memory_space<semaphore_mem>>) src(%arg9 : memref<128xi32, #tpu.memory_space<vmem>>) dst(%dma_wait3A_414 : memref<128xi32, #tpu.memory_space<hbm>>)
      tpu.yield
    }) : () -> ()
    %eq3A = arith.constant 0 : i32
    %eq3A_392 = arith.cmpi eq, %add3A, %eq3A : i32
    %convert_element_type3A = arith.extui %eq3A_392 : i1 to i32
    %cond3A = arith.constant 0 : i32
    %cond3A_393 = arith.cmpi ne, %convert_element_type3A, %cond3A : i32
    scf.if %cond3A_393 {
      %broadcast_in_dim3A_413 = vector.broadcast %scan3A_20 : i32 to vector<16xi32>
      %swap3A_414 = arith.constant 0 : index
      %swap3A_415 = tpu.vector_load %arg12[%swap3A_414] {strides = array<i32>} : memref<16xi32, #tpu.memory_space<vmem>>, vector<16xi32>,
      tpu.vector_store %arg12[%swap3A_414], %broadcast_in_dim3A_413 {strides = array<i32>} : memref<16xi32, #tpu.memory_space<vmem>>, vector<16xi32>,
      "tpu.region"() ({
        %run_scoped3A = tpu.sem_alloc : memref<!tpu.dma_semaphore, #tpu.memory_space<semaphore_mem>>
        tpu.enqueue_dma source(%arg12 : memref<16xi32, #tpu.memory_space<vmem>>) target(%arg6 : memref<16xi32, #tpu.memory_space<hbm>>) target_semaphore(%run_scoped3A : memref<!tpu.dma_semaphore, #tpu.memory_space<semaphore_mem>>)
        tpu.wait_dma2 semaphore(%run_scoped3A : memref<!tpu.dma_semaphore, #tpu.memory_space<semaphore_mem>>) src(%arg12 : memref<16xi32, #tpu.memory_space<vmem>>) dst(%arg6 : memref<16xi32, #tpu.memory_space<hbm>>)
        tpu.yield
      }) : () -> ()
    } else {
    }
    %gt3A = arith.constant 0 : i32
    %gt3A_394 = arith.cmpi sgt, %add3A_282, %gt3A : i32
    %convert_element_type3A_395 = arith.extui %gt3A_394 : i1 to i32
    %cond3A_396 = arith.constant 0 : i32
    %cond3A_397 = arith.cmpi ne, %convert_element_type3A_395, %cond3A_396 : i32
    scf.if %cond3A_397 {
      %dma_start3A = arith.constant 0 : i32
      %dma_start3A_413 = tpu.memref_slice %arg8[%dma_start3A] : memref<128xi32, #tpu.memory_space<vmem>> -> memref<32xi32, #tpu.memory_space<vmem>>
      %dma_start3A_414 = arith.constant 0 : i32
      %dma_start3A_415 = arith.constant 0 : i32
      %dma_start3A_416 = tpu.memref_slice %arg3[%dma_start3A_414, %dma_start3A_415] : memref<4096x2048xf32, #tpu.memory_space<hbm>> -> memref<4096x2048xf32, #tpu.memory_space<hbm>>
      tpu.enqueue_indirect_dma source(%dma_start3A_416 : memref<4096x2048xf32, #tpu.memory_space<hbm>>) target(%arg11 : memref<32x2048xf32, #tpu.memory_space<vmem>>) offsets(%dma_start3A_413 : memref<32xi32, #tpu.memory_space<vmem>>) semaphore(%arg13 : memref<!tpu.dma_semaphore, #tpu.memory_space<semaphore_mem>>)
      %dma_wait3A = arith.constant 0 : i32
      %dma_wait3A_417 = tpu.memref_slice %arg8[%dma_wait3A] : memref<128xi32, #tpu.memory_space<vmem>> -> memref<32xi32, #tpu.memory_space<vmem>>
      %dma_wait3A_418 = arith.constant 0 : i32
      %dma_wait3A_419 = arith.constant 0 : i32
      %dma_wait3A_420 = tpu.memref_slice %arg3[%dma_wait3A_418, %dma_wait3A_419] : memref<4096x2048xf32, #tpu.memory_space<hbm>> -> memref<4096x2048xf32, #tpu.memory_space<hbm>>
      tpu.wait_indirect_dma semaphore(%arg13 : memref<!tpu.dma_semaphore, #tpu.memory_space<semaphore_mem>>) src(%dma_wait3A_420 : memref<4096x2048xf32, #tpu.memory_space<hbm>>) dst(%arg11 : memref<32x2048xf32, #tpu.memory_space<vmem>>)
      %dma_start3A_421 = arith.constant 0 : i32
      %dma_start3A_422 = arith.constant 0 : i32
      %dma_start3A_423 = tpu.memref_slice %arg10[%dma_start3A_421, %dma_start3A_422] : memref<4x32xi32, #tpu.memory_space<vmem>> -> memref<1x32xi32, #tpu.memory_space<vmem>>
      %dma_start3A_424 = tpu.memref_squeeze %dma_start3A_423 : memref<1x32xi32, #tpu.memory_space<vmem>> -> memref<32xi32, #tpu.memory_space<vmem>>
      %dma_start3A_425 = arith.constant 0 : i32
      %dma_start3A_426 = arith.constant 0 : i32
      %dma_start3A_427 = tpu.memref_slice %arg4[%dma_start3A_425, %dma_start3A_426] : memref<4096x2048xf32, #tpu.memory_space<hbm>> -> memref<4096x2048xf32, #tpu.memory_space<hbm>>
      tpu.enqueue_indirect_dma source(%arg11 : memref<32x2048xf32, #tpu.memory_space<vmem>>) target(%dma_start3A_427 : memref<4096x2048xf32, #tpu.memory_space<hbm>>) offsets(%dma_start3A_424 : memref<32xi32, #tpu.memory_space<vmem>>) semaphore(%arg14 : memref<!tpu.dma_semaphore, #tpu.memory_space<semaphore_mem>>)
      %dma_wait3A_428 = arith.constant 0 : i32
      %dma_wait3A_429 = arith.constant 0 : i32
      %dma_wait3A_430 = tpu.memref_slice %arg10[%dma_wait3A_428, %dma_wait3A_429] : memref<4x32xi32, #tpu.memory_space<vmem>> -> memref<1x32xi32, #tpu.memory_space<vmem>>
      %dma_wait3A_431 = tpu.memref_squeeze %dma_wait3A_430 : memref<1x32xi32, #tpu.memory_space<vmem>> -> memref<32xi32, #tpu.memory_space<vmem>>
      %dma_wait3A_432 = arith.constant 0 : i32
      %dma_wait3A_433 = arith.constant 0 : i32
      %dma_wait3A_434 = tpu.memref_slice %arg4[%dma_wait3A_432, %dma_wait3A_433] : memref<4096x2048xf32, #tpu.memory_space<hbm>> -> memref<4096x2048xf32, #tpu.memory_space<hbm>>
      tpu.wait_indirect_dma semaphore(%arg14 : memref<!tpu.dma_semaphore, #tpu.memory_space<semaphore_mem>>) src(%arg11 : memref<32x2048xf32, #tpu.memory_space<vmem>>) dst(%dma_wait3A_434 : memref<4096x2048xf32, #tpu.memory_space<hbm>>)
    } else {
    }
    %gt3A_398 = arith.constant 32 : i32
    %gt3A_399 = arith.cmpi sgt, %add3A_282, %gt3A_398 : i32
    %convert_element_type3A_400 = arith.extui %gt3A_399 : i1 to i32
    %cond3A_401 = arith.constant 0 : i32
    %cond3A_402 = arith.cmpi ne, %convert_element_type3A_400, %cond3A_401 : i32
    scf.if %cond3A_402 {
      %dma_start3A = arith.constant 32 : i32
      %dma_start3A_413 = tpu.memref_slice %arg8[%dma_start3A] : memref<128xi32, #tpu.memory_space<vmem>> -> memref<32xi32, #tpu.memory_space<vmem>>
      %dma_start3A_414 = arith.constant 0 : i32
      %dma_start3A_415 = arith.constant 0 : i32
      %dma_start3A_416 = tpu.memref_slice %arg3[%dma_start3A_414, %dma_start3A_415] : memref<4096x2048xf32, #tpu.memory_space<hbm>> -> memref<4096x2048xf32, #tpu.memory_space<hbm>>
      tpu.enqueue_indirect_dma source(%dma_start3A_416 : memref<4096x2048xf32, #tpu.memory_space<hbm>>) target(%arg11 : memref<32x2048xf32, #tpu.memory_space<vmem>>) offsets(%dma_start3A_413 : memref<32xi32, #tpu.memory_space<vmem>>) semaphore(%arg13 : memref<!tpu.dma_semaphore, #tpu.memory_space<semaphore_mem>>)
      %dma_wait3A = arith.constant 32 : i32
      %dma_wait3A_417 = tpu.memref_slice %arg8[%dma_wait3A] : memref<128xi32, #tpu.memory_space<vmem>> -> memref<32xi32, #tpu.memory_space<vmem>>
      %dma_wait3A_418 = arith.constant 0 : i32
      %dma_wait3A_419 = arith.constant 0 : i32
      %dma_wait3A_420 = tpu.memref_slice %arg3[%dma_wait3A_418, %dma_wait3A_419] : memref<4096x2048xf32, #tpu.memory_space<hbm>> -> memref<4096x2048xf32, #tpu.memory_space<hbm>>
      tpu.wait_indirect_dma semaphore(%arg13 : memref<!tpu.dma_semaphore, #tpu.memory_space<semaphore_mem>>) src(%dma_wait3A_420 : memref<4096x2048xf32, #tpu.memory_space<hbm>>) dst(%arg11 : memref<32x2048xf32, #tpu.memory_space<vmem>>)
      %dma_start3A_421 = arith.constant 1 : i32
      %dma_start3A_422 = arith.constant 0 : i32
      %dma_start3A_423 = tpu.memref_slice %arg10[%dma_start3A_421, %dma_start3A_422] : memref<4x32xi32, #tpu.memory_space<vmem>> -> memref<1x32xi32, #tpu.memory_space<vmem>>
      %dma_start3A_424 = tpu.memref_squeeze %dma_start3A_423 : memref<1x32xi32, #tpu.memory_space<vmem>> -> memref<32xi32, #tpu.memory_space<vmem>>
      %dma_start3A_425 = arith.constant 0 : i32
      %dma_start3A_426 = arith.constant 0 : i32
      %dma_start3A_427 = tpu.memref_slice %arg4[%dma_start3A_425, %dma_start3A_426] : memref<4096x2048xf32, #tpu.memory_space<hbm>> -> memref<4096x2048xf32, #tpu.memory_space<hbm>>
      tpu.enqueue_indirect_dma source(%arg11 : memref<32x2048xf32, #tpu.memory_space<vmem>>) target(%dma_start3A_427 : memref<4096x2048xf32, #tpu.memory_space<hbm>>) offsets(%dma_start3A_424 : memref<32xi32, #tpu.memory_space<vmem>>) semaphore(%arg14 : memref<!tpu.dma_semaphore, #tpu.memory_space<semaphore_mem>>)
      %dma_wait3A_428 = arith.constant 1 : i32
      %dma_wait3A_429 = arith.constant 0 : i32
      %dma_wait3A_430 = tpu.memref_slice %arg10[%dma_wait3A_428, %dma_wait3A_429] : memref<4x32xi32, #tpu.memory_space<vmem>> -> memref<1x32xi32, #tpu.memory_space<vmem>>
      %dma_wait3A_431 = tpu.memref_squeeze %dma_wait3A_430 : memref<1x32xi32, #tpu.memory_space<vmem>> -> memref<32xi32, #tpu.memory_space<vmem>>
      %dma_wait3A_432 = arith.constant 0 : i32
      %dma_wait3A_433 = arith.constant 0 : i32
      %dma_wait3A_434 = tpu.memref_slice %arg4[%dma_wait3A_432, %dma_wait3A_433] : memref<4096x2048xf32, #tpu.memory_space<hbm>> -> memref<4096x2048xf32, #tpu.memory_space<hbm>>
      tpu.wait_indirect_dma semaphore(%arg14 : memref<!tpu.dma_semaphore, #tpu.memory_space<semaphore_mem>>) src(%arg11 : memref<32x2048xf32, #tpu.memory_space<vmem>>) dst(%dma_wait3A_434 : memref<4096x2048xf32, #tpu.memory_space<hbm>>)
    } else {
    }
    %gt3A_403 = arith.constant 64 : i32
    %gt3A_404 = arith.cmpi sgt, %add3A_282, %gt3A_403 : i32
    %convert_element_type3A_405 = arith.extui %gt3A_404 : i1 to i32
    %cond3A_406 = arith.constant 0 : i32
    %cond3A_407 = arith.cmpi ne, %convert_element_type3A_405, %cond3A_406 : i32
    scf.if %cond3A_407 {
      %dma_start3A = arith.constant 64 : i32
      %dma_start3A_413 = tpu.memref_slice %arg8[%dma_start3A] : memref<128xi32, #tpu.memory_space<vmem>> -> memref<32xi32, #tpu.memory_space<vmem>>
      %dma_start3A_414 = arith.constant 0 : i32
      %dma_start3A_415 = arith.constant 0 : i32
      %dma_start3A_416 = tpu.memref_slice %arg3[%dma_start3A_414, %dma_start3A_415] : memref<4096x2048xf32, #tpu.memory_space<hbm>> -> memref<4096x2048xf32, #tpu.memory_space<hbm>>
      tpu.enqueue_indirect_dma source(%dma_start3A_416 : memref<4096x2048xf32, #tpu.memory_space<hbm>>) target(%arg11 : memref<32x2048xf32, #tpu.memory_space<vmem>>) offsets(%dma_start3A_413 : memref<32xi32, #tpu.memory_space<vmem>>) semaphore(%arg13 : memref<!tpu.dma_semaphore, #tpu.memory_space<semaphore_mem>>)
      %dma_wait3A = arith.constant 64 : i32
      %dma_wait3A_417 = tpu.memref_slice %arg8[%dma_wait3A] : memref<128xi32, #tpu.memory_space<vmem>> -> memref<32xi32, #tpu.memory_space<vmem>>
      %dma_wait3A_418 = arith.constant 0 : i32
      %dma_wait3A_419 = arith.constant 0 : i32
      %dma_wait3A_420 = tpu.memref_slice %arg3[%dma_wait3A_418, %dma_wait3A_419] : memref<4096x2048xf32, #tpu.memory_space<hbm>> -> memref<4096x2048xf32, #tpu.memory_space<hbm>>
      tpu.wait_indirect_dma semaphore(%arg13 : memref<!tpu.dma_semaphore, #tpu.memory_space<semaphore_mem>>) src(%dma_wait3A_420 : memref<4096x2048xf32, #tpu.memory_space<hbm>>) dst(%arg11 : memref<32x2048xf32, #tpu.memory_space<vmem>>)
      %dma_start3A_421 = arith.constant 2 : i32
      %dma_start3A_422 = arith.constant 0 : i32
      %dma_start3A_423 = tpu.memref_slice %arg10[%dma_start3A_421, %dma_start3A_422] : memref<4x32xi32, #tpu.memory_space<vmem>> -> memref<1x32xi32, #tpu.memory_space<vmem>>
      %dma_start3A_424 = tpu.memref_squeeze %dma_start3A_423 : memref<1x32xi32, #tpu.memory_space<vmem>> -> memref<32xi32, #tpu.memory_space<vmem>>
      %dma_start3A_425 = arith.constant 0 : i32
      %dma_start3A_426 = arith.constant 0 : i32
      %dma_start3A_427 = tpu.memref_slice %arg4[%dma_start3A_425, %dma_start3A_426] : memref<4096x2048xf32, #tpu.memory_space<hbm>> -> memref<4096x2048xf32, #tpu.memory_space<hbm>>
      tpu.enqueue_indirect_dma source(%arg11 : memref<32x2048xf32, #tpu.memory_space<vmem>>) target(%dma_start3A_427 : memref<4096x2048xf32, #tpu.memory_space<hbm>>) offsets(%dma_start3A_424 : memref<32xi32, #tpu.memory_space<vmem>>) semaphore(%arg14 : memref<!tpu.dma_semaphore, #tpu.memory_space<semaphore_mem>>)
      %dma_wait3A_428 = arith.constant 2 : i32
      %dma_wait3A_429 = arith.constant 0 : i32
      %dma_wait3A_430 = tpu.memref_slice %arg10[%dma_wait3A_428, %dma_wait3A_429] : memref<4x32xi32, #tpu.memory_space<vmem>> -> memref<1x32xi32, #tpu.memory_space<vmem>>
      %dma_wait3A_431 = tpu.memref_squeeze %dma_wait3A_430 : memref<1x32xi32, #tpu.memory_space<vmem>> -> memref<32xi32, #tpu.memory_space<vmem>>
      %dma_wait3A_432 = arith.constant 0 : i32
      %dma_wait3A_433 = arith.constant 0 : i32
      %dma_wait3A_434 = tpu.memref_slice %arg4[%dma_wait3A_432, %dma_wait3A_433] : memref<4096x2048xf32, #tpu.memory_space<hbm>> -> memref<4096x2048xf32, #tpu.memory_space<hbm>>
      tpu.wait_indirect_dma semaphore(%arg14 : memref<!tpu.dma_semaphore, #tpu.memory_space<semaphore_mem>>) src(%arg11 : memref<32x2048xf32, #tpu.memory_space<vmem>>) dst(%dma_wait3A_434 : memref<4096x2048xf32, #tpu.memory_space<hbm>>)
    } else {
    }
    %gt3A_408 = arith.constant 96 : i32
    %gt3A_409 = arith.cmpi sgt, %add3A_282, %gt3A_408 : i32
    %convert_element_type3A_410 = arith.extui %gt3A_409 : i1 to i32
    %cond3A_411 = arith.constant 0 : i32
    %cond3A_412 = arith.cmpi ne, %convert_element_type3A_410, %cond3A_411 : i32
    scf.if %cond3A_412 {
      %dma_start3A = arith.constant 96 : i32
      %dma_start3A_413 = tpu.memref_slice %arg8[%dma_start3A] : memref<128xi32, #tpu.memory_space<vmem>> -> memref<32xi32, #tpu.memory_space<vmem>>
      %dma_start3A_414 = arith.constant 0 : i32
      %dma_start3A_415 = arith.constant 0 : i32
      %dma_start3A_416 = tpu.memref_slice %arg3[%dma_start3A_414, %dma_start3A_415] : memref<4096x2048xf32, #tpu.memory_space<hbm>> -> memref<4096x2048xf32, #tpu.memory_space<hbm>>
      tpu.enqueue_indirect_dma source(%dma_start3A_416 : memref<4096x2048xf32, #tpu.memory_space<hbm>>) target(%arg11 : memref<32x2048xf32, #tpu.memory_space<vmem>>) offsets(%dma_start3A_413 : memref<32xi32, #tpu.memory_space<vmem>>) semaphore(%arg13 : memref<!tpu.dma_semaphore, #tpu.memory_space<semaphore_mem>>)
      %dma_wait3A = arith.constant 96 : i32
      %dma_wait3A_417 = tpu.memref_slice %arg8[%dma_wait3A] : memref<128xi32, #tpu.memory_space<vmem>> -> memref<32xi32, #tpu.memory_space<vmem>>
      %dma_wait3A_418 = arith.constant 0 : i32
      %dma_wait3A_419 = arith.constant 0 : i32
      %dma_wait3A_420 = tpu.memref_slice %arg3[%dma_wait3A_418, %dma_wait3A_419] : memref<4096x2048xf32, #tpu.memory_space<hbm>> -> memref<4096x2048xf32, #tpu.memory_space<hbm>>
      tpu.wait_indirect_dma semaphore(%arg13 : memref<!tpu.dma_semaphore, #tpu.memory_space<semaphore_mem>>) src(%dma_wait3A_420 : memref<4096x2048xf32, #tpu.memory_space<hbm>>) dst(%arg11 : memref<32x2048xf32, #tpu.memory_space<vmem>>)
      %dma_start3A_421 = arith.constant 3 : i32
      %dma_start3A_422 = arith.constant 0 : i32
      %dma_start3A_423 = tpu.memref_slice %arg10[%dma_start3A_421, %dma_start3A_422] : memref<4x32xi32, #tpu.memory_space<vmem>> -> memref<1x32xi32, #tpu.memory_space<vmem>>
      %dma_start3A_424 = tpu.memref_squeeze %dma_start3A_423 : memref<1x32xi32, #tpu.memory_space<vmem>> -> memref<32xi32, #tpu.memory_space<vmem>>
      %dma_start3A_425 = arith.constant 0 : i32
      %dma_start3A_426 = arith.constant 0 : i32
      %dma_start3A_427 = tpu.memref_slice %arg4[%dma_start3A_425, %dma_start3A_426] : memref<4096x2048xf32, #tpu.memory_space<hbm>> -> memref<4096x2048xf32, #tpu.memory_space<hbm>>
      tpu.enqueue_indirect_dma source(%arg11 : memref<32x2048xf32, #tpu.memory_space<vmem>>) target(%dma_start3A_427 : memref<4096x2048xf32, #tpu.memory_space<hbm>>) offsets(%dma_start3A_424 : memref<32xi32, #tpu.memory_space<vmem>>) semaphore(%arg14 : memref<!tpu.dma_semaphore, #tpu.memory_space<semaphore_mem>>)
      %dma_wait3A_428 = arith.constant 3 : i32
      %dma_wait3A_429 = arith.constant 0 : i32
      %dma_wait3A_430 = tpu.memref_slice %arg10[%dma_wait3A_428, %dma_wait3A_429] : memref<4x32xi32, #tpu.memory_space<vmem>> -> memref<1x32xi32, #tpu.memory_space<vmem>>
      %dma_wait3A_431 = tpu.memref_squeeze %dma_wait3A_430 : memref<1x32xi32, #tpu.memory_space<vmem>> -> memref<32xi32, #tpu.memory_space<vmem>>
      %dma_wait3A_432 = arith.constant 0 : i32
      %dma_wait3A_433 = arith.constant 0 : i32
      %dma_wait3A_434 = tpu.memref_slice %arg4[%dma_wait3A_432, %dma_wait3A_433] : memref<4096x2048xf32, #tpu.memory_space<hbm>> -> memref<4096x2048xf32, #tpu.memory_space<hbm>>
      tpu.wait_indirect_dma semaphore(%arg14 : memref<!tpu.dma_semaphore, #tpu.memory_space<semaphore_mem>>) src(%arg11 : memref<32x2048xf32, #tpu.memory_space<vmem>>) dst(%dma_wait3A_434 : memref<4096x2048xf32, #tpu.memory_space<hbm>>)
    } else {
    }
    return
  }
}

module attributes {stable_mosaic.version = 14 : i64} {
  func.func @_twophase_kernel(%arg0: i32, %arg1: i32, %arg2: memref<16xi32, #tpu.memory_space<smem>>, %arg3: memref<1024x2048xf32, #tpu.memory_space<vmem>>, %arg4: memref<512x2048xf32, #tpu.memory_space<vmem>>, %arg5: memref<2048x512xf32, #tpu.memory_space<vmem>>, %arg6: memref<512x2xf32, #tpu.memory_space<vmem>>, %arg7: memref<2048x512xf32, #tpu.memory_space<vmem>>, %arg8: memref<512x2xf32, #tpu.memory_space<vmem>>, %arg9: memref<2048x512xf32, #tpu.memory_space<vmem>>, %arg10: memref<512x2xf32, #tpu.memory_space<vmem>>, %arg11: memref<2048x512xf32, #tpu.memory_space<vmem>>, %arg12: memref<512x2xf32, #tpu.memory_space<vmem>>, %arg13: memref<1024x2xf32, #tpu.memory_space<vmem>>, %arg14: memref<1024x1xf32, #tpu.memory_space<vmem>>, %arg15: memref<512x2xf32, #tpu.memory_space<vmem>>) attributes {dimension_semantics = [#tpu.dimension_semantics<arbitrary>, #tpu.dimension_semantics<arbitrary>], iteration_bounds = array<i64: 12, 8>, scalar_prefetch = 1 : i64, scratch_operands = 0 : i64, tpu.core_type = #tpu.core_type<tc>, window_params = [{transform_indices = @transform_0, window_bounds = array<i64: 1024, 2048>}, {transform_indices = @transform_1, window_bounds = array<i64: 512, 2048>}, {transform_indices = @transform_2, window_bounds = array<i64: 2048, 512>}, {transform_indices = @transform_3, window_bounds = array<i64: 512, 2>}, {transform_indices = @transform_4, window_bounds = array<i64: 2048, 512>}, {transform_indices = @transform_5, window_bounds = array<i64: 512, 2>}, {transform_indices = @transform_6, window_bounds = array<i64: 2048, 512>}, {transform_indices = @transform_7, window_bounds = array<i64: 512, 2>}, {transform_indices = @transform_8, window_bounds = array<i64: 2048, 512>}, {transform_indices = @transform_9, window_bounds = array<i64: 512, 2>}, {transform_indices = @transform_10, window_bounds = array<i64: 1024, 2>}, {transform_indices = @transform_11, window_bounds = array<i64: 1024, 1>}, {transform_indices = @transform_12, window_bounds = array<i64: 512, 2>}]} {
    %get3A = arith.constant 0 : index
    %get3A_0 = memref.load %arg2[%get3A] : memref<16xi32, #tpu.memory_space<smem>>
    %add3A = arith.constant 512 : i32
    %add3A_1 = arith.addi %get3A_0, %add3A : i32
    %sub3A = arith.constant 1 : i32
    %sub3A_2 = arith.subi %add3A_1, %sub3A : i32
    %jit3A = arith.constant 512 : i32
    %div3A = arith.divsi %sub3A_2, %jit3A : i32
    %sign3A = arith.constant 0 : i32
    %sign3A_3 = arith.cmpi sgt, %sub3A_2, %sign3A : i32
    %sign3A_4 = arith.extui %sign3A_3 : i1 to i32
    %sign3A_5 = arith.constant 0 : i32
    %sign3A_6 = arith.cmpi slt, %sub3A_2, %sign3A_5 : i32
    %sign3A_7 = arith.extui %sign3A_6 : i1 to i32
    %sign3A_8 = arith.subi %sign3A_4, %sign3A_7 : i32
    %sign3A_9 = arith.constant 0 : i32
    %sign3A_10 = arith.cmpi sgt, %jit3A, %sign3A_9 : i32
    %sign3A_11 = arith.extui %sign3A_10 : i1 to i32
    %sign3A_12 = arith.constant 0 : i32
    %sign3A_13 = arith.cmpi slt, %jit3A, %sign3A_12 : i32
    %sign3A_14 = arith.extui %sign3A_13 : i1 to i32
    %sign3A_15 = arith.subi %sign3A_11, %sign3A_14 : i32
    %ne3A = arith.cmpi ne, %sign3A_8, %sign3A_15 : i32
    %rem3A = arith.remsi %sub3A_2, %jit3A : i32
    %ne3A_16 = arith.constant 0 : i32
    %ne3A_17 = arith.cmpi ne, %rem3A, %ne3A_16 : i32
    %and3A = arith.andi %ne3A, %ne3A_17 : i1
    %sub3A_18 = arith.constant 1 : i32
    %sub3A_19 = arith.subi %div3A, %sub3A_18 : i32
    %select_n3A = arith.select %and3A, %sub3A_19, %div3A : i32
    %lt3A = arith.constant 4 : i32
    %lt3A_20 = arith.cmpi slt, %arg0, %lt3A : i32
    %convert_element_type3A = arith.extui %lt3A_20 : i1 to i32
    %cond3A = arith.constant 0 : i32
    %cond3A_21 = arith.cmpi ne, %convert_element_type3A, %cond3A : i32
    scf.if %cond3A_21 {
      %get3A_30 = arith.constant 0 : index
      %get3A_31 = arith.constant 0 : index
      %get3A_32 = vector.load %arg3[%get3A_30, %get3A_31] : memref<1024x2048xf32, #tpu.memory_space<vmem>>, vector<1024x2048xf32>
      %get3A_33 = arith.constant 0 : index
      %get3A_34 = arith.constant 0 : index
      %get3A_35 = vector.load %arg5[%get3A_33, %get3A_34] : memref<2048x512xf32, #tpu.memory_space<vmem>>, vector<2048x512xf32>
      %dot_general3A = arith.constant dense<0.000000e+00> : vector<1024x512xf32>
      %dot_general3A_36 = tpu.matmul %get3A_32, %get3A_35, %dot_general3A {dimension_numbers = #tpu.dot_dimension_numbers<[1], [0], [0], [1], [0, 0, 1, 1], [], []>, transpose_lhs_hint = false} : vector<1024x2048xf32>, vector<2048x512xf32>, vector<1024x512xf32> -> vector<1024x512xf32>
      %integer_pow3A = arith.mulf %dot_general3A_36, %dot_general3A_36 : vector<1024x512xf32>
      %integer_pow3A_37 = arith.mulf %dot_general3A_36, %integer_pow3A : vector<1024x512xf32>
      %mul3A = arith.constant 4.471500e-02 : f32
      %mul3A_38 = vector.broadcast %mul3A : f32 to vector<1024x512xf32>
      %mul3A_39 = arith.mulf %mul3A_38, %integer_pow3A_37 : vector<1024x512xf32>
      %add3A_40 = arith.addf %dot_general3A_36, %mul3A_39 : vector<1024x512xf32>
      %mul3A_41 = arith.constant 0.797884583 : f32
      %mul3A_42 = vector.broadcast %mul3A_41 : f32 to vector<1024x512xf32>
      %mul3A_43 = arith.mulf %mul3A_42, %add3A_40 : vector<1024x512xf32>
      %tanh3A = math.tanh %mul3A_43 : vector<1024x512xf32>
      %add3A_44 = arith.constant 1.000000e+00 : f32
      %add3A_45 = vector.broadcast %add3A_44 : f32 to vector<1024x512xf32>
      %add3A_46 = arith.addf %add3A_45, %tanh3A : vector<1024x512xf32>
      %mul3A_47 = arith.constant 5.000000e-01 : f32
      %mul3A_48 = vector.broadcast %mul3A_47 : f32 to vector<1024x512xf32>
      %mul3A_49 = arith.mulf %mul3A_48, %add3A_46 : vector<1024x512xf32>
      %mul3A_50 = arith.mulf %dot_general3A_36, %mul3A_49 : vector<1024x512xf32>
      %get3A_51 = arith.constant 0 : index
      %get3A_52 = arith.constant 0 : index
      %get3A_53 = vector.load %arg6[%get3A_51, %get3A_52] : memref<512x2xf32, #tpu.memory_space<vmem>>, vector<512x2xf32>
      %dot_general3A_54 = arith.constant dense<0.000000e+00> : vector<1024x2xf32>
      %dot_general3A_55 = tpu.matmul %mul3A_50, %get3A_53, %dot_general3A_54 {dimension_numbers = #tpu.dot_dimension_numbers<[1], [0], [0], [1], [0, 0, 1, 1], [], []>, transpose_lhs_hint = false} : vector<1024x512xf32>, vector<512x2xf32>, vector<1024x2xf32> -> vector<1024x2xf32>
      %get3A_56 = arith.constant 0 : index
      %get3A_57 = arith.constant 0 : index
      %get3A_58 = vector.load %arg7[%get3A_56, %get3A_57] : memref<2048x512xf32, #tpu.memory_space<vmem>>, vector<2048x512xf32>
      %dot_general3A_59 = arith.constant dense<0.000000e+00> : vector<1024x512xf32>
      %dot_general3A_60 = tpu.matmul %get3A_32, %get3A_58, %dot_general3A_59 {dimension_numbers = #tpu.dot_dimension_numbers<[1], [0], [0], [1], [0, 0, 1, 1], [], []>, transpose_lhs_hint = false} : vector<1024x2048xf32>, vector<2048x512xf32>, vector<1024x512xf32> -> vector<1024x512xf32>
      %integer_pow3A_61 = arith.mulf %dot_general3A_60, %dot_general3A_60 : vector<1024x512xf32>
      %integer_pow3A_62 = arith.mulf %dot_general3A_60, %integer_pow3A_61 : vector<1024x512xf32>
      %mul3A_63 = arith.constant 4.471500e-02 : f32
      %mul3A_64 = vector.broadcast %mul3A_63 : f32 to vector<1024x512xf32>
      %mul3A_65 = arith.mulf %mul3A_64, %integer_pow3A_62 : vector<1024x512xf32>
      %add3A_66 = arith.addf %dot_general3A_60, %mul3A_65 : vector<1024x512xf32>
      %mul3A_67 = arith.constant 0.797884583 : f32
      %mul3A_68 = vector.broadcast %mul3A_67 : f32 to vector<1024x512xf32>
      %mul3A_69 = arith.mulf %mul3A_68, %add3A_66 : vector<1024x512xf32>
      %tanh3A_70 = math.tanh %mul3A_69 : vector<1024x512xf32>
      %add3A_71 = arith.constant 1.000000e+00 : f32
      %add3A_72 = vector.broadcast %add3A_71 : f32 to vector<1024x512xf32>
      %add3A_73 = arith.addf %add3A_72, %tanh3A_70 : vector<1024x512xf32>
      %mul3A_74 = arith.constant 5.000000e-01 : f32
      %mul3A_75 = vector.broadcast %mul3A_74 : f32 to vector<1024x512xf32>
      %mul3A_76 = arith.mulf %mul3A_75, %add3A_73 : vector<1024x512xf32>
      %mul3A_77 = arith.mulf %dot_general3A_60, %mul3A_76 : vector<1024x512xf32>
      %get3A_78 = arith.constant 0 : index
      %get3A_79 = arith.constant 0 : index
      %get3A_80 = vector.load %arg8[%get3A_78, %get3A_79] : memref<512x2xf32, #tpu.memory_space<vmem>>, vector<512x2xf32>
      %dot_general3A_81 = arith.constant dense<0.000000e+00> : vector<1024x2xf32>
      %dot_general3A_82 = tpu.matmul %mul3A_77, %get3A_80, %dot_general3A_81 {dimension_numbers = #tpu.dot_dimension_numbers<[1], [0], [0], [1], [0, 0, 1, 1], [], []>, transpose_lhs_hint = false} : vector<1024x512xf32>, vector<512x2xf32>, vector<1024x2xf32> -> vector<1024x2xf32>
      %add3A_83 = arith.addf %dot_general3A_55, %dot_general3A_82 : vector<1024x2xf32>
      %eq3A = arith.constant 0 : i32
      %eq3A_84 = arith.cmpi eq, %arg1, %eq3A : i32
      %convert_element_type3A_85 = arith.extui %eq3A_84 : i1 to i32
      %cond3A_86 = arith.constant 0 : i32
      %cond3A_87 = arith.cmpi ne, %convert_element_type3A_85, %cond3A_86 : i32
      scf.if %cond3A_87 {
        %swap3A = arith.constant 0 : index
        %swap3A_97 = arith.constant 0 : index
        %swap3A_98 = vector.load %arg13[%swap3A, %swap3A_97] : memref<1024x2xf32, #tpu.memory_space<vmem>>, vector<1024x2xf32>
        tpu.vector_store %arg13[%swap3A, %swap3A_97], %add3A_83 {strides = array<i32>} : memref<1024x2xf32, #tpu.memory_space<vmem>>, vector<1024x2xf32>,
      } else {
      }
      %gt3A = arith.constant 0 : i32
      %gt3A_88 = arith.cmpi sgt, %arg1, %gt3A : i32
      %convert_element_type3A_89 = arith.extui %gt3A_88 : i1 to i32
      %cond3A_90 = arith.constant 0 : i32
      %cond3A_91 = arith.cmpi ne, %convert_element_type3A_89, %cond3A_90 : i32
      scf.if %cond3A_91 {
        %get3A_97 = arith.constant 0 : index
        %get3A_98 = arith.constant 0 : index
        %get3A_99 = vector.load %arg13[%get3A_97, %get3A_98] : memref<1024x2xf32, #tpu.memory_space<vmem>>, vector<1024x2xf32>
        %add3A_100 = arith.addf %get3A_99, %add3A_83 : vector<1024x2xf32>
        %swap3A = arith.constant 0 : index
        %swap3A_101 = arith.constant 0 : index
        %swap3A_102 = vector.load %arg13[%swap3A, %swap3A_101] : memref<1024x2xf32, #tpu.memory_space<vmem>>, vector<1024x2xf32>
        tpu.vector_store %arg13[%swap3A, %swap3A_101], %add3A_100 {strides = array<i32>} : memref<1024x2xf32, #tpu.memory_space<vmem>>, vector<1024x2xf32>,
      } else {
      }
      %eq3A_92 = arith.constant 7 : i32
      %eq3A_93 = arith.cmpi eq, %arg1, %eq3A_92 : i32
      %convert_element_type3A_94 = arith.extui %eq3A_93 : i1 to i32
      %cond3A_95 = arith.constant 0 : i32
      %cond3A_96 = arith.cmpi ne, %convert_element_type3A_94, %cond3A_95 : i32
      scf.if %cond3A_96 {
        %get3A_97 = arith.constant 0 : index
        %get3A_98 = arith.constant 0 : index
        %get3A_99 = vector.load %arg13[%get3A_97, %get3A_98] : memref<1024x2xf32, #tpu.memory_space<vmem>>, vector<1024x2xf32>
        %slice3A = vector.extract_strided_slice %get3A_99 {offsets = [0, 1], sizes = [1024, 1], strides = [1, 1]} : vector<1024x2xf32> to vector<1024x1xf32>
        %slice3A_100 = vector.extract_strided_slice %get3A_99 {offsets = [0, 0], sizes = [1024, 1], strides = [1, 1]} : vector<1024x2xf32> to vector<1024x1xf32>
        %gt3A_101 = arith.cmpf ogt, %slice3A, %slice3A_100 : vector<1024x1xf32>
        %convert_element_type3A_102 = arith.extui %gt3A_101 : vector<1024x1xi1> to vector<1024x1xi32>
        %convert_element_type3A_103 = arith.sitofp %convert_element_type3A_102 : vector<1024x1xi32> to vector<1024x1xf32>
        %swap3A = arith.constant 0 : index
        %swap3A_104 = arith.constant 0 : index
        %swap3A_105 = vector.load %arg14[%swap3A, %swap3A_104] : memref<1024x1xf32, #tpu.memory_space<vmem>>, vector<1024x1xf32>
        tpu.vector_store %arg14[%swap3A, %swap3A_104], %convert_element_type3A_103 {strides = array<i32>} : memref<1024x1xf32, #tpu.memory_space<vmem>>, vector<1024x1xf32>,
      } else {
      }
    } else {
    }
    %ge3A = arith.constant 4 : i32
    %ge3A_22 = arith.cmpi sge, %arg0, %ge3A : i32
    %sub3A_23 = arith.constant 4 : i32
    %sub3A_24 = arith.subi %arg0, %sub3A_23 : i32
    %lt3A_25 = arith.cmpi slt, %sub3A_24, %select_n3A : i32
    %and3A_26 = arith.andi %ge3A_22, %lt3A_25 : i1
    %convert_element_type3A_27 = arith.extui %and3A_26 : i1 to i32
    %cond3A_28 = arith.constant 0 : i32
    %cond3A_29 = arith.cmpi ne, %convert_element_type3A_27, %cond3A_28 : i32
    scf.if %cond3A_29 {
      %get3A_30 = arith.constant 0 : index
      %get3A_31 = arith.constant 0 : index
      %get3A_32 = vector.load %arg4[%get3A_30, %get3A_31] : memref<512x2048xf32, #tpu.memory_space<vmem>>, vector<512x2048xf32>
      %get3A_33 = arith.constant 0 : index
      %get3A_34 = arith.constant 0 : index
      %get3A_35 = vector.load %arg9[%get3A_33, %get3A_34] : memref<2048x512xf32, #tpu.memory_space<vmem>>, vector<2048x512xf32>
      %dot_general3A = arith.constant dense<0.000000e+00> : vector<512x512xf32>
      %dot_general3A_36 = tpu.matmul %get3A_32, %get3A_35, %dot_general3A {dimension_numbers = #tpu.dot_dimension_numbers<[1], [0], [0], [1], [0, 0, 1, 1], [], []>, transpose_lhs_hint = false} : vector<512x2048xf32>, vector<2048x512xf32>, vector<512x512xf32> -> vector<512x512xf32>
      %integer_pow3A = arith.mulf %dot_general3A_36, %dot_general3A_36 : vector<512x512xf32>
      %integer_pow3A_37 = arith.mulf %dot_general3A_36, %integer_pow3A : vector<512x512xf32>
      %mul3A = arith.constant 4.471500e-02 : f32
      %mul3A_38 = vector.broadcast %mul3A : f32 to vector<512x512xf32>
      %mul3A_39 = arith.mulf %mul3A_38, %integer_pow3A_37 : vector<512x512xf32>
      %add3A_40 = arith.addf %dot_general3A_36, %mul3A_39 : vector<512x512xf32>
      %mul3A_41 = arith.constant 0.797884583 : f32
      %mul3A_42 = vector.broadcast %mul3A_41 : f32 to vector<512x512xf32>
      %mul3A_43 = arith.mulf %mul3A_42, %add3A_40 : vector<512x512xf32>
      %tanh3A = math.tanh %mul3A_43 : vector<512x512xf32>
      %add3A_44 = arith.constant 1.000000e+00 : f32
      %add3A_45 = vector.broadcast %add3A_44 : f32 to vector<512x512xf32>
      %add3A_46 = arith.addf %add3A_45, %tanh3A : vector<512x512xf32>
      %mul3A_47 = arith.constant 5.000000e-01 : f32
      %mul3A_48 = vector.broadcast %mul3A_47 : f32 to vector<512x512xf32>
      %mul3A_49 = arith.mulf %mul3A_48, %add3A_46 : vector<512x512xf32>
      %mul3A_50 = arith.mulf %dot_general3A_36, %mul3A_49 : vector<512x512xf32>
      %get3A_51 = arith.constant 0 : index
      %get3A_52 = arith.constant 0 : index
      %get3A_53 = vector.load %arg10[%get3A_51, %get3A_52] : memref<512x2xf32, #tpu.memory_space<vmem>>, vector<512x2xf32>
      %dot_general3A_54 = arith.constant dense<0.000000e+00> : vector<512x2xf32>
      %dot_general3A_55 = tpu.matmul %mul3A_50, %get3A_53, %dot_general3A_54 {dimension_numbers = #tpu.dot_dimension_numbers<[1], [0], [0], [1], [0, 0, 1, 1], [], []>, transpose_lhs_hint = false} : vector<512x512xf32>, vector<512x2xf32>, vector<512x2xf32> -> vector<512x2xf32>
      %get3A_56 = arith.constant 0 : index
      %get3A_57 = arith.constant 0 : index
      %get3A_58 = vector.load %arg11[%get3A_56, %get3A_57] : memref<2048x512xf32, #tpu.memory_space<vmem>>, vector<2048x512xf32>
      %dot_general3A_59 = arith.constant dense<0.000000e+00> : vector<512x512xf32>
      %dot_general3A_60 = tpu.matmul %get3A_32, %get3A_58, %dot_general3A_59 {dimension_numbers = #tpu.dot_dimension_numbers<[1], [0], [0], [1], [0, 0, 1, 1], [], []>, transpose_lhs_hint = false} : vector<512x2048xf32>, vector<2048x512xf32>, vector<512x512xf32> -> vector<512x512xf32>
      %integer_pow3A_61 = arith.mulf %dot_general3A_60, %dot_general3A_60 : vector<512x512xf32>
      %integer_pow3A_62 = arith.mulf %dot_general3A_60, %integer_pow3A_61 : vector<512x512xf32>
      %mul3A_63 = arith.constant 4.471500e-02 : f32
      %mul3A_64 = vector.broadcast %mul3A_63 : f32 to vector<512x512xf32>
      %mul3A_65 = arith.mulf %mul3A_64, %integer_pow3A_62 : vector<512x512xf32>
      %add3A_66 = arith.addf %dot_general3A_60, %mul3A_65 : vector<512x512xf32>
      %mul3A_67 = arith.constant 0.797884583 : f32
      %mul3A_68 = vector.broadcast %mul3A_67 : f32 to vector<512x512xf32>
      %mul3A_69 = arith.mulf %mul3A_68, %add3A_66 : vector<512x512xf32>
      %tanh3A_70 = math.tanh %mul3A_69 : vector<512x512xf32>
      %add3A_71 = arith.constant 1.000000e+00 : f32
      %add3A_72 = vector.broadcast %add3A_71 : f32 to vector<512x512xf32>
      %add3A_73 = arith.addf %add3A_72, %tanh3A_70 : vector<512x512xf32>
      %mul3A_74 = arith.constant 5.000000e-01 : f32
      %mul3A_75 = vector.broadcast %mul3A_74 : f32 to vector<512x512xf32>
      %mul3A_76 = arith.mulf %mul3A_75, %add3A_73 : vector<512x512xf32>
      %mul3A_77 = arith.mulf %dot_general3A_60, %mul3A_76 : vector<512x512xf32>
      %get3A_78 = arith.constant 0 : index
      %get3A_79 = arith.constant 0 : index
      %get3A_80 = vector.load %arg12[%get3A_78, %get3A_79] : memref<512x2xf32, #tpu.memory_space<vmem>>, vector<512x2xf32>
      %dot_general3A_81 = arith.constant dense<0.000000e+00> : vector<512x2xf32>
      %dot_general3A_82 = tpu.matmul %mul3A_77, %get3A_80, %dot_general3A_81 {dimension_numbers = #tpu.dot_dimension_numbers<[1], [0], [0], [1], [0, 0, 1, 1], [], []>, transpose_lhs_hint = false} : vector<512x512xf32>, vector<512x2xf32>, vector<512x2xf32> -> vector<512x2xf32>
      %add3A_83 = arith.addf %dot_general3A_55, %dot_general3A_82 : vector<512x2xf32>
      %eq3A = arith.constant 0 : i32
      %eq3A_84 = arith.cmpi eq, %arg1, %eq3A : i32
      %convert_element_type3A_85 = arith.extui %eq3A_84 : i1 to i32
      %cond3A_86 = arith.constant 0 : i32
      %cond3A_87 = arith.cmpi ne, %convert_element_type3A_85, %cond3A_86 : i32
      scf.if %cond3A_87 {
        %swap3A = arith.constant 0 : index
        %swap3A_92 = arith.constant 0 : index
        %swap3A_93 = vector.load %arg15[%swap3A, %swap3A_92] : memref<512x2xf32, #tpu.memory_space<vmem>>, vector<512x2xf32>
        tpu.vector_store %arg15[%swap3A, %swap3A_92], %add3A_83 {strides = array<i32>} : memref<512x2xf32, #tpu.memory_space<vmem>>, vector<512x2xf32>,
      } else {
      }
      %gt3A = arith.constant 0 : i32
      %gt3A_88 = arith.cmpi sgt, %arg1, %gt3A : i32
      %convert_element_type3A_89 = arith.extui %gt3A_88 : i1 to i32
      %cond3A_90 = arith.constant 0 : i32
      %cond3A_91 = arith.cmpi ne, %convert_element_type3A_89, %cond3A_90 : i32
      scf.if %cond3A_91 {
        %get3A_92 = arith.constant 0 : index
        %get3A_93 = arith.constant 0 : index
        %get3A_94 = vector.load %arg15[%get3A_92, %get3A_93] : memref<512x2xf32, #tpu.memory_space<vmem>>, vector<512x2xf32>
        %add3A_95 = arith.addf %get3A_94, %add3A_83 : vector<512x2xf32>
        %swap3A = arith.constant 0 : index
        %swap3A_96 = arith.constant 0 : index
        %swap3A_97 = vector.load %arg15[%swap3A, %swap3A_96] : memref<512x2xf32, #tpu.memory_space<vmem>>, vector<512x2xf32>
        tpu.vector_store %arg15[%swap3A, %swap3A_96], %add3A_95 {strides = array<i32>} : memref<512x2xf32, #tpu.memory_space<vmem>>, vector<512x2xf32>,
      } else {
      }
    } else {
    }
    return
  }
  func.func @transform_0(%arg0: i32, %arg1: i32, %arg2: memref<16xi32, #tpu.memory_space<smem>>) -> (i32, i32) {
    %min3A = arith.constant 3 : i32
    %min3A_0 = arith.minsi %arg0, %min3A : i32
    %c0_i32 = arith.constant 0 : i32
    %c0_i32_1 = arith.constant 0 : i32
    return %min3A_0, %c0_i32 : i32, i32
  }
  func.func @transform_1(%arg0: i32, %arg1: i32, %arg2: memref<16xi32, #tpu.memory_space<smem>>) -> (i32, i32) {
    %sub3A = arith.constant 4 : i32
    %sub3A_0 = arith.subi %arg0, %sub3A : i32
    %max3A = arith.constant 0 : i32
    %max3A_1 = arith.maxsi %sub3A_0, %max3A : i32
    %get3A = arith.constant 0 : index
    %get3A_2 = memref.load %arg2[%get3A] : memref<16xi32, #tpu.memory_space<smem>>
    %add3A = arith.constant 512 : i32
    %add3A_3 = arith.addi %get3A_2, %add3A : i32
    %sub3A_4 = arith.constant 1 : i32
    %sub3A_5 = arith.subi %add3A_3, %sub3A_4 : i32
    %jit3A = arith.constant 512 : i32
    %div3A = arith.divsi %sub3A_5, %jit3A : i32
    %sign3A = arith.constant 0 : i32
    %sign3A_6 = arith.cmpi sgt, %sub3A_5, %sign3A : i32
    %sign3A_7 = arith.extui %sign3A_6 : i1 to i32
    %sign3A_8 = arith.constant 0 : i32
    %sign3A_9 = arith.cmpi slt, %sub3A_5, %sign3A_8 : i32
    %sign3A_10 = arith.extui %sign3A_9 : i1 to i32
    %sign3A_11 = arith.subi %sign3A_7, %sign3A_10 : i32
    %sign3A_12 = arith.constant 0 : i32
    %sign3A_13 = arith.cmpi sgt, %jit3A, %sign3A_12 : i32
    %sign3A_14 = arith.extui %sign3A_13 : i1 to i32
    %sign3A_15 = arith.constant 0 : i32
    %sign3A_16 = arith.cmpi slt, %jit3A, %sign3A_15 : i32
    %sign3A_17 = arith.extui %sign3A_16 : i1 to i32
    %sign3A_18 = arith.subi %sign3A_14, %sign3A_17 : i32
    %ne3A = arith.cmpi ne, %sign3A_11, %sign3A_18 : i32
    %rem3A = arith.remsi %sub3A_5, %jit3A : i32
    %ne3A_19 = arith.constant 0 : i32
    %ne3A_20 = arith.cmpi ne, %rem3A, %ne3A_19 : i32
    %and3A = arith.andi %ne3A, %ne3A_20 : i1
    %sub3A_21 = arith.constant 1 : i32
    %sub3A_22 = arith.subi %div3A, %sub3A_21 : i32
    %select_n3A = arith.select %and3A, %sub3A_22, %div3A : i32
    %sub3A_23 = arith.constant 1 : i32
    %sub3A_24 = arith.subi %select_n3A, %sub3A_23 : i32
    %max3A_25 = arith.constant 0 : i32
    %max3A_26 = arith.maxsi %sub3A_24, %max3A_25 : i32
    %min3A = arith.minsi %max3A_1, %max3A_26 : i32
    %c0_i32 = arith.constant 0 : i32
    %c0_i32_27 = arith.constant 0 : i32
    return %min3A, %c0_i32 : i32, i32
  }
  func.func @transform_2(%arg0: i32, %arg1: i32, %arg2: memref<16xi32, #tpu.memory_space<smem>>) -> (i32, i32) {
    %lt3A = arith.constant 4 : i32
    %lt3A_0 = arith.cmpi slt, %arg0, %lt3A : i32
    %jit3A = arith.constant 7 : i32
    %select_n3A = arith.select %lt3A_0, %arg1, %jit3A : i32
    %c0_i32 = arith.constant 0 : i32
    %c0_i32_1 = arith.constant 0 : i32
    return %c0_i32, %select_n3A : i32, i32
  }
  func.func @transform_3(%arg0: i32, %arg1: i32, %arg2: memref<16xi32, #tpu.memory_space<smem>>) -> (i32, i32) {
    %lt3A = arith.constant 4 : i32
    %lt3A_0 = arith.cmpi slt, %arg0, %lt3A : i32
    %jit3A = arith.constant 7 : i32
    %select_n3A = arith.select %lt3A_0, %arg1, %jit3A : i32
    %c0_i32 = arith.constant 0 : i32
    %c0_i32_1 = arith.constant 0 : i32
    return %select_n3A, %c0_i32 : i32, i32
  }
  func.func @transform_4(%arg0: i32, %arg1: i32, %arg2: memref<16xi32, #tpu.memory_space<smem>>) -> (i32, i32) {
    %lt3A = arith.constant 4 : i32
    %lt3A_0 = arith.cmpi slt, %arg0, %lt3A : i32
    %jit3A = arith.constant 7 : i32
    %select_n3A = arith.select %lt3A_0, %arg1, %jit3A : i32
    %c0_i32 = arith.constant 0 : i32
    %c0_i32_1 = arith.constant 0 : i32
    return %c0_i32, %select_n3A : i32, i32
  }
  func.func @transform_5(%arg0: i32, %arg1: i32, %arg2: memref<16xi32, #tpu.memory_space<smem>>) -> (i32, i32) {
    %lt3A = arith.constant 4 : i32
    %lt3A_0 = arith.cmpi slt, %arg0, %lt3A : i32
    %jit3A = arith.constant 7 : i32
    %select_n3A = arith.select %lt3A_0, %arg1, %jit3A : i32
    %c0_i32 = arith.constant 0 : i32
    %c0_i32_1 = arith.constant 0 : i32
    return %select_n3A, %c0_i32 : i32, i32
  }
  func.func @transform_6(%arg0: i32, %arg1: i32, %arg2: memref<16xi32, #tpu.memory_space<smem>>) -> (i32, i32) {
    %ge3A = arith.constant 4 : i32
    %ge3A_0 = arith.cmpi sge, %arg0, %ge3A : i32
    %sub3A = arith.constant 4 : i32
    %sub3A_1 = arith.subi %arg0, %sub3A : i32
    %get3A = arith.constant 0 : index
    %get3A_2 = memref.load %arg2[%get3A] : memref<16xi32, #tpu.memory_space<smem>>
    %add3A = arith.constant 512 : i32
    %add3A_3 = arith.addi %get3A_2, %add3A : i32
    %sub3A_4 = arith.constant 1 : i32
    %sub3A_5 = arith.subi %add3A_3, %sub3A_4 : i32
    %jit3A = arith.constant 512 : i32
    %div3A = arith.divsi %sub3A_5, %jit3A : i32
    %sign3A = arith.constant 0 : i32
    %sign3A_6 = arith.cmpi sgt, %sub3A_5, %sign3A : i32
    %sign3A_7 = arith.extui %sign3A_6 : i1 to i32
    %sign3A_8 = arith.constant 0 : i32
    %sign3A_9 = arith.cmpi slt, %sub3A_5, %sign3A_8 : i32
    %sign3A_10 = arith.extui %sign3A_9 : i1 to i32
    %sign3A_11 = arith.subi %sign3A_7, %sign3A_10 : i32
    %sign3A_12 = arith.constant 0 : i32
    %sign3A_13 = arith.cmpi sgt, %jit3A, %sign3A_12 : i32
    %sign3A_14 = arith.extui %sign3A_13 : i1 to i32
    %sign3A_15 = arith.constant 0 : i32
    %sign3A_16 = arith.cmpi slt, %jit3A, %sign3A_15 : i32
    %sign3A_17 = arith.extui %sign3A_16 : i1 to i32
    %sign3A_18 = arith.subi %sign3A_14, %sign3A_17 : i32
    %ne3A = arith.cmpi ne, %sign3A_11, %sign3A_18 : i32
    %rem3A = arith.remsi %sub3A_5, %jit3A : i32
    %ne3A_19 = arith.constant 0 : i32
    %ne3A_20 = arith.cmpi ne, %rem3A, %ne3A_19 : i32
    %and3A = arith.andi %ne3A, %ne3A_20 : i1
    %sub3A_21 = arith.constant 1 : i32
    %sub3A_22 = arith.subi %div3A, %sub3A_21 : i32
    %select_n3A = arith.select %and3A, %sub3A_22, %div3A : i32
    %lt3A = arith.cmpi slt, %sub3A_1, %select_n3A : i32
    %and3A_23 = arith.andi %ge3A_0, %lt3A : i1
    %jit3A_24 = arith.constant 0 : i32
    %select_n3A_25 = arith.select %and3A_23, %arg1, %jit3A_24 : i32
    %c0_i32 = arith.constant 0 : i32
    %c0_i32_26 = arith.constant 0 : i32
    return %c0_i32, %select_n3A_25 : i32, i32
  }
  func.func @transform_7(%arg0: i32, %arg1: i32, %arg2: memref<16xi32, #tpu.memory_space<smem>>) -> (i32, i32) {
    %ge3A = arith.constant 4 : i32
    %ge3A_0 = arith.cmpi sge, %arg0, %ge3A : i32
    %sub3A = arith.constant 4 : i32
    %sub3A_1 = arith.subi %arg0, %sub3A : i32
    %get3A = arith.constant 0 : index
    %get3A_2 = memref.load %arg2[%get3A] : memref<16xi32, #tpu.memory_space<smem>>
    %add3A = arith.constant 512 : i32
    %add3A_3 = arith.addi %get3A_2, %add3A : i32
    %sub3A_4 = arith.constant 1 : i32
    %sub3A_5 = arith.subi %add3A_3, %sub3A_4 : i32
    %jit3A = arith.constant 512 : i32
    %div3A = arith.divsi %sub3A_5, %jit3A : i32
    %sign3A = arith.constant 0 : i32
    %sign3A_6 = arith.cmpi sgt, %sub3A_5, %sign3A : i32
    %sign3A_7 = arith.extui %sign3A_6 : i1 to i32
    %sign3A_8 = arith.constant 0 : i32
    %sign3A_9 = arith.cmpi slt, %sub3A_5, %sign3A_8 : i32
    %sign3A_10 = arith.extui %sign3A_9 : i1 to i32
    %sign3A_11 = arith.subi %sign3A_7, %sign3A_10 : i32
    %sign3A_12 = arith.constant 0 : i32
    %sign3A_13 = arith.cmpi sgt, %jit3A, %sign3A_12 : i32
    %sign3A_14 = arith.extui %sign3A_13 : i1 to i32
    %sign3A_15 = arith.constant 0 : i32
    %sign3A_16 = arith.cmpi slt, %jit3A, %sign3A_15 : i32
    %sign3A_17 = arith.extui %sign3A_16 : i1 to i32
    %sign3A_18 = arith.subi %sign3A_14, %sign3A_17 : i32
    %ne3A = arith.cmpi ne, %sign3A_11, %sign3A_18 : i32
    %rem3A = arith.remsi %sub3A_5, %jit3A : i32
    %ne3A_19 = arith.constant 0 : i32
    %ne3A_20 = arith.cmpi ne, %rem3A, %ne3A_19 : i32
    %and3A = arith.andi %ne3A, %ne3A_20 : i1
    %sub3A_21 = arith.constant 1 : i32
    %sub3A_22 = arith.subi %div3A, %sub3A_21 : i32
    %select_n3A = arith.select %and3A, %sub3A_22, %div3A : i32
    %lt3A = arith.cmpi slt, %sub3A_1, %select_n3A : i32
    %and3A_23 = arith.andi %ge3A_0, %lt3A : i1
    %jit3A_24 = arith.constant 0 : i32
    %select_n3A_25 = arith.select %and3A_23, %arg1, %jit3A_24 : i32
    %c0_i32 = arith.constant 0 : i32
    %c0_i32_26 = arith.constant 0 : i32
    return %select_n3A_25, %c0_i32 : i32, i32
  }
  func.func @transform_8(%arg0: i32, %arg1: i32, %arg2: memref<16xi32, #tpu.memory_space<smem>>) -> (i32, i32) {
    %ge3A = arith.constant 4 : i32
    %ge3A_0 = arith.cmpi sge, %arg0, %ge3A : i32
    %sub3A = arith.constant 4 : i32
    %sub3A_1 = arith.subi %arg0, %sub3A : i32
    %get3A = arith.constant 0 : index
    %get3A_2 = memref.load %arg2[%get3A] : memref<16xi32, #tpu.memory_space<smem>>
    %add3A = arith.constant 512 : i32
    %add3A_3 = arith.addi %get3A_2, %add3A : i32
    %sub3A_4 = arith.constant 1 : i32
    %sub3A_5 = arith.subi %add3A_3, %sub3A_4 : i32
    %jit3A = arith.constant 512 : i32
    %div3A = arith.divsi %sub3A_5, %jit3A : i32
    %sign3A = arith.constant 0 : i32
    %sign3A_6 = arith.cmpi sgt, %sub3A_5, %sign3A : i32
    %sign3A_7 = arith.extui %sign3A_6 : i1 to i32
    %sign3A_8 = arith.constant 0 : i32
    %sign3A_9 = arith.cmpi slt, %sub3A_5, %sign3A_8 : i32
    %sign3A_10 = arith.extui %sign3A_9 : i1 to i32
    %sign3A_11 = arith.subi %sign3A_7, %sign3A_10 : i32
    %sign3A_12 = arith.constant 0 : i32
    %sign3A_13 = arith.cmpi sgt, %jit3A, %sign3A_12 : i32
    %sign3A_14 = arith.extui %sign3A_13 : i1 to i32
    %sign3A_15 = arith.constant 0 : i32
    %sign3A_16 = arith.cmpi slt, %jit3A, %sign3A_15 : i32
    %sign3A_17 = arith.extui %sign3A_16 : i1 to i32
    %sign3A_18 = arith.subi %sign3A_14, %sign3A_17 : i32
    %ne3A = arith.cmpi ne, %sign3A_11, %sign3A_18 : i32
    %rem3A = arith.remsi %sub3A_5, %jit3A : i32
    %ne3A_19 = arith.constant 0 : i32
    %ne3A_20 = arith.cmpi ne, %rem3A, %ne3A_19 : i32
    %and3A = arith.andi %ne3A, %ne3A_20 : i1
    %sub3A_21 = arith.constant 1 : i32
    %sub3A_22 = arith.subi %div3A, %sub3A_21 : i32
    %select_n3A = arith.select %and3A, %sub3A_22, %div3A : i32
    %lt3A = arith.cmpi slt, %sub3A_1, %select_n3A : i32
    %and3A_23 = arith.andi %ge3A_0, %lt3A : i1
    %jit3A_24 = arith.constant 0 : i32
    %select_n3A_25 = arith.select %and3A_23, %arg1, %jit3A_24 : i32
    %c0_i32 = arith.constant 0 : i32
    %c0_i32_26 = arith.constant 0 : i32
    return %c0_i32, %select_n3A_25 : i32, i32
  }
  func.func @transform_9(%arg0: i32, %arg1: i32, %arg2: memref<16xi32, #tpu.memory_space<smem>>) -> (i32, i32) {
    %ge3A = arith.constant 4 : i32
    %ge3A_0 = arith.cmpi sge, %arg0, %ge3A : i32
    %sub3A = arith.constant 4 : i32
    %sub3A_1 = arith.subi %arg0, %sub3A : i32
    %get3A = arith.constant 0 : index
    %get3A_2 = memref.load %arg2[%get3A] : memref<16xi32, #tpu.memory_space<smem>>
    %add3A = arith.constant 512 : i32
    %add3A_3 = arith.addi %get3A_2, %add3A : i32
    %sub3A_4 = arith.constant 1 : i32
    %sub3A_5 = arith.subi %add3A_3, %sub3A_4 : i32
    %jit3A = arith.constant 512 : i32
    %div3A = arith.divsi %sub3A_5, %jit3A : i32
    %sign3A = arith.constant 0 : i32
    %sign3A_6 = arith.cmpi sgt, %sub3A_5, %sign3A : i32
    %sign3A_7 = arith.extui %sign3A_6 : i1 to i32
    %sign3A_8 = arith.constant 0 : i32
    %sign3A_9 = arith.cmpi slt, %sub3A_5, %sign3A_8 : i32
    %sign3A_10 = arith.extui %sign3A_9 : i1 to i32
    %sign3A_11 = arith.subi %sign3A_7, %sign3A_10 : i32
    %sign3A_12 = arith.constant 0 : i32
    %sign3A_13 = arith.cmpi sgt, %jit3A, %sign3A_12 : i32
    %sign3A_14 = arith.extui %sign3A_13 : i1 to i32
    %sign3A_15 = arith.constant 0 : i32
    %sign3A_16 = arith.cmpi slt, %jit3A, %sign3A_15 : i32
    %sign3A_17 = arith.extui %sign3A_16 : i1 to i32
    %sign3A_18 = arith.subi %sign3A_14, %sign3A_17 : i32
    %ne3A = arith.cmpi ne, %sign3A_11, %sign3A_18 : i32
    %rem3A = arith.remsi %sub3A_5, %jit3A : i32
    %ne3A_19 = arith.constant 0 : i32
    %ne3A_20 = arith.cmpi ne, %rem3A, %ne3A_19 : i32
    %and3A = arith.andi %ne3A, %ne3A_20 : i1
    %sub3A_21 = arith.constant 1 : i32
    %sub3A_22 = arith.subi %div3A, %sub3A_21 : i32
    %select_n3A = arith.select %and3A, %sub3A_22, %div3A : i32
    %lt3A = arith.cmpi slt, %sub3A_1, %select_n3A : i32
    %and3A_23 = arith.andi %ge3A_0, %lt3A : i1
    %jit3A_24 = arith.constant 0 : i32
    %select_n3A_25 = arith.select %and3A_23, %arg1, %jit3A_24 : i32
    %c0_i32 = arith.constant 0 : i32
    %c0_i32_26 = arith.constant 0 : i32
    return %select_n3A_25, %c0_i32 : i32, i32
  }
  func.func @transform_10(%arg0: i32, %arg1: i32, %arg2: memref<16xi32, #tpu.memory_space<smem>>) -> (i32, i32) {
    %min3A = arith.constant 3 : i32
    %min3A_0 = arith.minsi %arg0, %min3A : i32
    %c0_i32 = arith.constant 0 : i32
    %c0_i32_1 = arith.constant 0 : i32
    return %min3A_0, %c0_i32 : i32, i32
  }
  func.func @transform_11(%arg0: i32, %arg1: i32, %arg2: memref<16xi32, #tpu.memory_space<smem>>) -> (i32, i32) {
    %min3A = arith.constant 3 : i32
    %min3A_0 = arith.minsi %arg0, %min3A : i32
    %c0_i32 = arith.constant 0 : i32
    %c0_i32_1 = arith.constant 0 : i32
    return %min3A_0, %c0_i32 : i32, i32
  }
  func.func @transform_12(%arg0: i32, %arg1: i32, %arg2: memref<16xi32, #tpu.memory_space<smem>>) -> (i32, i32) {
    %sub3A = arith.constant 4 : i32
    %sub3A_0 = arith.subi %arg0, %sub3A : i32
    %max3A = arith.constant 0 : i32
    %max3A_1 = arith.maxsi %sub3A_0, %max3A : i32
    %min3A = arith.constant 7 : i32
    %min3A_2 = arith.minsi %max3A_1, %min3A : i32
    %c0_i32 = arith.constant 0 : i32
    %c0_i32_3 = arith.constant 0 : i32
    return %min3A_2, %c0_i32 : i32, i32
  }
}

</mosaic_0001>

<sc_bundles>
// kernel: kernel.5.cloned.1.call-start
scs
__scs_entry_jumppad:
0x0: {  	(pc) =	sbr.rel $0x88, $3  }
0x1: {  	(tag) =	ssettag $0x0;
	lr =	simm.s32 $0x1  }
0x2: {  	[smem:$0x3F97] =	sst lr;
	_ =	strace $0xD0000000  }
0x3: {  	_ = 	snop  }
0x4: {  	_ = 	snop  }
0x5: {  	_ = 	snop  }
0x6: {  	_ = 	snop  }
0x7: {  	_ = 	snop  }
__scs_overlays_trampoline_lowered:
0x8: {  	[smem:$0x3FA6] =	sst s0  }
0x9: {  	[smem:$0x3FA7] =	sst s1  }
0xa: {  	[smem:$0x3FA8] =	sst s2  }
0xb: {  	[smem:$0x3FA9] =	sst s3  }
0xc: {  	[smem:$0x3FAA] =	sst s4  }
0xd: {  	[smem:$0x3FAB] =	sst s5  }
0xe: {  	[smem:$0x3FAC] =	sst s6  }
0xf: {  	[smem:$0x3FAD] =	sst s7  }
0x10: {  	[smem:$0x3FAE] =	sst s8  }
0x11: {  	[smem:$0x3FAF] =	sst s9;
	s0 =	simm.s32 @!p0 $0x0  }
0x12: {  	s1 =	sld [smem:$0x3F95];
	s0 =	simm.s32 @p0 $0x1  }
0x13: {  	[smem:$0x3FB0] =	sst s0;
	s0 =	simm.s32 @!p1 $0x0  }
0x14: {  	s2 =	sld [smem:$0x3F94];
	s0 =	simm.s32 @p1 $0x1  }
0x15: {  	[smem:$0x3FB1] =	sst s0;
	s0 =	simm.s32 @!p2 $0x0  }
0x16: {  	s3 =	sld [smem:$0x3FDB];
	s0 =	simm.s32 @p2 $0x1  }
0x17: {  	s4 =	simm.s32 $0x1BF5;
	[smem:$0x3FB3] =	sst s0  }
0x18: {  	s0 =	sld [smem:$0x3F96];
	_ =	swait.ge [sflag:s4], $0x0  }
0x19: {  	s7 =	sld [smem:$0x3F97]  }
0x1a: {  	s8 =	sadd.s32 $0xFFFFE003, lr  }
0x1b: {  	s9 =	sadd.s32 $0xFFFFFEF7, lr;
	s5 =	simm.s32 $0xFFFFFFFF;
	p2 =	slt.u32 s8, $0xFFFFF086  }
0x1c: {  	p1 =	slt.u32 s9, $0xF7A;
	s5 =	simm.s32 @!p2 $0x0  }
0x1d: {  	s5 =	simm.s32 @p1 $0x1;
	p0 =	seq.s32 s7, s2  }
0x1e: {  	s7 =	smul.u32 @!p0 $0xF7A, s2;
	p2 =	seq.s32 @!p0 s5, $0x0  }
0x1f: {  	s9 =	smul.u32 $0xF7A, s1;
	s8 =	simm.s32 @!p0 $0x1BF5;
	p2 =	por !p2, p0  }
0x20: {  	[sflag:s8] =	ssyncset.s32 @!p0 $0xFFFFF086;
	s6 =	sadd.s32 @!p0 s3, s7;
	s7 =	simm.s32 @!p0 $0x108  }
0x21: {  	s3 =	sadd.s32 s3, s9;
	s6 =	sadd.s32 @!p0 $0x88, s6;
	s7 =	simm.s32 @p2 $0x1082  }
0x22: {  	[simem:s7], [sflag:s8] =	dma.local @!p0 [hbm:s6], $0xF7A  }
0x23: {  	s9 =	sor.u32 $0xD0000000, s2;
	s6 =	simm.s32 $0x108;
	_ =	swait.ge @!p0 [sflag:s8], $0x0  }
0x24: {  	s3 =	sadd.s32 $0x88, s3;
	s6 =	simm.s32 @!p1 $0x1082;
	[sflag:s4] =	ssyncset.s32 $0xFFFFF086  }
0x25: {  	[simem:s6], [sflag:s4] =	dma.local [hbm:s3], $0xF7A  }
0x26: {  	[smem:$0x3F97] =	sst s1;
	(tag) =	ssettag s2;
	_ =	strace s9  }
0x27: {  	s1 =	sld [smem:$0x3FA7]  }
0x28: {  	s2 =	sld [smem:$0x3FA8]  }
0x29: {  	s4 =	sld [smem:$0x3FAA]  }
0x2a: {  	p0 =	seq.s32 s5, $0x0;
	s5 =	sld [smem:$0x3FAB]  }
0x2b: {  	s6 =	sld [smem:$0x3FAC]  }
0x2c: {  	s7 =	sld [smem:$0x3FAD]  }
0x2d: {  	s3 =	simm.s32 $0x108;
	s8 =	sld [smem:$0x3FAE]  }
0x2e: {  	s3 =	simm.s32 @!p0 $0x1082;
	s9 =	sld [smem:$0x3FAF]  }
0x2f: {  	lr =	sadd.s32 s0, s3;
	s0 =	sld [smem:$0x3FA6]  }
0x30: {  	s3 =	sld [smem:$0x3FA9]  }
0x31: {  	[smem:$0x3FB2] =	sst s10  }
0x32: {  	s10 =	sld [smem:$0x3FB0];
	_ =	sdelay $0x3  }
0x33: {  	p0 =	seq.s32 s10, $0x1;
	s10 =	sld [smem:$0x3FB2];
	_ =	sdelay $0x3  }
0x34: {  	[smem:$0x3FB2] =	sst s10  }
0x35: {  	s10 =	sld [smem:$0x3FB1];
	_ =	sdelay $0x3  }
0x36: {  	p1 =	seq.s32 s10, $0x1;
	s10 =	sld [smem:$0x3FB2];
	_ =	sdelay $0x3  }
0x37: {  	[smem:$0x3FB2] =	sst s10  }
0x38: {  	s10 =	sld [smem:$0x3FB3]  }
0x39: {  	_ = 	snop;
	(pc) =	sbr.ind lr, $3  }
0x3a: {  	_ = 	snop  }
0x3b: {  	_ = 	snop  }
0x3c: {  	p2 =	seq.s32 s10, $0x1;
	s10 =	sld [smem:$0x3FB2]  }
0x3d: {  	_ =	shalt  }
0x3e: {  	_ =	shalt  }
0x3f: {  	_ =	shalt  }
0x40: {  	_ =	shalt  }
0x41: {  	_ =	shalt  }
0x42: {  	_ =	shalt  }
0x43: {  	_ =	shalt  }
0x44: {  	_ =	shalt  }
0x45: {  	_ =	shalt  }
0x46: {  	_ =	shalt  }
0x47: {  	_ =	shalt  }
0x48: {  	_ =	shalt  }
0x49: {  	_ =	shalt  }
0x4a: {  	_ =	shalt  }
0x4b: {  	_ =	shalt  }
0x4c: {  	_ =	shalt  }
0x4d: {  	_ =	shalt  }
0x4e: {  	_ =	shalt  }
0x4f: {  	_ =	shalt  }
0x50: {  	_ =	shalt  }
0x51: {  	_ =	shalt  }
0x52: {  	_ =	shalt  }
0x53: {  	_ =	shalt  }
0x54: {  	_ =	shalt  }
0x55: {  	_ =	shalt  }
0x56: {  	_ =	shalt  }
0x57: {  	_ =	shalt  }
0x58: {  	_ =	shalt  }
0x59: {  	_ =	shalt  }
0x5a: {  	_ =	shalt  }
0x5b: {  	_ =	shalt  }
0x5c: {  	_ =	shalt  }
0x5d: {  	_ =	shalt  }
0x5e: {  	_ =	shalt  }
0x5f: {  	_ =	shalt  }
0x60: {  	_ =	shalt  }
0x61: {  	_ =	shalt  }
0x62: {  	_ =	shalt  }
0x63: {  	_ =	shalt  }
0x64: {  	_ =	shalt  }
0x65: {  	_ =	shalt  }
0x66: {  	_ =	shalt  }
0x67: {  	_ =	shalt  }
0x68: {  	_ =	shalt  }
0x69: {  	_ =	shalt  }
0x6a: {  	_ =	shalt  }
0x6b: {  	_ =	shalt  }
0x6c: {  	_ =	shalt  }
0x6d: {  	_ =	shalt  }
0x6e: {  	_ =	shalt  }
0x6f: {  	_ =	shalt  }
0x70: {  	_ =	shalt  }
0x71: {  	_ =	shalt  }
0x72: {  	_ =	shalt  }
0x73: {  	_ =	shalt  }
0x74: {  	_ =	shalt  }
0x75: {  	_ =	shalt  }
0x76: {  	_ =	shalt  }
0x77: {  	_ =	shalt  }
0x78: {  	_ =	shalt  }
0x79: {  	_ =	shalt  }
0x7a: {  	_ =	shalt  }
0x7b: {  	_ =	shalt  }
0x7c: {  	_ =	shalt  }
0x7d: {  	_ =	shalt  }
0x7e: {  	_ =	shalt  }
0x7f: {  	_ =	shalt  }
0x80: {  	_ =	shalt  }
0x81: {  	_ =	shalt  }
0x82: {  	_ =	shalt  }
0x83: {  	_ =	shalt  }
0x84: {  	_ =	shalt  }
0x85: {  	_ =	shalt  }
0x86: {  	_ =	shalt  }
0x87: {  	_ =	shalt  }
.Lfunc_end0:
.L_simem_size_0:
called_computation_lowered:
.L_overlay_start_0:
0x88: {  	s2 =	sld [smem:$0x3FD9]  }
0x89: {  	s3 =	sld [smem:$0x3FFE];
	_ =	sdelay $0x1  }
0x8a: {  	s1 =	srdreg.scid  }
0x8b: {  	s0 =	sand.u32 $0x1, s1  }
0x8c: {  	s14 =	sshll.u32 s0, $0xA;
	s2 =	sadd.s32 s3, s2  }
0x8d: {  	s2 =	sadd.s32 s2, s14  }
0x8e: {  	[smem:$0x3FBE] =	sst s2  }
0x8f: {  	_ = 	snop  }
0x90: {  	s2 =	sld [smem:$0x3FD0];
	_ =	sdelay $0x2  }
0x91: {  	s4 =	simm.s32 $0xA;
	s5 =	simm.s32 $0x10;
	s15 =	sld [smem:$0x3FC9]  }
0x92: {  	[smem:s5], [sflag:s4] =	dma.local [hbm:s2], $0x1  }
0x93: {  	_ =	swait.eq [sflag:s4], $0x1  }
0x94: {  	[sflag:s4] =	ssyncset.done $0x0  }
0x95: {  	[sflag:s4] =	ssyncadd.s32 $0xFFFFFFFF  }
0x96: {  	s16 =	sld [smem:$0x12];
	(tm) =	ssettm $0x1  }
0x97: {  	s17 =	sld [smem:$0x3FFB];
	_ =	sdelay $0x3  }
0x98: {  	_ =	strace s17  }
0x99: {  	s4 =	sld [smem:$0x3FFC];
	_ =	sdelay $0x3  }
0x9a: {  	_ =	strace s4  }
0x9b: {  	s4 =	sld [smem:$0x3FFD];
	_ =	sdelay $0x3  }
0x9c: {  	_ =	strace s4  }
0x9d: {  	_ =	strace $0x8FFFFFFF  }
0x9e: {  	s18 =	sld [smem:$0x3FDB];
	_ =	sdelay $0x1  }
0x9f: {  	s19 =	simm.s32 $_scs_section_size  }
0xa0: {  	s6 =	simm.s32 $_size__tile_overlayer_lowered;
	s7 =	simm.s32 $_tile_overlayer_lowered  }
0xa1: {  	s22 =	simm.s32 $0x1BFF;
	s21 =	sshll.u32 s7, $0x1;
	s4 =	sadd.s32 s19, s18  }
0xa2: {  	s8 =	simm.s32 $0x0;
	s20 =	sshll.u32 s6, $0x1;
	s6 =	sadd.s32 s21, s4  }
0xa3: {  	[timem:s8], [sflag:s22] =	dma.local [hbm:s6], s20  }
0xa4: {  	_ =	swait.ge [sflag:s22], s20  }
0xa5: {  	s5 =	ssub.s32 $0x0, s20;
	[sflag:s22] =	ssyncset.done $0x0  }
0xa6: {  	[sflag:s22] =	ssyncadd.s32 s5;
	_ =	sdelay $0x1  }
0xa7: {  	s23 =	simm.s32 $0x1B8B  }
0xa8: {  	_ =	swait.ge [sflag:s23], $0x1  }
0xa9: {  	[sflag:s23] =	ssyncset.done $0x0  }
0xaa: {  	s25 =	simm.s32 $0x1B8E;
	s24 =	sld [smem:$0x3FFE];
	[sflag:s23] =	ssyncadd.s32 $0xFFFFFFFF  }
0xab: {  	s26 =	simm.s32 $execute0_lowered;
	[smem:$0x3FD2] =	sst s25  }
0xac: {  	s6 =	sshll.u32 s26, $0x1;
	_ =	strace $0x80000046;
	[dreg:$0x1] =	wrdreg $0xFFFFFFFF  }
0xad: {  	s28 =	simm.s32 $_size_execute0_lowered;
	s4 =	sadd.s32 s4, s6;
	[dreg:$0x0] =	wrdreg $0x0  }
0xae: {  	s6 =	sshll.u32 s28, $0x1;
	[dreg:$0x2] =	wrdreg s4  }
0xaf: {  	[dreg:$0x3] =	wrdreg s6  }
0xb0: {  	[dreg:$0x4] =	wrdreg $0xC0  }
0xb1: {  	_ =	task [dreg:s8], $0x5FFFF  }
0xb2: {  	[dreg:$0x1] =	wrdreg $0xFFFFFFFF  }
0xb3: {  	[dreg:$0x0] =	wrdreg $0x60  }
0xb4: {  	[dreg:$0x2] =	wrdreg s24  }
0xb5: {  	[dreg:$0x3] =	wrdreg s15  }
0xb6: {  	[dreg:$0x4] =	wrdreg s16  }
0xb7: {  	[dreg:$0x5] =	wrdreg $0x9  }
0xb8: {  	_ =	task.clear_ibuf [dreg:s8], $0x6FFFF;
	_ =	strace $0x90000046  }
0xb9: {  	s29 =	simm.s32 $0x9;
	_ =	strace $0x80000048  }
0xba: {  	_ =	swait.ge [sflag:s29], $0x1  }
0xbb: {  	[sflag:s29] =	ssyncadd.s32 $0xFFFFFFFF  }
0xbc: {  	_ =	strace $0x90000048  }
0xbd: {  	_ =	sfence  }
0xbe: {  	s30 =	sld [smem:$0x0];
	_ =	sdelay $0x2  }
0xbf: {  	s31 =	sshll.u32 s1, $0xD;
	s1 =	sshrl.u32 s1, $0x2  }
0xc0: {  	s3 =	sand.u32 $0x4000, s31;
	s1 =	sadd.s32 s1, s30  }
0xc1: {  	s0 =	sor.u32 s3, s0;
	s1 =	sshll.u32 s1, $0x11  }
0xc2: {  	s0 =	sor.u32 s1, s0  }
0xc3: {  	s0 =	sadd.s32 $0x8F2B, s0  }
0xc4: {  	[sflag:s0] =	ssyncadd.remote.s32 $0x1  }
0xc5: {  	_ =	sfence.sel $0xFFFF  }
0xc6: {  	[dreg:$0x0] =	wrdreg $0xFFFFFFFF;
	(pc) =	sbr.abs _section_cstart, $3  }
0xc7: {  	[dreg:$0x1] =	wrdreg $0xFFFFFFFF  }
0xc8: {  	_ =	task.clear_ibuf [dreg:s8], $0x2FFFF;
	_ =	strace $0x9FFFFFFF  }
0xc9: {  	(tm) =	ssettm $0x7FFFFFFF  }
tec
execute0_lowered:
.L_overlay_start_1:
0x0: {  	(tag) =	ssettag $0x1  }
0x1: {  	s0 =	rddreg [dreg:$0x0]  }
0x2: {  	s1 =	rddreg [dreg:$0x1];
	s4 =	simm.s32 $0x0  }
0x3: {  	[smem:$0x7FF] =	sst s4;
	s5 =	sadd.s32 $0x1600, s0  }
0x4: {  	s6 =	sadd.s32 $0x1800, s0;
	_ =	strace $0x80000047;
	[dreg:$0x4] =	wrdreg s5  }
0x5: {  	s11 =	sadd.s32 $0x1900, s0;
	[dreg:$0x8] =	wrdreg s6  }
0x6: {  	s12 =	sadd.s32 $0x1A00, s0;
	[dreg:$0xa] =	wrdreg s11  }
0x7: {  	s13 =	sadd.s32 $0x1B00, s0;
	[dreg:$0xb] =	wrdreg s12  }
0x8: {  	s15 =	sadd.s32 $0x1C00, s0;
	[dreg:$0xc] =	wrdreg s13  }
0x9: {  	s16 =	sadd.s32 $0x1D00, s0;
	[dreg:$0xd] =	wrdreg s15  }
0xa: {  	s2 =	srdreg.scid;
	s18 =	sadd.s32 $0x1E00, s0;
	[dreg:$0xe] =	wrdreg s16  }
0xb: {  	s14 =	stileid.u32;
	s21 =	sadd.s32 $0x200, s1;
	[dreg:$0xf] =	wrdreg s18  }
0xc: {  	s2 =	sand.u32 $0x1, s2;
	s22 =	sadd.s32 $0x300, s1;
	[dreg:$0x11] =	wrdreg s21  }
0xd: {  	s3 =	sshll.u32 s14, $0x1;
	s23 =	sadd.s32 $0x400, s1;
	[dreg:$0x12] =	wrdreg s22  }
0xe: {  	s14 =	sshll.u32 s14, $0x4;
	s24 =	sadd.s32 $0x500, s1;
	[dreg:$0x13] =	wrdreg s23  }
0xf: {  	s25 =	sadd.s32 $0x600, s1;
	s26 =	sadd.s32 $0x700, s1;
	[dreg:$0x14] =	wrdreg s24  }
0x10: {  	s3 =	sor.u32 s2, s3;
	s31 =	ssub.s32 $0x2, s2;
	[dreg:$0x15] =	wrdreg s25  }
0x11: {  	s2 =	sshll.u32 s2, $0x3;
	[dreg:$0x16] =	wrdreg s26;
	s6 =	simm.s32 $0x0  }
0x12: {  	s7 =	sshll.u32 s3, $0x4;
	s8 =	sshrl.u32 s31, $0x1;
	s2 =	sor.u32 s2, s14  }
0x13: {  	v0 =	vlaneseq.u32;
	s9 =	sadd.s32 s7, s0;
	s5 =	ssub.s32 s31, s8;
	s7 =	sshll.u32 s3, $0x7  }
0x14: {  	v9 =	vimm.s32 $0x0;
	vm0 =	vmmov $0xffff;
	v10 =	vor.u32 $0x10, v0;
	s0 =	sadd.s32 $0x1F00, s0;
	s20 =	smax.u32 s2, $0x1;
	s8 =	sor.u32 $0x10, s7  }
0x15: {  	v11 =	vor.u32 $0x20, v0;
	v12 =	vor.u32 $0x30, v0;
	v13 =	vor.u32 $0x40, v0;
	s17 =	sor.u32 $0x20, s7;
	s28 =	sor.u32 $0x30, s7;
	[dreg:$0x10] =	wrdreg s0  }
.Ltmp0:
0x16: {  	v14 =	vor.u32 $0x50, v0;
	v15 =	vor.u32 $0x60, v0;
	v16 =	vor.u32 $0x70, v0;
	s29 =	sor.u32 $0x40, s7;
	[dreg:$0x7] =	wrdreg s20;
	(pc) =	sbr.rel .LBB2_1-.Ltmp0, $4  }
0x17: {  	v17 =	vand.u32 $0x7, v0;
	v18 =	vshrl.u32 v0, $0x3;
	v19 =	vor.u32 $0x8, v0;
	s30 =	sor.u32 $0x50, s7;
	s9 =	sadd.s32 $0x101800, s9;
	[dreg:$0x17] =	wrdreg s7  }
0x18: {  	v18 =	vmul.u32 $0x8, v18;
	s31 =	sor.u32 $0x60, s7;
	s19 =	smax.u32 s5, $0x1;
	v8 =	vor.u32 s7, v0;
	[dreg:$0x5] =	wrdreg s9;
	v1 =	vor.u32 s8, v0  }
0x19: {  	s10 =	sor.u32 $0x70, s7;
	s9 =	sadd.s32 $0x100, s1;
	[dreg:$0x6] =	wrdreg s19;
	v2 =	vor.u32 s17, v0;
	v3 =	vor.u32 s28, v0;
	v4 =	vor.u32 s29, v0  }
0x1a: {  	p0 =	sne.s32 s3, $0x0;
	s0 =	simm.s32 $0x3;
	v5 =	vor.u32 s30, v0;
	v6 =	vor.u32 s31, v0;
	v7 =	vor.u32 s10, v0;
	[dreg:$0x9] =	wrdreg s9  }
.LBB2_9:
0x1b: {  	s6 =	rddreg [dreg:$0x18]  }
0x1c: {  	s2 =	rddreg [dreg:$0x6];
	s6 =	sadd.s32 $0x1, s6  }
0x1d: {  	p1 =	sne.s32 s6, s2  }
.Ltmp1:
0x1e: {  	_ = 	snop;
	(pc) =	sbr.rel @!p1 .LBB2_10-.Ltmp1, $2  }
0x1f: {  	_ =	sdelay $0x2  }
0x20: {  	s0 =	simm.s32 $0x3  }
.LBB2_1:
.Ltmp2:
0x21: {  	s2 =	rddreg [dreg:$0x4];
	(pc) =	sbr.rel @!p0 .LBB2_2-.Ltmp2, $4  }
0x22: {  	[tilespmem:s4], [sflag:$0x3] =	stream.linear.gather [hbm4b:s2+s4], $0x1000, $0x38;
	[tilespmem:$0x11380] =	vst v63  }
0x23: {  	_ =	swait.ge [sflag:s0], $0x1000  }
0x24: {  	[sflag:s0] =	ssyncset.done $0x0  }
0x25: {  	s28 =	simm.s32 $0x0;
	[sflag:s0] =	ssyncadd.s32 $0xFFFFF000  }
0x26: {  	s2 =	rddreg [dreg:$0x7]  }
0x27: {  	v20 =	vld [tilespmem:s4+$0x0];
	p4 =	seq.s32 s2, $0x1  }
.Ltmp3:
0x28: {  	_ = 	snop;
	(pc) =	sbr.rel @p4 .LBB2_12-.Ltmp3, $3  }
0x29: {  	_ =	sdelay $0x1  }
0x2a: {  	s5 =	sadd.s32 $0x10, s4;
	p1 =	por $0x0, $0x0  }
0x2b: {  	p2 =	por $0x0, $0x0;
	p3 =	por $0x0, $0x0;
	s2 =	sadd.s32 $0xFFFFFFFF, s2;
	(xrf0) =	vadd.scan.msk.s32 $0xffff, v20  }
0x2c: {  	v20 =	vld [tilespmem:s5+$0x0];
	p4 =	seq.s32 s2, $0x1  }
.Ltmp4:
0x2d: {  	_ = 	snop;
	(pc) =	sbr.rel @p4 .LBB2_14-.Ltmp4, $2  }
0x2e: {  	_ =	sdelay $0x2  }
0x2f: {  	s2 =	sadd.s32 $0xFFFFFFFF, s2;
	s5 =	sadd.s32 $0x10, s5;
	p1 =	por $0x1, $0x1;
	(xrf0) =	vadd.scan.msk.s32 $0xffff, v20;
	v20, _, _ =	vpop (xrf0)  }
0x30: {  	(v2sf) =	vpush v20, $0xF;
	_ =	sdelay $0x5  }
0x31: {  	v21 =	vld [tilespmem:s5+$0x0];
	p4 =	seq.s32 s2, $0x1  }
.Ltmp5:
0x32: {  	_ = 	snop;
	(pc) =	sbr.rel @p4 .LBB2_16-.Ltmp5, $2  }
0x33: {  	_ =	sdelay $0x2  }
0x34: {  	s8 =	sadd.s32 $0xFFFFFFFF, s2;
	s2 =	sadd.s32 $0x10, s5;
	p2 =	por $0x1, $0x1;
	(xrf0) =	vadd.scan.msk.s32 $0xffff, v21;
	v20, _, _ =	vpop (xrf0)  }
0x35: {  	(v2sf) =	vpush v20, $0xF;
	_ =	sdelay $0x3  }
0x36: {  	v21 =	vld [tilespmem:s2+$0x0];
	p4 =	seq.s32 s8, $0x1  }
.Ltmp6:
0x37: {  	_ = 	snop;
	(pc) =	sbr.rel @p4 .LBB2_18-.Ltmp6, $3  }
0x38: {  	_ =	sdelay $0x1  }
0x39: {  	s5 =	sadd.s32 $0xFFFFFFFF, s8  }
0x3a: {  	s8 =	sadd.s32 $0x10, s2;
	p3 =	por $0x1, $0x1;
	s2 =	simm.s32 $0x0;
	(xrf0) =	vadd.scan.msk.s32 $0xffff, v21;
	v20, _, _ =	vpop (xrf0)  }
.LBB2_19:
0x3b: {  	v21 =	vld [tilespmem:s8+$0x0];
	p4 =	seq.s32 s5, $0x1;
	s5 =	sadd.s32 $0xFFFFFFFF, s5;
	(v2sf) =	vpush v20, $0xF  }
.Ltmp7:
0x3c: {  	(pc) =	sbr.rel @!p4 .LBB2_19-.Ltmp7, $4  }
0x3d: {  	_ = 	snop  }
0x3e: {  	s17 =	spop (v2sf)  }
0x3f: {  	s2 =	sadd.s32 s2, s17  }
0x40: {  	s8 =	sadd.s32 $0x10, s8;
	(xrf0) =	vadd.scan.msk.s32 $0xffff, v21;
	v20, _, _ =	vpop (xrf0)  }
.LBB2_20:
0x41: {  	_ =	sdelay $0x3  }
0x42: {  	(v2sf) =	vpush @p1 v20, $0xF  }
0x43: {  	v20, _, _ =	vpop (xrf0)  }
0x44: {  	(v2sf) =	vpush v20, $0xF;
	_ =	sdelay $0x8  }
0x45: {  	s5 =	spop @p3 (v2sf)  }
0x46: {  	s2 =	sadd.s32 @p3 s2, s5;
	s5 =	simm.s32 $0x0  }
0x47: {  	s5 =	smov.u32 @p3 s2;
	s2 =	spop @p2 (v2sf)  }
0x48: {  	s2 =	sadd.s32 @p2 s5, s2;
	s5 =	simm.s32 $0x0  }
0x49: {  	s5 =	smov.u32 @p2 s2;
	s2 =	spop @p1 (v2sf)  }
0x4a: {  	s2 =	sadd.s32 @p1 s5, s2;
	s5 =	simm.s32 $0x0  }
0x4b: {  	s5 =	smov.u32 @p1 s2;
	s31 =	spop (v2sf)  }
0x4c: {  	s28 =	sadd.s32 s5, s31  }
.LBB2_2:
0x4d: {  	s2 =	simm.s32 $0x0  }
0x4e: {  	s30 =	simm.s32 $0x10;
	v20 =	vld [tilespmem:s2+$0x0]  }
0x4f: {  	v21 =	vld [tilespmem:s30+$0x0];
	_ =	sdelay $0x3  }
0x50: {  	(xrf0) =	vadd.scan.msk.s32 $0xffff, v20  }
0x51: {  	(xrf0) =	vadd.scan.msk.s32 $0xffff, v21;
	_ =	sdelay $0x4  }
0x52: {  	s31 =	simm.s32 $0x20;
	v21, _, _ =	vpop (xrf0)  }
0x53: {  	v20 =	vld [tilespmem:s31+$0x0];
	(v2sf) =	vpush v21, $0xF;
	v21, _, _ =	vpop (xrf0)  }
0x54: {  	(v2sf) =	vpush v21, $0xF;
	_ =	sdelay $0x3  }
0x55: {  	s8 =	simm.s32 $0x30;
	(xrf0) =	vadd.scan.msk.s32 $0xffff, v20  }
0x56: {  	v20 =	vld [tilespmem:s8+$0x0];
	_ =	sdelay $0x3  }
0x57: {  	s5 =	simm.s32 $0x0;
	s2 =	simm.s32 $0x100  }
.LBB2_3:
0x58: {  	s8 =	sshra.s32 s2, $0x2;
	p1 =	sne.s32 s2, $0x3FC0;
	s2 =	sadd.s32 $0x40, s2;
	(xrf0) =	vadd.scan.msk.s32 $0xffff, v20;
	v21, _, _ =	vpop (xrf0)  }
.Ltmp8:
0x59: {  	v20 =	vld [tilespmem:s8+$0x0];
	(v2sf) =	vpush v21, $0xF;
	(pc) =	sbr.rel @p1 .LBB2_3-.Ltmp8, $3  }
0x5a: {  	_ =	sdelay $0x1  }
0x5b: {  	s8 =	spop (v2sf)  }
0x5c: {  	s5 =	sadd.s32 s5, s8  }
0x5d: {  	[tilespmem:$0x1000] =	vst v9  }
0x5e: {  	[tilespmem:$0x1010] =	vst v9  }
0x5f: {  	[tilespmem:$0x1020] =	vst v9  }
0x60: {  	[tilespmem:$0x1030] =	vst v9  }
0x61: {  	[tilespmem:$0x1040] =	vst v9  }
0x62: {  	[tilespmem:$0x1050] =	vst v9  }
0x63: {  	[tilespmem:$0x1060] =	vst v9  }
0x64: {  	[tilespmem:$0x1070] =	vst v9;
	s3 =	rddreg [dreg:$0x17]  }
0x65: {  	v21 =	vld [tilespmem:s3+$0x0];
	_ =	sdelay $0x3  }
0x66: {  	(xrf0) =	vadd.scan.msk.s32 $0xffff, v20  }
0x67: {  	(xrf0) =	vadd.scan.msk.s32 $0xffff, v21;
	_ =	sdelay $0x3  }
0x68: {  	v20, _, _ =	vpop (xrf0)  }
0x69: {  	v22, _, _ =	vpop (xrf0)  }
0x6a: {  	vm1 =	vne.s32 v21, $0x0;
	v23, _, _ =	vpop (xrf0)  }
0x6b: {  	v36 =	vadd.s32 $0xFFFFFFFF, v23  }
0x6c: {  	v24 =	vmov s28  }
0x6d: {  	v24 =	vadd.s32 $0xFFFFFFFF, v24  }
0x6e: {  	v25 =	vadd.s32 v23, v24  }
0x6f: {  	s1 =	simm.s32 $0x1000;
	[tilespmem:$0x1080] =	vst v25  }
0x70: {  	[tilespmem:v36+s1+$0x0] =	vst.idx.msk vm1, v8  }
0x71: {  	v21 =	vld [tilespmem:s3+$0x10];
	_ =	sdelay $0x4  }
0x72: {  	(xrf0) =	vadd.scan.msk.s32 $0xffff, v21;
	_ =	sdelay $0x4  }
0x73: {  	v37 =	vbroadcast v23, $0xF  }
0x74: {  	(v2sf) =	vpush v20, $0xF;
	v20, _, _ =	vpop (xrf0)  }
0x75: {  	(v2sf) =	vpush v22, $0xF;
	vm1 =	vne.s32 v21, $0x0;
	v38 =	vadd.s32 v37, v20  }
0x76: {  	(v2sf) =	vpush v23, $0xF;
	v39 =	vadd.s32 $0xFFFFFFFF, v38  }
0x77: {  	(v2sf) =	vpush v20, $0xF;
	_ =	sdelay $0x1  }
0x78: {  	v20 =	vadd.s32 v38, v24  }
0x79: {  	[tilespmem:$0x1090] =	vst v20  }
0x7a: {  	[tilespmem:v39+s1+$0x0] =	vst.idx.msk vm1, v1  }
0x7b: {  	v20 =	vld [tilespmem:s3+$0x20];
	_ =	sdelay $0x4  }
0x7c: {  	s30 =	spop (v2sf);
	(xrf0) =	vadd.scan.msk.s32 $0xffff, v20  }
0x7d: {  	s29 =	spop (v2sf)  }
0x7e: {  	s17 =	spop (v2sf)  }
0x7f: {  	s8 =	spop (v2sf)  }
0x80: {  	s2 =	spop (v2sf)  }
0x81: {  	s18 =	spop (v2sf)  }
0x82: {  	s2 =	sadd.s32 s2, s18;
	v40, _, _ =	vpop (xrf0)  }
0x83: {  	vm1 =	vne.s32 v20, $0x0;
	v41 =	vadd.s32 s2, v40  }
0x84: {  	v20 =	vadd.s32 $0xFFFFFFFF, v41  }
0x85: {  	(v2sf) =	vpush v40, $0xF;
	_ =	sdelay $0x1  }
0x86: {  	v42 =	vadd.s32 v41, v24  }
0x87: {  	[tilespmem:$0x10A0] =	vst v42  }
0x88: {  	[tilespmem:v20+s1+$0x0] =	vst.idx.msk vm1, v2  }
0x89: {  	v20 =	vld [tilespmem:s3+$0x30];
	_ =	sdelay $0x4  }
0x8a: {  	(xrf0) =	vadd.scan.msk.s32 $0xffff, v20;
	_ =	sdelay $0x4  }
0x8b: {  	s21 =	spop (v2sf)  }
0x8c: {  	s2 =	sadd.s32 s2, s21;
	v43, _, _ =	vpop (xrf0)  }
0x8d: {  	vm1 =	vne.s32 v20, $0x0;
	v44 =	vadd.s32 s2, v43  }
0x8e: {  	v20 =	vadd.s32 $0xFFFFFFFF, v44  }
0x8f: {  	(v2sf) =	vpush v43, $0xF;
	_ =	sdelay $0x1  }
0x90: {  	v45 =	vadd.s32 v44, v24  }
0x91: {  	[tilespmem:$0x10B0] =	vst v45  }
0x92: {  	[tilespmem:v20+s1+$0x0] =	vst.idx.msk vm1, v3  }
0x93: {  	v20 =	vld [tilespmem:s3+$0x40];
	_ =	sdelay $0x4  }
0x94: {  	(xrf0) =	vadd.scan.msk.s32 $0xffff, v20;
	_ =	sdelay $0x4  }
0x95: {  	s22 =	spop (v2sf)  }
0x96: {  	s2 =	sadd.s32 s2, s22;
	v46, _, _ =	vpop (xrf0)  }
0x97: {  	vm1 =	vne.s32 v20, $0x0;
	v47 =	vadd.s32 s2, v46  }
0x98: {  	v20 =	vadd.s32 $0xFFFFFFFF, v47  }
0x99: {  	(v2sf) =	vpush v46, $0xF;
	_ =	sdelay $0x1  }
0x9a: {  	v48 =	vadd.s32 v47, v24  }
0x9b: {  	[tilespmem:$0x10C0] =	vst v48  }
0x9c: {  	[tilespmem:v20+s1+$0x0] =	vst.idx.msk vm1, v4  }
0x9d: {  	v20 =	vld [tilespmem:s3+$0x50];
	_ =	sdelay $0x4  }
0x9e: {  	(xrf0) =	vadd.scan.msk.s32 $0xffff, v20;
	_ =	sdelay $0x4  }
0x9f: {  	s23 =	spop (v2sf)  }
0xa0: {  	s2 =	sadd.s32 s2, s23;
	v49, _, _ =	vpop (xrf0)  }
0xa1: {  	vm1 =	vne.s32 v20, $0x0;
	v50 =	vadd.s32 s2, v49  }
0xa2: {  	v20 =	vadd.s32 $0xFFFFFFFF, v50  }
0xa3: {  	(v2sf) =	vpush v49, $0xF;
	_ =	sdelay $0x1  }
0xa4: {  	v51 =	vadd.s32 v50, v24  }
0xa5: {  	[tilespmem:$0x10D0] =	vst v51  }
0xa6: {  	[tilespmem:v20+s1+$0x0] =	vst.idx.msk vm1, v5  }
0xa7: {  	v20 =	vld [tilespmem:s3+$0x60];
	_ =	sdelay $0x4  }
0xa8: {  	(xrf0) =	vadd.scan.msk.s32 $0xffff, v20;
	_ =	sdelay $0x4  }
0xa9: {  	s24 =	spop (v2sf)  }
0xaa: {  	s2 =	sadd.s32 s2, s24;
	v52, _, _ =	vpop (xrf0)  }
0xab: {  	vm1 =	vne.s32 v20, $0x0;
	v53 =	vadd.s32 s2, v52  }
0xac: {  	v20 =	vadd.s32 $0xFFFFFFFF, v53;
	_ =	sdelay $0x2  }
0xad: {  	v22 =	vadd.s32 v53, v24  }
0xae: {  	[tilespmem:$0x10E0] =	vst v22  }
0xaf: {  	[tilespmem:v20+s1+$0x0] =	vst.idx.msk vm1, v6  }
0xb0: {  	v20 =	vld [tilespmem:s3+$0x70];
	_ =	sdelay $0x4  }
0xb1: {  	(xrf0) =	vadd.scan.msk.s32 $0xffff, v20;
	_ =	sdelay $0x2  }
0xb2: {  	(v2sf) =	vpush v52, $0xF;
	_ =	sdelay $0x2  }
0xb3: {  	v54, _, _ =	vpop (xrf0)  }
0xb4: {  	(v2sf) =	vpush v54, $0xF;
	_ =	sdelay $0xa  }
0xb5: {  	s25 =	spop (v2sf)  }
0xb6: {  	s2 =	sadd.s32 s2, s25  }
0xb7: {  	vm1 =	vne.s32 v20, $0x0;
	v21 =	vadd.s32 s2, v54  }
0xb8: {  	v20 =	vadd.s32 $0xFFFFFFFF, v21  }
0xb9: {  	s26 =	spop (v2sf)  }
0xba: {  	s2 =	sadd.s32 s2, s26  }
0xbb: {  	v21 =	vadd.s32 v21, v24;
	v55 =	vmov s2  }
0xbc: {  	v56 =	vadd.s32 s28, v0;
	[tilespmem:$0x10F0] =	vst v21;
	vm2 =	vgt.s32 v55, v0  }
0xbd: {  	v57 =	vadd.s32 s28, v10;
	[tilespmem:v20+s1+$0x0] =	vst.idx.msk vm1, v7;
	vm1 =	vgt.s32 v55, v10;
	v20 =	vnsel vm2, $0xFFF, v56  }
0xbe: {  	v58 =	vadd.s32 s28, v11;
	[tilespmem:$0x1100] =	vst v20;
	v20 =	vnsel vm1, $0xFFF, v57;
	vm1 =	vgt.s32 v55, v11  }
0xbf: {  	v59 =	vadd.s32 s28, v12;
	[tilespmem:$0x1110] =	vst v20;
	v20 =	vnsel vm1, $0xFFF, v58;
	vm1 =	vgt.s32 v55, v12  }
0xc0: {  	v60 =	vadd.s32 s28, v13;
	[tilespmem:$0x1180] =	vst v20;
	v20 =	vnsel vm1, $0xFFF, v59;
	vm1 =	vgt.s32 v55, v13  }
0xc1: {  	v61 =	vadd.s32 s28, v14;
	[tilespmem:$0x1190] =	vst v20;
	v20 =	vnsel vm1, $0xFFF, v60;
	vm1 =	vgt.s32 v55, v14  }
0xc2: {  	v62 =	vadd.s32 s28, v15;
	[tilespmem:$0x1200] =	vst v20;
	v20 =	vnsel vm1, $0xFFF, v61;
	vm1 =	vgt.s32 v55, v15  }
0xc3: {  	v63 =	vadd.s32 s28, v16;
	[tilespmem:$0x1210] =	vst v20;
	v20 =	vnsel vm1, $0xFFF, v62;
	vm1 =	vgt.s32 v55, v16  }
0xc4: {  	s5 =	sadd.s32 s5, s30;
	[tilespmem:$0x1280] =	vst v20;
	v20 =	vnsel vm1, $0xFFF, v63  }
0xc5: {  	s31 =	simm.s32 $0x1080;
	s30 =	rddreg [dreg:$0x5];
	s5 =	sadd.s32 s5, s29;
	[tilespmem:$0x1290] =	vst v20  }
0xc6: {  	[hbm4b:s30+s4] =	stream.linear.scatter [tilespmem:s31], [sflag:$0x3], $0x80, $0x38;
	[tilespmem:$0x11380] =	vst v63  }
0xc7: {  	s5 =	sadd.s32 s5, s17;
	_ =	swait.ge [sflag:s0], $0x80  }
0xc8: {  	s5 =	sadd.s32 s5, s8;
	[sflag:s0] =	ssyncset.done $0x0  }
0xc9: {  	s8 =	simm.s32 @!p0 $0x11300;
	v20 =	vmov @!p0 s5;
	[sflag:s0] =	ssyncadd.s32 $0xFFFFFF80  }
0xca: {  	p1 =	slt.s32 s2, $0x1;
	s5 =	simm.s32 @!p0 $0x0;
	[tilespmem:$0x11300] =	vst @!p0 v20;
	s17 =	rddreg [dreg:$0x2]  }
0xcb: {  	[hbm4b:s17+s5] =	stream.linear.scatter @!p0 [tilespmem:s8], [sflag:$0x3], $0x80, $0x38;
	[tilespmem:$0x11380] =	vst v63  }
.Ltmp9:
0xcc: {  	_ = 	snop;
	(pc) =	sbr.rel @p1 .LBB2_9-.Ltmp9, $4  }
0xcd: {  	s5 =	simm.s32 @!p0 $0x3  }
0xce: {  	_ =	swait.ge @!p0 [sflag:s5], $0x80  }
0xcf: {  	[dreg:$0x19] =	wrdreg s2;
	[sflag:s5] =	ssyncset.done @!p0 $0x0  }
0xd0: {  	[dreg:$0x18] =	wrdreg s6;
	[sflag:s5] =	ssyncadd.s32 @!p0 $0xFFFFFF80  }
0xd1: {  	v20 =	vld [tilespmem:$0x1000];
	_ =	sdelay $0x4  }
0xd2: {  	v21 =	vshll.u32 v20, $0x4  }
0xd3: {  	v20 =	vand.u32 $0x7, v20;
	v21 =	vand.u32 $0xFFFFFF80, v21  }
0xd4: {  	v20 =	vor.u32 v20, v21  }
0xd5: {  	v21 =	vperm.xlane v20, v17;
	_ =	sdelay $0x1  }
0xd6: {  	v21 =	vadd.s32 v18, v21;
	_ =	sdelay $0x3  }
0xd7: {  	s5 =	simm.s32 $0x1300;
	s25 =	rddreg [dreg:$0x1]  }
0xd8: {  	[tilespmem:s5], [sflag:$0x1] =	stream.indirect_vreg.gather [hbm4b:s25+s4], $0x80, v21, vm0, $0xb8;
	[tilespmem:$0x11380] =	vst v63  }
0xd9: {  	s8 =	simm.s32 $0x1B00;
	s10 =	rddreg [dreg:$0x9]  }
0xda: {  	[tilespmem:s8], [sflag:$0x1] =	stream.indirect_vreg.gather [hbm4b:s10+s4], $0x80, v21, vm0, $0xb8;
	[tilespmem:$0x11380] =	vst v63  }
0xdb: {  	s17 =	simm.s32 $0x2300;
	s20 =	rddreg [dreg:$0x11]  }
0xdc: {  	[tilespmem:s17], [sflag:$0x1] =	stream.indirect_vreg.gather [hbm4b:s20+s4], $0x80, v21, vm0, $0xb8;
	[tilespmem:$0x11380] =	vst v63  }
0xdd: {  	s18 =	simm.s32 $0x2B00;
	s21 =	rddreg [dreg:$0x12]  }
0xde: {  	[tilespmem:s18], [sflag:$0x1] =	stream.indirect_vreg.gather [hbm4b:s21+s4], $0x80, v21, vm0, $0xb8;
	[tilespmem:$0x11380] =	vst v63  }
0xdf: {  	s28 =	simm.s32 $0x3300;
	s22 =	rddreg [dreg:$0x13]  }
0xe0: {  	[tilespmem:s28], [sflag:$0x1] =	stream.indirect_vreg.gather [hbm4b:s22+s4], $0x80, v21, vm0, $0xb8;
	[tilespmem:$0x11380] =	vst v63  }
0xe1: {  	s29 =	simm.s32 $0x3B00;
	s23 =	rddreg [dreg:$0x14];
	v20 =	vperm.xlane v20, v19  }
0xe2: {  	[tilespmem:s29], [sflag:$0x1] =	stream.indirect_vreg.gather [hbm4b:s23+s4], $0x80, v21, vm0, $0xb8;
	[tilespmem:$0x11380] =	vst v63  }
0xe3: {  	s30 =	simm.s32 $0x4300;
	s24 =	rddreg [dreg:$0x15];
	v20 =	vadd.s32 v18, v20  }
0xe4: {  	[tilespmem:s30], [sflag:$0x1] =	stream.indirect_vreg.gather [hbm4b:s24+s4], $0x80, v21, vm0, $0xb8;
	[tilespmem:$0x11380] =	vst v63  }
0xe5: {  	s31 =	simm.s32 $0x4B00;
	s3 =	rddreg [dreg:$0x16]  }
0xe6: {  	[tilespmem:s31], [sflag:$0x1] =	stream.indirect_vreg.gather [hbm4b:s3+s4], $0x80, v21, vm0, $0xb8;
	[tilespmem:$0x11380] =	vst v63  }
0xe7: {  	s0 =	simm.s32 $0x5300  }
0xe8: {  	[tilespmem:s0], [sflag:$0x1] =	stream.indirect_vreg.gather [hbm4b:s25+s4], $0x80, v20, vm0, $0xb8;
	[tilespmem:$0x11380] =	vst v63  }
0xe9: {  	s1 =	simm.s32 $0x5B00  }
0xea: {  	[tilespmem:s1], [sflag:$0x1] =	stream.indirect_vreg.gather [hbm4b:s10+s4], $0x80, v20, vm0, $0xb8;
	[tilespmem:$0x11380] =	vst v63  }
0xeb: {  	s26 =	simm.s32 $0x6300  }
0xec: {  	[tilespmem:s26], [sflag:$0x1] =	stream.indirect_vreg.gather [hbm4b:s20+s4], $0x80, v20, vm0, $0xb8;
	[tilespmem:$0x11380] =	vst v63  }
0xed: {  	s6 =	simm.s32 $0x6B00  }
0xee: {  	[tilespmem:s6], [sflag:$0x1] =	stream.indirect_vreg.gather [hbm4b:s21+s4], $0x80, v20, vm0, $0xb8;
	[tilespmem:$0x11380] =	vst v63  }
0xef: {  	s9 =	simm.s32 $0x7300  }
0xf0: {  	[tilespmem:s9], [sflag:$0x1] =	stream.indirect_vreg.gather [hbm4b:s22+s4], $0x80, v20, vm0, $0xb8;
	[tilespmem:$0x11380] =	vst v63  }
0xf1: {  	s11 =	simm.s32 $0x7B00  }
0xf2: {  	[tilespmem:s11], [sflag:$0x1] =	stream.indirect_vreg.gather [hbm4b:s23+s4], $0x80, v20, vm0, $0xb8;
	[tilespmem:$0x11380] =	vst v63  }
0xf3: {  	s12 =	simm.s32 $0x8300  }
0xf4: {  	[tilespmem:s12], [sflag:$0x1] =	stream.indirect_vreg.gather [hbm4b:s24+s4], $0x80, v20, vm0, $0xb8;
	[tilespmem:$0x11380] =	vst v63  }
0xf5: {  	s13 =	simm.s32 $0x8B00  }
0xf6: {  	[tilespmem:s13], [sflag:$0x1] =	stream.indirect_vreg.gather [hbm4b:s3+s4], $0x80, v20, vm0, $0xb8;
	[tilespmem:$0x11380] =	vst v63  }
0xf7: {  	v20 =	vld [tilespmem:$0x1010];
	_ =	sdelay $0x4  }
0xf8: {  	v61 =	vshll.u32 v20, $0x4  }
0xf9: {  	v20 =	vand.u32 $0x7, v20;
	v21 =	vand.u32 $0xFFFFFF80, v61  }
0xfa: {  	v20 =	vor.u32 v20, v21  }
0xfb: {  	v21 =	vperm.xlane v20, v17;
	_ =	sdelay $0x1  }
0xfc: {  	v21 =	vadd.s32 v18, v21;
	_ =	sdelay $0x3  }
0xfd: {  	s14 =	simm.s32 $0x9300  }
0xfe: {  	[tilespmem:s14], [sflag:$0x1] =	stream.indirect_vreg.gather [hbm4b:s25+s4], $0x80, v21, vm0, $0xb8;
	[tilespmem:$0x11380] =	vst v63  }
0xff: {  	s15 =	simm.s32 $0x9B00  }
0x100: {  	[tilespmem:s15], [sflag:$0x1] =	stream.indirect_vreg.gather [hbm4b:s10+s4], $0x80, v21, vm0, $0xb8;
	[tilespmem:$0x11380] =	vst v63  }
0x101: {  	s16 =	simm.s32 $0xA300  }
0x102: {  	[tilespmem:s16], [sflag:$0x1] =	stream.indirect_vreg.gather [hbm4b:s20+s4], $0x80, v21, vm0, $0xb8;
	[tilespmem:$0x11380] =	vst v63  }
0x103: {  	s19 =	simm.s32 $0xAB00  }
0x104: {  	[tilespmem:s19], [sflag:$0x1] =	stream.indirect_vreg.gather [hbm4b:s21+s4], $0x80, v21, vm0, $0xb8;
	[tilespmem:$0x11380] =	vst v63  }
0x105: {  	s7 =	simm.s32 $0xB300  }
0x106: {  	[tilespmem:s7], [sflag:$0x1] =	stream.indirect_vreg.gather [hbm4b:s22+s4], $0x80, v21, vm0, $0xb8;
	[tilespmem:$0x11380] =	vst v63  }
0x107: {  	s2 =	simm.s32 $0xBB00;
	v20 =	vperm.xlane v20, v19  }
0x108: {  	[tilespmem:s2], [sflag:$0x1] =	stream.indirect_vreg.gather [hbm4b:s23+s4], $0x80, v21, vm0, $0xb8;
	[tilespmem:$0x11380] =	vst v63  }
0x109: {  	s1 =	simm.s32 $0xC300;
	v20 =	vadd.s32 v18, v20  }
0x10a: {  	[tilespmem:s1], [sflag:$0x1] =	stream.indirect_vreg.gather [hbm4b:s24+s4], $0x80, v21, vm0, $0xb8;
	[tilespmem:$0x11380] =	vst v63  }
0x10b: {  	s2 =	simm.s32 $0xCB00  }
0x10c: {  	[tilespmem:s2], [sflag:$0x1] =	stream.indirect_vreg.gather [hbm4b:s3+s4], $0x80, v21, vm0, $0xb8;
	[tilespmem:$0x11380] =	vst v63  }
0x10d: {  	s0 =	simm.s32 $0xD300  }
0x10e: {  	[tilespmem:s0], [sflag:$0x1] =	stream.indirect_vreg.gather [hbm4b:s25+s4], $0x80, v20, vm0, $0xb8;
	[tilespmem:$0x11380] =	vst v63  }
0x10f: {  	s1 =	simm.s32 $0xDB00  }
0x110: {  	[tilespmem:s1], [sflag:$0x1] =	stream.indirect_vreg.gather [hbm4b:s10+s4], $0x80, v20, vm0, $0xb8;
	[tilespmem:$0x11380] =	vst v63  }
0x111: {  	s2 =	simm.s32 $0xE300  }
0x112: {  	[tilespmem:s2], [sflag:$0x1] =	stream.indirect_vreg.gather [hbm4b:s20+s4], $0x80, v20, vm0, $0xb8;
	[tilespmem:$0x11380] =	vst v63  }
0x113: {  	s20 =	simm.s32 $0xEB00  }
0x114: {  	[tilespmem:s20], [sflag:$0x1] =	stream.indirect_vreg.gather [hbm4b:s21+s4], $0x80, v20, vm0, $0xb8;
	[tilespmem:$0x11380] =	vst v63  }
0x115: {  	s21 =	simm.s32 $0xF300  }
0x116: {  	[tilespmem:s21], [sflag:$0x1] =	stream.indirect_vreg.gather [hbm4b:s22+s4], $0x80, v20, vm0, $0xb8;
	[tilespmem:$0x11380] =	vst v63  }
0x117: {  	s22 =	simm.s32 $0xFB00  }
0x118: {  	[tilespmem:s22], [sflag:$0x1] =	stream.indirect_vreg.gather [hbm4b:s23+s4], $0x80, v20, vm0, $0xb8;
	[tilespmem:$0x11380] =	vst v63  }
0x119: {  	s23 =	simm.s32 $0x10300  }
0x11a: {  	[tilespmem:s23], [sflag:$0x1] =	stream.indirect_vreg.gather [hbm4b:s24+s4], $0x80, v20, vm0, $0xb8;
	[tilespmem:$0x11380] =	vst v63  }
0x11b: {  	s25 =	simm.s32 $0x1;
	s24 =	simm.s32 $0x10B00  }
0x11c: {  	[tilespmem:s24], [sflag:$0x1] =	stream.indirect_vreg.gather [hbm4b:s3+s4], $0x80, v20, vm0, $0xb8;
	[tilespmem:$0x11380] =	vst v63  }
0x11d: {  	_ =	swait.ge [sflag:s25], $0x10000  }
0x11e: {  	[sflag:s25] =	ssyncset.done $0x0  }
0x11f: {  	[sflag:s25] =	ssyncadd.s32 $0xFFFF0000  }
0x120: {  	v20 =	vld [tilespmem:$0x1100];
	_ =	sdelay $0x4  }
0x121: {  	v62 =	vshll.u32 v20, $0x4  }
0x122: {  	v20 =	vand.u32 $0x7, v20;
	v21 =	vand.u32 $0xFFFFFF80, v62  }
0x123: {  	v20 =	vor.u32 v20, v21  }
0x124: {  	v21 =	vperm.xlane v20, v17;
	_ =	sdelay $0x1  }
0x125: {  	v21 =	vadd.s32 v18, v21;
	_ =	sdelay $0x3  }
0x126: {  	s25 =	rddreg [dreg:$0x8]  }
0x127: {  	[hbm4b:s25+s4] =	stream.indirect_vreg.scatter [tilespmem:s5], [sflag:$0x2], $0x80, v21, vm0, $0xb8;
	[tilespmem:$0x11380] =	vst v63  }
0x128: {  	s5 =	rddreg [dreg:$0xa]  }
0x129: {  	[hbm4b:s5+s4] =	stream.indirect_vreg.scatter [tilespmem:s8], [sflag:$0x2], $0x80, v21, vm0, $0xb8;
	[tilespmem:$0x11380] =	vst v63  }
0x12a: {  	s8 =	rddreg [dreg:$0xb]  }
0x12b: {  	[hbm4b:s8+s4] =	stream.indirect_vreg.scatter [tilespmem:s17], [sflag:$0x2], $0x80, v21, vm0, $0xb8;
	[tilespmem:$0x11380] =	vst v63  }
0x12c: {  	s10 =	rddreg [dreg:$0xc]  }
0x12d: {  	[hbm4b:s10+s4] =	stream.indirect_vreg.scatter [tilespmem:s18], [sflag:$0x2], $0x80, v21, vm0, $0xb8;
	[tilespmem:$0x11380] =	vst v63  }
0x12e: {  	s17 =	rddreg [dreg:$0xd]  }
0x12f: {  	[hbm4b:s17+s4] =	stream.indirect_vreg.scatter [tilespmem:s28], [sflag:$0x2], $0x80, v21, vm0, $0xb8;
	[tilespmem:$0x11380] =	vst v63  }
0x130: {  	v20 =	vperm.xlane v20, v19;
	s18 =	rddreg [dreg:$0xe]  }
0x131: {  	[hbm4b:s18+s4] =	stream.indirect_vreg.scatter [tilespmem:s29], [sflag:$0x2], $0x80, v21, vm0, $0xb8;
	[tilespmem:$0x11380] =	vst v63  }
0x132: {  	v20 =	vadd.s32 v18, v20;
	s28 =	rddreg [dreg:$0xf]  }
0x133: {  	[hbm4b:s28+s4] =	stream.indirect_vreg.scatter [tilespmem:s30], [sflag:$0x2], $0x80, v21, vm0, $0xb8;
	[tilespmem:$0x11380] =	vst v63  }
0x134: {  	s29 =	rddreg [dreg:$0x10]  }
0x135: {  	[hbm4b:s29+s4] =	stream.indirect_vreg.scatter [tilespmem:s31], [sflag:$0x2], $0x80, v21, vm0, $0xb8;
	[tilespmem:$0x11380] =	vst v63  }
0x136: {  	s30 =	simm.s32 $0x5300  }
0x137: {  	[hbm4b:s25+s4] =	stream.indirect_vreg.scatter [tilespmem:s30], [sflag:$0x2], $0x80, v20, vm0, $0xb8;
	[tilespmem:$0x11380] =	vst v63  }
0x138: {  	s31 =	simm.s32 $0x5B00  }
0x139: {  	[hbm4b:s5+s4] =	stream.indirect_vreg.scatter [tilespmem:s31], [sflag:$0x2], $0x80, v20, vm0, $0xb8;
	[tilespmem:$0x11380] =	vst v63  }
0x13a: {  	_ = 	snop  }
0x13b: {  	[hbm4b:s8+s4] =	stream.indirect_vreg.scatter [tilespmem:s26], [sflag:$0x2], $0x80, v20, vm0, $0xb8;
	[tilespmem:$0x11380] =	vst v63  }
0x13c: {  	_ = 	snop  }
0x13d: {  	[hbm4b:s10+s4] =	stream.indirect_vreg.scatter [tilespmem:s6], [sflag:$0x2], $0x80, v20, vm0, $0xb8;
	[tilespmem:$0x11380] =	vst v63  }
0x13e: {  	_ = 	snop  }
0x13f: {  	[hbm4b:s17+s4] =	stream.indirect_vreg.scatter [tilespmem:s9], [sflag:$0x2], $0x80, v20, vm0, $0xb8;
	[tilespmem:$0x11380] =	vst v63  }
0x140: {  	_ = 	snop  }
0x141: {  	[hbm4b:s18+s4] =	stream.indirect_vreg.scatter [tilespmem:s11], [sflag:$0x2], $0x80, v20, vm0, $0xb8;
	[tilespmem:$0x11380] =	vst v63  }
0x142: {  	_ = 	snop  }
0x143: {  	[hbm4b:s28+s4] =	stream.indirect_vreg.scatter [tilespmem:s12], [sflag:$0x2], $0x80, v20, vm0, $0xb8;
	[tilespmem:$0x11380] =	vst v63  }
0x144: {  	_ = 	snop  }
0x145: {  	[hbm4b:s29+s4] =	stream.indirect_vreg.scatter [tilespmem:s13], [sflag:$0x2], $0x80, v20, vm0, $0xb8;
	[tilespmem:$0x11380] =	vst v63  }
0x146: {  	v20 =	vld [tilespmem:$0x1110];
	_ =	sdelay $0x4  }
0x147: {  	v63 =	vshll.u32 v20, $0x4  }
0x148: {  	v20 =	vand.u32 $0x7, v20;
	v21 =	vand.u32 $0xFFFFFF80, v63  }
0x149: {  	v20 =	vor.u32 v20, v21  }
0x14a: {  	v21 =	vperm.xlane v20, v17;
	_ =	sdelay $0x1  }
0x14b: {  	v21 =	vadd.s32 v18, v21;
	_ =	sdelay $0x4  }
0x14c: {  	[hbm4b:s25+s4] =	stream.indirect_vreg.scatter [tilespmem:s14], [sflag:$0x2], $0x80, v21, vm0, $0xb8;
	[tilespmem:$0x11380] =	vst v63  }
0x14d: {  	_ = 	snop  }
0x14e: {  	[hbm4b:s5+s4] =	stream.indirect_vreg.scatter [tilespmem:s15], [sflag:$0x2], $0x80, v21, vm0, $0xb8;
	[tilespmem:$0x11380] =	vst v63  }
0x14f: {  	_ = 	snop  }
0x150: {  	[hbm4b:s8+s4] =	stream.indirect_vreg.scatter [tilespmem:s16], [sflag:$0x2], $0x80, v21, vm0, $0xb8;
	[tilespmem:$0x11380] =	vst v63  }
0x151: {  	_ = 	snop  }
0x152: {  	[hbm4b:s10+s4] =	stream.indirect_vreg.scatter [tilespmem:s19], [sflag:$0x2], $0x80, v21, vm0, $0xb8;
	[tilespmem:$0x11380] =	vst v63  }
0x153: {  	_ = 	snop  }
0x154: {  	[hbm4b:s17+s4] =	stream.indirect_vreg.scatter [tilespmem:s7], [sflag:$0x2], $0x80, v21, vm0, $0xb8;
	[tilespmem:$0x11380] =	vst v63  }
0x155: {  	v20 =	vperm.xlane v20, v19;
	s16 =	simm.s32 $0xBB00  }
0x156: {  	[hbm4b:s18+s4] =	stream.indirect_vreg.scatter [tilespmem:s16], [sflag:$0x2], $0x80, v21, vm0, $0xb8;
	[tilespmem:$0x11380] =	vst v63  }
0x157: {  	v20 =	vadd.s32 v18, v20;
	s19 =	simm.s32 $0xC300  }
0x158: {  	[hbm4b:s28+s4] =	stream.indirect_vreg.scatter [tilespmem:s19], [sflag:$0x2], $0x80, v21, vm0, $0xb8;
	[tilespmem:$0x11380] =	vst v63  }
0x159: {  	s26 =	simm.s32 $0xCB00  }
0x15a: {  	[hbm4b:s29+s4] =	stream.indirect_vreg.scatter [tilespmem:s26], [sflag:$0x2], $0x80, v21, vm0, $0xb8;
	[tilespmem:$0x11380] =	vst v63  }
0x15b: {  	_ = 	snop  }
0x15c: {  	[hbm4b:s25+s4] =	stream.indirect_vreg.scatter [tilespmem:s0], [sflag:$0x2], $0x80, v20, vm0, $0xb8;
	[tilespmem:$0x11380] =	vst v63  }
0x15d: {  	_ = 	snop  }
0x15e: {  	[hbm4b:s5+s4] =	stream.indirect_vreg.scatter [tilespmem:s1], [sflag:$0x2], $0x80, v20, vm0, $0xb8;
	[tilespmem:$0x11380] =	vst v63  }
0x15f: {  	_ = 	snop  }
0x160: {  	[hbm4b:s8+s4] =	stream.indirect_vreg.scatter [tilespmem:s2], [sflag:$0x2], $0x80, v20, vm0, $0xb8;
	[tilespmem:$0x11380] =	vst v63  }
0x161: {  	_ = 	snop  }
0x162: {  	[hbm4b:s10+s4] =	stream.indirect_vreg.scatter [tilespmem:s20], [sflag:$0x2], $0x80, v20, vm0, $0xb8;
	[tilespmem:$0x11380] =	vst v63  }
0x163: {  	_ = 	snop  }
0x164: {  	[hbm4b:s17+s4] =	stream.indirect_vreg.scatter [tilespmem:s21], [sflag:$0x2], $0x80, v20, vm0, $0xb8;
	[tilespmem:$0x11380] =	vst v63  }
0x165: {  	_ = 	snop  }
0x166: {  	[hbm4b:s18+s4] =	stream.indirect_vreg.scatter [tilespmem:s22], [sflag:$0x2], $0x80, v20, vm0, $0xb8;
	[tilespmem:$0x11380] =	vst v63  }
0x167: {  	_ = 	snop  }
0x168: {  	[hbm4b:s28+s4] =	stream.indirect_vreg.scatter [tilespmem:s23], [sflag:$0x2], $0x80, v20, vm0, $0xb8;
	[tilespmem:$0x11380] =	vst v63  }
0x169: {  	s30 =	simm.s32 $0x2  }
0x16a: {  	[hbm4b:s29+s4] =	stream.indirect_vreg.scatter [tilespmem:s24], [sflag:$0x2], $0x80, v20, vm0, $0xb8;
	[tilespmem:$0x11380] =	vst v63  }
0x16b: {  	_ =	swait.ge [sflag:s30], $0x10000  }
0x16c: {  	s31 =	rddreg [dreg:$0x19]  }
0x16d: {  	p1 =	slt.u32 s31, $0x21  }
.Ltmp10:
0x16e: {  	_ = 	snop;
	(pc) =	sbr.rel @p1 .LBB2_9-.Ltmp10, $3  }
0x16f: {  	_ =	sdelay $0x1  }
0x170: {  	[sflag:s30] =	ssyncset.done $0x0  }
0x171: {  	[sflag:s30] =	ssyncadd.s32 $0xFFFF0000  }
0x172: {  	v20 =	vld [tilespmem:$0x1020];
	_ =	sdelay $0x4  }
0x173: {  	v21 =	vshll.u32 v20, $0x4  }
0x174: {  	v20 =	vand.u32 $0x7, v20;
	v21 =	vand.u32 $0xFFFFFF80, v21  }
0x175: {  	v20 =	vor.u32 v20, v21  }
0x176: {  	v21 =	vperm.xlane v20, v17;
	_ =	sdelay $0x1  }
0x177: {  	v21 =	vadd.s32 v18, v21;
	_ =	sdelay $0x3  }
0x178: {  	s5 =	simm.s32 $0x1300;
	s25 =	rddreg [dreg:$0x1]  }
0x179: {  	[tilespmem:s5], [sflag:$0x1] =	stream.indirect_vreg.gather [hbm4b:s25+s4], $0x80, v21, vm0, $0xb8;
	[tilespmem:$0x11380] =	vst v63  }
0x17a: {  	s8 =	simm.s32 $0x1B00;
	s10 =	rddreg [dreg:$0x9]  }
0x17b: {  	[tilespmem:s8], [sflag:$0x1] =	stream.indirect_vreg.gather [hbm4b:s10+s4], $0x80, v21, vm0, $0xb8;
	[tilespmem:$0x11380] =	vst v63  }
0x17c: {  	s17 =	simm.s32 $0x2300;
	s20 =	rddreg [dreg:$0x11]  }
0x17d: {  	[tilespmem:s17], [sflag:$0x1] =	stream.indirect_vreg.gather [hbm4b:s20+s4], $0x80, v21, vm0, $0xb8;
	[tilespmem:$0x11380] =	vst v63  }
0x17e: {  	s18 =	simm.s32 $0x2B00;
	s21 =	rddreg [dreg:$0x12]  }
0x17f: {  	[tilespmem:s18], [sflag:$0x1] =	stream.indirect_vreg.gather [hbm4b:s21+s4], $0x80, v21, vm0, $0xb8;
	[tilespmem:$0x11380] =	vst v63  }
0x180: {  	s28 =	simm.s32 $0x3300;
	s22 =	rddreg [dreg:$0x13]  }
0x181: {  	[tilespmem:s28], [sflag:$0x1] =	stream.indirect_vreg.gather [hbm4b:s22+s4], $0x80, v21, vm0, $0xb8;
	[tilespmem:$0x11380] =	vst v63  }
0x182: {  	s29 =	simm.s32 $0x3B00;
	s23 =	rddreg [dreg:$0x14];
	v20 =	vperm.xlane v20, v19  }
0x183: {  	[tilespmem:s29], [sflag:$0x1] =	stream.indirect_vreg.gather [hbm4b:s23+s4], $0x80, v21, vm0, $0xb8;
	[tilespmem:$0x11380] =	vst v63  }
0x184: {  	s30 =	simm.s32 $0x4300;
	s24 =	rddreg [dreg:$0x15];
	v20 =	vadd.s32 v18, v20  }
0x185: {  	[tilespmem:s30], [sflag:$0x1] =	stream.indirect_vreg.gather [hbm4b:s24+s4], $0x80, v21, vm0, $0xb8;
	[tilespmem:$0x11380] =	vst v63  }
0x186: {  	s31 =	simm.s32 $0x4B00;
	s3 =	rddreg [dreg:$0x16]  }
0x187: {  	[tilespmem:s31], [sflag:$0x1] =	stream.indirect_vreg.gather [hbm4b:s3+s4], $0x80, v21, vm0, $0xb8;
	[tilespmem:$0x11380] =	vst v63  }
0x188: {  	s0 =	simm.s32 $0x5300  }
0x189: {  	[tilespmem:s0], [sflag:$0x1] =	stream.indirect_vreg.gather [hbm4b:s25+s4], $0x80, v20, vm0, $0xb8;
	[tilespmem:$0x11380] =	vst v63  }
0x18a: {  	s1 =	simm.s32 $0x5B00  }
0x18b: {  	[tilespmem:s1], [sflag:$0x1] =	stream.indirect_vreg.gather [hbm4b:s10+s4], $0x80, v20, vm0, $0xb8;
	[tilespmem:$0x11380] =	vst v63  }
0x18c: {  	s26 =	simm.s32 $0x6300  }
0x18d: {  	[tilespmem:s26], [sflag:$0x1] =	stream.indirect_vreg.gather [hbm4b:s20+s4], $0x80, v20, vm0, $0xb8;
	[tilespmem:$0x11380] =	vst v63  }
0x18e: {  	s6 =	simm.s32 $0x6B00  }
0x18f: {  	[tilespmem:s6], [sflag:$0x1] =	stream.indirect_vreg.gather [hbm4b:s21+s4], $0x80, v20, vm0, $0xb8;
	[tilespmem:$0x11380] =	vst v63  }
0x190: {  	s9 =	simm.s32 $0x7300  }
0x191: {  	[tilespmem:s9], [sflag:$0x1] =	stream.indirect_vreg.gather [hbm4b:s22+s4], $0x80, v20, vm0, $0xb8;
	[tilespmem:$0x11380] =	vst v63  }
0x192: {  	s11 =	simm.s32 $0x7B00  }
0x193: {  	[tilespmem:s11], [sflag:$0x1] =	stream.indirect_vreg.gather [hbm4b:s23+s4], $0x80, v20, vm0, $0xb8;
	[tilespmem:$0x11380] =	vst v63  }
0x194: {  	s12 =	simm.s32 $0x8300  }
0x195: {  	[tilespmem:s12], [sflag:$0x1] =	stream.indirect_vreg.gather [hbm4b:s24+s4], $0x80, v20, vm0, $0xb8;
	[tilespmem:$0x11380] =	vst v63  }
0x196: {  	s13 =	simm.s32 $0x8B00  }
0x197: {  	[tilespmem:s13], [sflag:$0x1] =	stream.indirect_vreg.gather [hbm4b:s3+s4], $0x80, v20, vm0, $0xb8;
	[tilespmem:$0x11380] =	vst v63  }
0x198: {  	v20 =	vld [tilespmem:$0x1030];
	_ =	sdelay $0x4  }
0x199: {  	v61 =	vshll.u32 v20, $0x4  }
0x19a: {  	v20 =	vand.u32 $0x7, v20;
	v21 =	vand.u32 $0xFFFFFF80, v61  }
0x19b: {  	v20 =	vor.u32 v20, v21  }
0x19c: {  	v21 =	vperm.xlane v20, v17;
	_ =	sdelay $0x1  }
0x19d: {  	v21 =	vadd.s32 v18, v21;
	_ =	sdelay $0x3  }
0x19e: {  	s14 =	simm.s32 $0x9300  }
0x19f: {  	[tilespmem:s14], [sflag:$0x1] =	stream.indirect_vreg.gather [hbm4b:s25+s4], $0x80, v21, vm0, $0xb8;
	[tilespmem:$0x11380] =	vst v63  }
0x1a0: {  	s15 =	simm.s32 $0x9B00  }
0x1a1: {  	[tilespmem:s15], [sflag:$0x1] =	stream.indirect_vreg.gather [hbm4b:s10+s4], $0x80, v21, vm0, $0xb8;
	[tilespmem:$0x11380] =	vst v63  }
0x1a2: {  	s16 =	simm.s32 $0xA300  }
0x1a3: {  	[tilespmem:s16], [sflag:$0x1] =	stream.indirect_vreg.gather [hbm4b:s20+s4], $0x80, v21, vm0, $0xb8;
	[tilespmem:$0x11380] =	vst v63  }
0x1a4: {  	s19 =	simm.s32 $0xAB00  }
0x1a5: {  	[tilespmem:s19], [sflag:$0x1] =	stream.indirect_vreg.gather [hbm4b:s21+s4], $0x80, v21, vm0, $0xb8;
	[tilespmem:$0x11380] =	vst v63  }
0x1a6: {  	s7 =	simm.s32 $0xB300  }
0x1a7: {  	[tilespmem:s7], [sflag:$0x1] =	stream.indirect_vreg.gather [hbm4b:s22+s4], $0x80, v21, vm0, $0xb8;
	[tilespmem:$0x11380] =	vst v63  }
0x1a8: {  	s2 =	simm.s32 $0xBB00;
	v20 =	vperm.xlane v20, v19  }
0x1a9: {  	[tilespmem:s2], [sflag:$0x1] =	stream.indirect_vreg.gather [hbm4b:s23+s4], $0x80, v21, vm0, $0xb8;
	[tilespmem:$0x11380] =	vst v63  }
0x1aa: {  	s1 =	simm.s32 $0xC300;
	v20 =	vadd.s32 v18, v20  }
0x1ab: {  	[tilespmem:s1], [sflag:$0x1] =	stream.indirect_vreg.gather [hbm4b:s24+s4], $0x80, v21, vm0, $0xb8;
	[tilespmem:$0x11380] =	vst v63  }
0x1ac: {  	s2 =	simm.s32 $0xCB00  }
0x1ad: {  	[tilespmem:s2], [sflag:$0x1] =	stream.indirect_vreg.gather [hbm4b:s3+s4], $0x80, v21, vm0, $0xb8;
	[tilespmem:$0x11380] =	vst v63  }
0x1ae: {  	s0 =	simm.s32 $0xD300  }
0x1af: {  	[tilespmem:s0], [sflag:$0x1] =	stream.indirect_vreg.gather [hbm4b:s25+s4], $0x80, v20, vm0, $0xb8;
	[tilespmem:$0x11380] =	vst v63  }
0x1b0: {  	s1 =	simm.s32 $0xDB00  }
0x1b1: {  	[tilespmem:s1], [sflag:$0x1] =	stream.indirect_vreg.gather [hbm4b:s10+s4], $0x80, v20, vm0, $0xb8;
	[tilespmem:$0x11380] =	vst v63  }
0x1b2: {  	s2 =	simm.s32 $0xE300  }
0x1b3: {  	[tilespmem:s2], [sflag:$0x1] =	stream.indirect_vreg.gather [hbm4b:s20+s4], $0x80, v20, vm0, $0xb8;
	[tilespmem:$0x11380] =	vst v63  }
0x1b4: {  	s20 =	simm.s32 $0xEB00  }
0x1b5: {  	[tilespmem:s20], [sflag:$0x1] =	stream.indirect_vreg.gather [hbm4b:s21+s4], $0x80, v20, vm0, $0xb8;
	[tilespmem:$0x11380] =	vst v63  }
0x1b6: {  	s21 =	simm.s32 $0xF300  }
0x1b7: {  	[tilespmem:s21], [sflag:$0x1] =	stream.indirect_vreg.gather [hbm4b:s22+s4], $0x80, v20, vm0, $0xb8;
	[tilespmem:$0x11380] =	vst v63  }
0x1b8: {  	s22 =	simm.s32 $0xFB00  }
0x1b9: {  	[tilespmem:s22], [sflag:$0x1] =	stream.indirect_vreg.gather [hbm4b:s23+s4], $0x80, v20, vm0, $0xb8;
	[tilespmem:$0x11380] =	vst v63  }
0x1ba: {  	s23 =	simm.s32 $0x10300  }
0x1bb: {  	[tilespmem:s23], [sflag:$0x1] =	stream.indirect_vreg.gather [hbm4b:s24+s4], $0x80, v20, vm0, $0xb8;
	[tilespmem:$0x11380] =	vst v63  }
0x1bc: {  	s25 =	simm.s32 $0x1;
	s24 =	simm.s32 $0x10B00  }
0x1bd: {  	[tilespmem:s24], [sflag:$0x1] =	stream.indirect_vreg.gather [hbm4b:s3+s4], $0x80, v20, vm0, $0xb8;
	[tilespmem:$0x11380] =	vst v63  }
0x1be: {  	_ =	swait.ge [sflag:s25], $0x10000  }
0x1bf: {  	[sflag:s25] =	ssyncset.done $0x0  }
0x1c0: {  	[sflag:s25] =	ssyncadd.s32 $0xFFFF0000  }
0x1c1: {  	v20 =	vld [tilespmem:$0x1180];
	_ =	sdelay $0x4  }
0x1c2: {  	v62 =	vshll.u32 v20, $0x4  }
0x1c3: {  	v20 =	vand.u32 $0x7, v20;
	v21 =	vand.u32 $0xFFFFFF80, v62  }
0x1c4: {  	v20 =	vor.u32 v20, v21  }
0x1c5: {  	v21 =	vperm.xlane v20, v17;
	_ =	sdelay $0x1  }
0x1c6: {  	v21 =	vadd.s32 v18, v21;
	_ =	sdelay $0x3  }
0x1c7: {  	s25 =	rddreg [dreg:$0x8]  }
0x1c8: {  	[hbm4b:s25+s4] =	stream.indirect_vreg.scatter [tilespmem:s5], [sflag:$0x2], $0x80, v21, vm0, $0xb8;
	[tilespmem:$0x11380] =	vst v63  }
0x1c9: {  	s5 =	rddreg [dreg:$0xa]  }
0x1ca: {  	[hbm4b:s5+s4] =	stream.indirect_vreg.scatter [tilespmem:s8], [sflag:$0x2], $0x80, v21, vm0, $0xb8;
	[tilespmem:$0x11380] =	vst v63  }
0x1cb: {  	s8 =	rddreg [dreg:$0xb]  }
0x1cc: {  	[hbm4b:s8+s4] =	stream.indirect_vreg.scatter [tilespmem:s17], [sflag:$0x2], $0x80, v21, vm0, $0xb8;
	[tilespmem:$0x11380] =	vst v63  }
0x1cd: {  	s10 =	rddreg [dreg:$0xc]  }
0x1ce: {  	[hbm4b:s10+s4] =	stream.indirect_vreg.scatter [tilespmem:s18], [sflag:$0x2], $0x80, v21, vm0, $0xb8;
	[tilespmem:$0x11380] =	vst v63  }
0x1cf: {  	s17 =	rddreg [dreg:$0xd]  }
0x1d0: {  	[hbm4b:s17+s4] =	stream.indirect_vreg.scatter [tilespmem:s28], [sflag:$0x2], $0x80, v21, vm0, $0xb8;
	[tilespmem:$0x11380] =	vst v63  }
0x1d1: {  	v20 =	vperm.xlane v20, v19;
	s18 =	rddreg [dreg:$0xe]  }
0x1d2: {  	[hbm4b:s18+s4] =	stream.indirect_vreg.scatter [tilespmem:s29], [sflag:$0x2], $0x80, v21, vm0, $0xb8;
	[tilespmem:$0x11380] =	vst v63  }
0x1d3: {  	v20 =	vadd.s32 v18, v20;
	s28 =	rddreg [dreg:$0xf]  }
0x1d4: {  	[hbm4b:s28+s4] =	stream.indirect_vreg.scatter [tilespmem:s30], [sflag:$0x2], $0x80, v21, vm0, $0xb8;
	[tilespmem:$0x11380] =	vst v63  }
0x1d5: {  	s29 =	rddreg [dreg:$0x10]  }
0x1d6: {  	[hbm4b:s29+s4] =	stream.indirect_vreg.scatter [tilespmem:s31], [sflag:$0x2], $0x80, v21, vm0, $0xb8;
	[tilespmem:$0x11380] =	vst v63  }
0x1d7: {  	s30 =	simm.s32 $0x5300  }
0x1d8: {  	[hbm4b:s25+s4] =	stream.indirect_vreg.scatter [tilespmem:s30], [sflag:$0x2], $0x80, v20, vm0, $0xb8;
	[tilespmem:$0x11380] =	vst v63  }
0x1d9: {  	s31 =	simm.s32 $0x5B00  }
0x1da: {  	[hbm4b:s5+s4] =	stream.indirect_vreg.scatter [tilespmem:s31], [sflag:$0x2], $0x80, v20, vm0, $0xb8;
	[tilespmem:$0x11380] =	vst v63  }
0x1db: {  	_ = 	snop  }
0x1dc: {  	[hbm4b:s8+s4] =	stream.indirect_vreg.scatter [tilespmem:s26], [sflag:$0x2], $0x80, v20, vm0, $0xb8;
	[tilespmem:$0x11380] =	vst v63  }
0x1dd: {  	_ = 	snop  }
0x1de: {  	[hbm4b:s10+s4] =	stream.indirect_vreg.scatter [tilespmem:s6], [sflag:$0x2], $0x80, v20, vm0, $0xb8;
	[tilespmem:$0x11380] =	vst v63  }
0x1df: {  	_ = 	snop  }
0x1e0: {  	[hbm4b:s17+s4] =	stream.indirect_vreg.scatter [tilespmem:s9], [sflag:$0x2], $0x80, v20, vm0, $0xb8;
	[tilespmem:$0x11380] =	vst v63  }
0x1e1: {  	_ = 	snop  }
0x1e2: {  	[hbm4b:s18+s4] =	stream.indirect_vreg.scatter [tilespmem:s11], [sflag:$0x2], $0x80, v20, vm0, $0xb8;
	[tilespmem:$0x11380] =	vst v63  }
0x1e3: {  	_ = 	snop  }
0x1e4: {  	[hbm4b:s28+s4] =	stream.indirect_vreg.scatter [tilespmem:s12], [sflag:$0x2], $0x80, v20, vm0, $0xb8;
	[tilespmem:$0x11380] =	vst v63  }
0x1e5: {  	_ = 	snop  }
0x1e6: {  	[hbm4b:s29+s4] =	stream.indirect_vreg.scatter [tilespmem:s13], [sflag:$0x2], $0x80, v20, vm0, $0xb8;
	[tilespmem:$0x11380] =	vst v63  }
0x1e7: {  	v20 =	vld [tilespmem:$0x1190];
	_ =	sdelay $0x4  }
0x1e8: {  	v63 =	vshll.u32 v20, $0x4  }
0x1e9: {  	v20 =	vand.u32 $0x7, v20;
	v21 =	vand.u32 $0xFFFFFF80, v63  }
0x1ea: {  	v20 =	vor.u32 v20, v21  }
0x1eb: {  	v21 =	vperm.xlane v20, v17;
	_ =	sdelay $0x1  }
0x1ec: {  	v21 =	vadd.s32 v18, v21;
	_ =	sdelay $0x4  }
0x1ed: {  	[hbm4b:s25+s4] =	stream.indirect_vreg.scatter [tilespmem:s14], [sflag:$0x2], $0x80, v21, vm0, $0xb8;
	[tilespmem:$0x11380] =	vst v63  }
0x1ee: {  	_ = 	snop  }
0x1ef: {  	[hbm4b:s5+s4] =	stream.indirect_vreg.scatter [tilespmem:s15], [sflag:$0x2], $0x80, v21, vm0, $0xb8;
	[tilespmem:$0x11380] =	vst v63  }
0x1f0: {  	_ = 	snop  }
0x1f1: {  	[hbm4b:s8+s4] =	stream.indirect_vreg.scatter [tilespmem:s16], [sflag:$0x2], $0x80, v21, vm0, $0xb8;
	[tilespmem:$0x11380] =	vst v63  }
0x1f2: {  	_ = 	snop  }
0x1f3: {  	[hbm4b:s10+s4] =	stream.indirect_vreg.scatter [tilespmem:s19], [sflag:$0x2], $0x80, v21, vm0, $0xb8;
	[tilespmem:$0x11380] =	vst v63  }
0x1f4: {  	_ = 	snop  }
0x1f5: {  	[hbm4b:s17+s4] =	stream.indirect_vreg.scatter [tilespmem:s7], [sflag:$0x2], $0x80, v21, vm0, $0xb8;
	[tilespmem:$0x11380] =	vst v63  }
0x1f6: {  	v20 =	vperm.xlane v20, v19;
	s16 =	simm.s32 $0xBB00  }
0x1f7: {  	[hbm4b:s18+s4] =	stream.indirect_vreg.scatter [tilespmem:s16], [sflag:$0x2], $0x80, v21, vm0, $0xb8;
	[tilespmem:$0x11380] =	vst v63  }
0x1f8: {  	v20 =	vadd.s32 v18, v20;
	s19 =	simm.s32 $0xC300  }
0x1f9: {  	[hbm4b:s28+s4] =	stream.indirect_vreg.scatter [tilespmem:s19], [sflag:$0x2], $0x80, v21, vm0, $0xb8;
	[tilespmem:$0x11380] =	vst v63  }
0x1fa: {  	s26 =	simm.s32 $0xCB00  }
0x1fb: {  	[hbm4b:s29+s4] =	stream.indirect_vreg.scatter [tilespmem:s26], [sflag:$0x2], $0x80, v21, vm0, $0xb8;
	[tilespmem:$0x11380] =	vst v63  }
0x1fc: {  	_ = 	snop  }
0x1fd: {  	[hbm4b:s25+s4] =	stream.indirect_vreg.scatter [tilespmem:s0], [sflag:$0x2], $0x80, v20, vm0, $0xb8;
	[tilespmem:$0x11380] =	vst v63  }
0x1fe: {  	_ = 	snop  }
0x1ff: {  	[hbm4b:s5+s4] =	stream.indirect_vreg.scatter [tilespmem:s1], [sflag:$0x2], $0x80, v20, vm0, $0xb8;
	[tilespmem:$0x11380] =	vst v63  }
0x200: {  	_ = 	snop  }
0x201: {  	[hbm4b:s8+s4] =	stream.indirect_vreg.scatter [tilespmem:s2], [sflag:$0x2], $0x80, v20, vm0, $0xb8;
	[tilespmem:$0x11380] =	vst v63  }
0x202: {  	_ = 	snop  }
0x203: {  	[hbm4b:s10+s4] =	stream.indirect_vreg.scatter [tilespmem:s20], [sflag:$0x2], $0x80, v20, vm0, $0xb8;
	[tilespmem:$0x11380] =	vst v63  }
0x204: {  	_ = 	snop  }
0x205: {  	[hbm4b:s17+s4] =	stream.indirect_vreg.scatter [tilespmem:s21], [sflag:$0x2], $0x80, v20, vm0, $0xb8;
	[tilespmem:$0x11380] =	vst v63  }
0x206: {  	_ = 	snop  }
0x207: {  	[hbm4b:s18+s4] =	stream.indirect_vreg.scatter [tilespmem:s22], [sflag:$0x2], $0x80, v20, vm0, $0xb8;
	[tilespmem:$0x11380] =	vst v63  }
0x208: {  	_ = 	snop  }
0x209: {  	[hbm4b:s28+s4] =	stream.indirect_vreg.scatter [tilespmem:s23], [sflag:$0x2], $0x80, v20, vm0, $0xb8;
	[tilespmem:$0x11380] =	vst v63  }
0x20a: {  	s30 =	simm.s32 $0x2  }
0x20b: {  	[hbm4b:s29+s4] =	stream.indirect_vreg.scatter [tilespmem:s24], [sflag:$0x2], $0x80, v20, vm0, $0xb8;
	[tilespmem:$0x11380] =	vst v63  }
0x20c: {  	_ =	swait.ge [sflag:s30], $0x10000  }
0x20d: {  	s31 =	rddreg [dreg:$0x19]  }
0x20e: {  	p1 =	slt.u32 s31, $0x41  }
.Ltmp11:
0x20f: {  	_ = 	snop;
	(pc) =	sbr.rel @p1 .LBB2_9-.Ltmp11, $3  }
0x210: {  	_ =	sdelay $0x1  }
0x211: {  	[sflag:s30] =	ssyncset.done $0x0  }
0x212: {  	[sflag:s30] =	ssyncadd.s32 $0xFFFF0000  }
0x213: {  	v20 =	vld [tilespmem:$0x1040];
	_ =	sdelay $0x4  }
0x214: {  	v21 =	vshll.u32 v20, $0x4  }
0x215: {  	v20 =	vand.u32 $0x7, v20;
	v21 =	vand.u32 $0xFFFFFF80, v21  }
0x216: {  	v20 =	vor.u32 v20, v21  }
0x217: {  	v21 =	vperm.xlane v20, v17;
	_ =	sdelay $0x1  }
0x218: {  	v21 =	vadd.s32 v18, v21;
	_ =	sdelay $0x3  }
0x219: {  	s5 =	simm.s32 $0x1300;
	s25 =	rddreg [dreg:$0x1]  }
0x21a: {  	[tilespmem:s5], [sflag:$0x1] =	stream.indirect_vreg.gather [hbm4b:s25+s4], $0x80, v21, vm0, $0xb8;
	[tilespmem:$0x11380] =	vst v63  }
0x21b: {  	s8 =	simm.s32 $0x1B00;
	s10 =	rddreg [dreg:$0x9]  }
0x21c: {  	[tilespmem:s8], [sflag:$0x1] =	stream.indirect_vreg.gather [hbm4b:s10+s4], $0x80, v21, vm0, $0xb8;
	[tilespmem:$0x11380] =	vst v63  }
0x21d: {  	s17 =	simm.s32 $0x2300;
	s20 =	rddreg [dreg:$0x11]  }
0x21e: {  	[tilespmem:s17], [sflag:$0x1] =	stream.indirect_vreg.gather [hbm4b:s20+s4], $0x80, v21, vm0, $0xb8;
	[tilespmem:$0x11380] =	vst v63  }
0x21f: {  	s18 =	simm.s32 $0x2B00;
	s21 =	rddreg [dreg:$0x12]  }
0x220: {  	[tilespmem:s18], [sflag:$0x1] =	stream.indirect_vreg.gather [hbm4b:s21+s4], $0x80, v21, vm0, $0xb8;
	[tilespmem:$0x11380] =	vst v63  }
0x221: {  	s28 =	simm.s32 $0x3300;
	s22 =	rddreg [dreg:$0x13]  }
0x222: {  	[tilespmem:s28], [sflag:$0x1] =	stream.indirect_vreg.gather [hbm4b:s22+s4], $0x80, v21, vm0, $0xb8;
	[tilespmem:$0x11380] =	vst v63  }
0x223: {  	s29 =	simm.s32 $0x3B00;
	s23 =	rddreg [dreg:$0x14];
	v20 =	vperm.xlane v20, v19  }
0x224: {  	[tilespmem:s29], [sflag:$0x1] =	stream.indirect_vreg.gather [hbm4b:s23+s4], $0x80, v21, vm0, $0xb8;
	[tilespmem:$0x11380] =	vst v63  }
0x225: {  	s30 =	simm.s32 $0x4300;
	s24 =	rddreg [dreg:$0x15];
	v20 =	vadd.s32 v18, v20  }
0x226: {  	[tilespmem:s30], [sflag:$0x1] =	stream.indirect_vreg.gather [hbm4b:s24+s4], $0x80, v21, vm0, $0xb8;
	[tilespmem:$0x11380] =	vst v63  }
0x227: {  	s31 =	simm.s32 $0x4B00;
	s3 =	rddreg [dreg:$0x16]  }
0x228: {  	[tilespmem:s31], [sflag:$0x1] =	stream.indirect_vreg.gather [hbm4b:s3+s4], $0x80, v21, vm0, $0xb8;
	[tilespmem:$0x11380] =	vst v63  }
0x229: {  	s0 =	simm.s32 $0x5300  }
0x22a: {  	[tilespmem:s0], [sflag:$0x1] =	stream.indirect_vreg.gather [hbm4b:s25+s4], $0x80, v20, vm0, $0xb8;
	[tilespmem:$0x11380] =	vst v63  }
0x22b: {  	s1 =	simm.s32 $0x5B00  }
0x22c: {  	[tilespmem:s1], [sflag:$0x1] =	stream.indirect_vreg.gather [hbm4b:s10+s4], $0x80, v20, vm0, $0xb8;
	[tilespmem:$0x11380] =	vst v63  }
0x22d: {  	s26 =	simm.s32 $0x6300  }
0x22e: {  	[tilespmem:s26], [sflag:$0x1] =	stream.indirect_vreg.gather [hbm4b:s20+s4], $0x80, v20, vm0, $0xb8;
	[tilespmem:$0x11380] =	vst v63  }
0x22f: {  	s6 =	simm.s32 $0x6B00  }
0x230: {  	[tilespmem:s6], [sflag:$0x1] =	stream.indirect_vreg.gather [hbm4b:s21+s4], $0x80, v20, vm0, $0xb8;
	[tilespmem:$0x11380] =	vst v63  }
0x231: {  	s9 =	simm.s32 $0x7300  }
0x232: {  	[tilespmem:s9], [sflag:$0x1] =	stream.indirect_vreg.gather [hbm4b:s22+s4], $0x80, v20, vm0, $0xb8;
	[tilespmem:$0x11380] =	vst v63  }
0x233: {  	s11 =	simm.s32 $0x7B00  }
0x234: {  	[tilespmem:s11], [sflag:$0x1] =	stream.indirect_vreg.gather [hbm4b:s23+s4], $0x80, v20, vm0, $0xb8;
	[tilespmem:$0x11380] =	vst v63  }
0x235: {  	s12 =	simm.s32 $0x8300  }
0x236: {  	[tilespmem:s12], [sflag:$0x1] =	stream.indirect_vreg.gather [hbm4b:s24+s4], $0x80, v20, vm0, $0xb8;
	[tilespmem:$0x11380] =	vst v63  }
0x237: {  	s13 =	simm.s32 $0x8B00  }
0x238: {  	[tilespmem:s13], [sflag:$0x1] =	stream.indirect_vreg.gather [hbm4b:s3+s4], $0x80, v20, vm0, $0xb8;
	[tilespmem:$0x11380] =	vst v63  }
0x239: {  	v20 =	vld [tilespmem:$0x1050];
	_ =	sdelay $0x4  }
0x23a: {  	v61 =	vshll.u32 v20, $0x4  }
0x23b: {  	v20 =	vand.u32 $0x7, v20;
	v21 =	vand.u32 $0xFFFFFF80, v61  }
0x23c: {  	v20 =	vor.u32 v20, v21  }
0x23d: {  	v21 =	vperm.xlane v20, v17;
	_ =	sdelay $0x1  }
0x23e: {  	v21 =	vadd.s32 v18, v21;
	_ =	sdelay $0x3  }
0x23f: {  	s14 =	simm.s32 $0x9300  }
0x240: {  	[tilespmem:s14], [sflag:$0x1] =	stream.indirect_vreg.gather [hbm4b:s25+s4], $0x80, v21, vm0, $0xb8;
	[tilespmem:$0x11380] =	vst v63  }
0x241: {  	s15 =	simm.s32 $0x9B00  }
0x242: {  	[tilespmem:s15], [sflag:$0x1] =	stream.indirect_vreg.gather [hbm4b:s10+s4], $0x80, v21, vm0, $0xb8;
	[tilespmem:$0x11380] =	vst v63  }
0x243: {  	s16 =	simm.s32 $0xA300  }
0x244: {  	[tilespmem:s16], [sflag:$0x1] =	stream.indirect_vreg.gather [hbm4b:s20+s4], $0x80, v21, vm0, $0xb8;
	[tilespmem:$0x11380] =	vst v63  }
0x245: {  	s19 =	simm.s32 $0xAB00  }
0x246: {  	[tilespmem:s19], [sflag:$0x1] =	stream.indirect_vreg.gather [hbm4b:s21+s4], $0x80, v21, vm0, $0xb8;
	[tilespmem:$0x11380] =	vst v63  }
0x247: {  	s7 =	simm.s32 $0xB300  }
0x248: {  	[tilespmem:s7], [sflag:$0x1] =	stream.indirect_vreg.gather [hbm4b:s22+s4], $0x80, v21, vm0, $0xb8;
	[tilespmem:$0x11380] =	vst v63  }
0x249: {  	s2 =	simm.s32 $0xBB00;
	v20 =	vperm.xlane v20, v19  }
0x24a: {  	[tilespmem:s2], [sflag:$0x1] =	stream.indirect_vreg.gather [hbm4b:s23+s4], $0x80, v21, vm0, $0xb8;
	[tilespmem:$0x11380] =	vst v63  }
0x24b: {  	s1 =	simm.s32 $0xC300;
	v20 =	vadd.s32 v18, v20  }
0x24c: {  	[tilespmem:s1], [sflag:$0x1] =	stream.indirect_vreg.gather [hbm4b:s24+s4], $0x80, v21, vm0, $0xb8;
	[tilespmem:$0x11380] =	vst v63  }
0x24d: {  	s2 =	simm.s32 $0xCB00  }
0x24e: {  	[tilespmem:s2], [sflag:$0x1] =	stream.indirect_vreg.gather [hbm4b:s3+s4], $0x80, v21, vm0, $0xb8;
	[tilespmem:$0x11380] =	vst v63  }
0x24f: {  	s0 =	simm.s32 $0xD300  }
0x250: {  	[tilespmem:s0], [sflag:$0x1] =	stream.indirect_vreg.gather [hbm4b:s25+s4], $0x80, v20, vm0, $0xb8;
	[tilespmem:$0x11380] =	vst v63  }
0x251: {  	s1 =	simm.s32 $0xDB00  }
0x252: {  	[tilespmem:s1], [sflag:$0x1] =	stream.indirect_vreg.gather [hbm4b:s10+s4], $0x80, v20, vm0, $0xb8;
	[tilespmem:$0x11380] =	vst v63  }
0x253: {  	s2 =	simm.s32 $0xE300  }
0x254: {  	[tilespmem:s2], [sflag:$0x1] =	stream.indirect_vreg.gather [hbm4b:s20+s4], $0x80, v20, vm0, $0xb8;
	[tilespmem:$0x11380] =	vst v63  }
0x255: {  	s20 =	simm.s32 $0xEB00  }
0x256: {  	[tilespmem:s20], [sflag:$0x1] =	stream.indirect_vreg.gather [hbm4b:s21+s4], $0x80, v20, vm0, $0xb8;
	[tilespmem:$0x11380] =	vst v63  }
0x257: {  	s21 =	simm.s32 $0xF300  }
0x258: {  	[tilespmem:s21], [sflag:$0x1] =	stream.indirect_vreg.gather [hbm4b:s22+s4], $0x80, v20, vm0, $0xb8;
	[tilespmem:$0x11380] =	vst v63  }
0x259: {  	s22 =	simm.s32 $0xFB00  }
0x25a: {  	[tilespmem:s22], [sflag:$0x1] =	stream.indirect_vreg.gather [hbm4b:s23+s4], $0x80, v20, vm0, $0xb8;
	[tilespmem:$0x11380] =	vst v63  }
0x25b: {  	s23 =	simm.s32 $0x10300  }
0x25c: {  	[tilespmem:s23], [sflag:$0x1] =	stream.indirect_vreg.gather [hbm4b:s24+s4], $0x80, v20, vm0, $0xb8;
	[tilespmem:$0x11380] =	vst v63  }
0x25d: {  	s25 =	simm.s32 $0x1;
	s24 =	simm.s32 $0x10B00  }
0x25e: {  	[tilespmem:s24], [sflag:$0x1] =	stream.indirect_vreg.gather [hbm4b:s3+s4], $0x80, v20, vm0, $0xb8;
	[tilespmem:$0x11380] =	vst v63  }
0x25f: {  	_ =	swait.ge [sflag:s25], $0x10000  }
0x260: {  	[sflag:s25] =	ssyncset.done $0x0  }
0x261: {  	[sflag:s25] =	ssyncadd.s32 $0xFFFF0000  }
0x262: {  	v20 =	vld [tilespmem:$0x1200];
	_ =	sdelay $0x4  }
0x263: {  	v62 =	vshll.u32 v20, $0x4  }
0x264: {  	v20 =	vand.u32 $0x7, v20;
	v21 =	vand.u32 $0xFFFFFF80, v62  }
0x265: {  	v20 =	vor.u32 v20, v21  }
0x266: {  	v21 =	vperm.xlane v20, v17;
	_ =	sdelay $0x1  }
0x267: {  	v21 =	vadd.s32 v18, v21;
	_ =	sdelay $0x3  }
0x268: {  	s25 =	rddreg [dreg:$0x8]  }
0x269: {  	[hbm4b:s25+s4] =	stream.indirect_vreg.scatter [tilespmem:s5], [sflag:$0x2], $0x80, v21, vm0, $0xb8;
	[tilespmem:$0x11380] =	vst v63  }
0x26a: {  	s5 =	rddreg [dreg:$0xa]  }
0x26b: {  	[hbm4b:s5+s4] =	stream.indirect_vreg.scatter [tilespmem:s8], [sflag:$0x2], $0x80, v21, vm0, $0xb8;
	[tilespmem:$0x11380] =	vst v63  }
0x26c: {  	s8 =	rddreg [dreg:$0xb]  }
0x26d: {  	[hbm4b:s8+s4] =	stream.indirect_vreg.scatter [tilespmem:s17], [sflag:$0x2], $0x80, v21, vm0, $0xb8;
	[tilespmem:$0x11380] =	vst v63  }
0x26e: {  	s10 =	rddreg [dreg:$0xc]  }
0x26f: {  	[hbm4b:s10+s4] =	stream.indirect_vreg.scatter [tilespmem:s18], [sflag:$0x2], $0x80, v21, vm0, $0xb8;
	[tilespmem:$0x11380] =	vst v63  }
0x270: {  	s17 =	rddreg [dreg:$0xd]  }
0x271: {  	[hbm4b:s17+s4] =	stream.indirect_vreg.scatter [tilespmem:s28], [sflag:$0x2], $0x80, v21, vm0, $0xb8;
	[tilespmem:$0x11380] =	vst v63  }
0x272: {  	v20 =	vperm.xlane v20, v19;
	s18 =	rddreg [dreg:$0xe]  }
0x273: {  	[hbm4b:s18+s4] =	stream.indirect_vreg.scatter [tilespmem:s29], [sflag:$0x2], $0x80, v21, vm0, $0xb8;
	[tilespmem:$0x11380] =	vst v63  }
0x274: {  	v20 =	vadd.s32 v18, v20;
	s28 =	rddreg [dreg:$0xf]  }
0x275: {  	[hbm4b:s28+s4] =	stream.indirect_vreg.scatter [tilespmem:s30], [sflag:$0x2], $0x80, v21, vm0, $0xb8;
	[tilespmem:$0x11380] =	vst v63  }
0x276: {  	s29 =	rddreg [dreg:$0x10]  }
0x277: {  	[hbm4b:s29+s4] =	stream.indirect_vreg.scatter [tilespmem:s31], [sflag:$0x2], $0x80, v21, vm0, $0xb8;
	[tilespmem:$0x11380] =	vst v63  }
0x278: {  	s30 =	simm.s32 $0x5300  }
0x279: {  	[hbm4b:s25+s4] =	stream.indirect_vreg.scatter [tilespmem:s30], [sflag:$0x2], $0x80, v20, vm0, $0xb8;
	[tilespmem:$0x11380] =	vst v63  }
0x27a: {  	s31 =	simm.s32 $0x5B00  }
0x27b: {  	[hbm4b:s5+s4] =	stream.indirect_vreg.scatter [tilespmem:s31], [sflag:$0x2], $0x80, v20, vm0, $0xb8;
	[tilespmem:$0x11380] =	vst v63  }
0x27c: {  	_ = 	snop  }
0x27d: {  	[hbm4b:s8+s4] =	stream.indirect_vreg.scatter [tilespmem:s26], [sflag:$0x2], $0x80, v20, vm0, $0xb8;
	[tilespmem:$0x11380] =	vst v63  }
0x27e: {  	_ = 	snop  }
0x27f: {  	[hbm4b:s10+s4] =	stream.indirect_vreg.scatter [tilespmem:s6], [sflag:$0x2], $0x80, v20, vm0, $0xb8;
	[tilespmem:$0x11380] =	vst v63  }
0x280: {  	_ = 	snop  }
0x281: {  	[hbm4b:s17+s4] =	stream.indirect_vreg.scatter [tilespmem:s9], [sflag:$0x2], $0x80, v20, vm0, $0xb8;
	[tilespmem:$0x11380] =	vst v63  }
0x282: {  	_ = 	snop  }
0x283: {  	[hbm4b:s18+s4] =	stream.indirect_vreg.scatter [tilespmem:s11], [sflag:$0x2], $0x80, v20, vm0, $0xb8;
	[tilespmem:$0x11380] =	vst v63  }
0x284: {  	_ = 	snop  }
0x285: {  	[hbm4b:s28+s4] =	stream.indirect_vreg.scatter [tilespmem:s12], [sflag:$0x2], $0x80, v20, vm0, $0xb8;
	[tilespmem:$0x11380] =	vst v63  }
0x286: {  	_ = 	snop  }
0x287: {  	[hbm4b:s29+s4] =	stream.indirect_vreg.scatter [tilespmem:s13], [sflag:$0x2], $0x80, v20, vm0, $0xb8;
	[tilespmem:$0x11380] =	vst v63  }
0x288: {  	v20 =	vld [tilespmem:$0x1210];
	_ =	sdelay $0x4  }
0x289: {  	v63 =	vshll.u32 v20, $0x4  }
0x28a: {  	v20 =	vand.u32 $0x7, v20;
	v21 =	vand.u32 $0xFFFFFF80, v63  }
0x28b: {  	v20 =	vor.u32 v20, v21  }
0x28c: {  	v21 =	vperm.xlane v20, v17;
	_ =	sdelay $0x1  }
0x28d: {  	v21 =	vadd.s32 v18, v21;
	_ =	sdelay $0x4  }
0x28e: {  	[hbm4b:s25+s4] =	stream.indirect_vreg.scatter [tilespmem:s14], [sflag:$0x2], $0x80, v21, vm0, $0xb8;
	[tilespmem:$0x11380] =	vst v63  }
0x28f: {  	_ = 	snop  }
0x290: {  	[hbm4b:s5+s4] =	stream.indirect_vreg.scatter [tilespmem:s15], [sflag:$0x2], $0x80, v21, vm0, $0xb8;
	[tilespmem:$0x11380] =	vst v63  }
0x291: {  	_ = 	snop  }
0x292: {  	[hbm4b:s8+s4] =	stream.indirect_vreg.scatter [tilespmem:s16], [sflag:$0x2], $0x80, v21, vm0, $0xb8;
	[tilespmem:$0x11380] =	vst v63  }
0x293: {  	_ = 	snop  }
0x294: {  	[hbm4b:s10+s4] =	stream.indirect_vreg.scatter [tilespmem:s19], [sflag:$0x2], $0x80, v21, vm0, $0xb8;
	[tilespmem:$0x11380] =	vst v63  }
0x295: {  	_ = 	snop  }
0x296: {  	[hbm4b:s17+s4] =	stream.indirect_vreg.scatter [tilespmem:s7], [sflag:$0x2], $0x80, v21, vm0, $0xb8;
	[tilespmem:$0x11380] =	vst v63  }
0x297: {  	v20 =	vperm.xlane v20, v19;
	s16 =	simm.s32 $0xBB00  }
0x298: {  	[hbm4b:s18+s4] =	stream.indirect_vreg.scatter [tilespmem:s16], [sflag:$0x2], $0x80, v21, vm0, $0xb8;
	[tilespmem:$0x11380] =	vst v63  }
0x299: {  	v20 =	vadd.s32 v18, v20;
	s19 =	simm.s32 $0xC300  }
0x29a: {  	[hbm4b:s28+s4] =	stream.indirect_vreg.scatter [tilespmem:s19], [sflag:$0x2], $0x80, v21, vm0, $0xb8;
	[tilespmem:$0x11380] =	vst v63  }
0x29b: {  	s26 =	simm.s32 $0xCB00  }
0x29c: {  	[hbm4b:s29+s4] =	stream.indirect_vreg.scatter [tilespmem:s26], [sflag:$0x2], $0x80, v21, vm0, $0xb8;
	[tilespmem:$0x11380] =	vst v63  }
0x29d: {  	_ = 	snop  }
0x29e: {  	[hbm4b:s25+s4] =	stream.indirect_vreg.scatter [tilespmem:s0], [sflag:$0x2], $0x80, v20, vm0, $0xb8;
	[tilespmem:$0x11380] =	vst v63  }
0x29f: {  	_ = 	snop  }
0x2a0: {  	[hbm4b:s5+s4] =	stream.indirect_vreg.scatter [tilespmem:s1], [sflag:$0x2], $0x80, v20, vm0, $0xb8;
	[tilespmem:$0x11380] =	vst v63  }
0x2a1: {  	_ = 	snop  }
0x2a2: {  	[hbm4b:s8+s4] =	stream.indirect_vreg.scatter [tilespmem:s2], [sflag:$0x2], $0x80, v20, vm0, $0xb8;
	[tilespmem:$0x11380] =	vst v63  }
0x2a3: {  	_ = 	snop  }
0x2a4: {  	[hbm4b:s10+s4] =	stream.indirect_vreg.scatter [tilespmem:s20], [sflag:$0x2], $0x80, v20, vm0, $0xb8;
	[tilespmem:$0x11380] =	vst v63  }
0x2a5: {  	_ = 	snop  }
0x2a6: {  	[hbm4b:s17+s4] =	stream.indirect_vreg.scatter [tilespmem:s21], [sflag:$0x2], $0x80, v20, vm0, $0xb8;
	[tilespmem:$0x11380] =	vst v63  }
0x2a7: {  	_ = 	snop  }
0x2a8: {  	[hbm4b:s18+s4] =	stream.indirect_vreg.scatter [tilespmem:s22], [sflag:$0x2], $0x80, v20, vm0, $0xb8;
	[tilespmem:$0x11380] =	vst v63  }
0x2a9: {  	_ = 	snop  }
0x2aa: {  	[hbm4b:s28+s4] =	stream.indirect_vreg.scatter [tilespmem:s23], [sflag:$0x2], $0x80, v20, vm0, $0xb8;
	[tilespmem:$0x11380] =	vst v63  }
0x2ab: {  	s30 =	simm.s32 $0x2  }
0x2ac: {  	[hbm4b:s29+s4] =	stream.indirect_vreg.scatter [tilespmem:s24], [sflag:$0x2], $0x80, v20, vm0, $0xb8;
	[tilespmem:$0x11380] =	vst v63  }
0x2ad: {  	_ =	swait.ge [sflag:s30], $0x10000  }
0x2ae: {  	s31 =	rddreg [dreg:$0x19]  }
0x2af: {  	p1 =	slt.u32 s31, $0x61  }
.Ltmp12:
0x2b0: {  	_ = 	snop;
	(pc) =	sbr.rel @p1 .LBB2_9-.Ltmp12, $3  }
0x2b1: {  	_ =	sdelay $0x1  }
0x2b2: {  	[sflag:s30] =	ssyncset.done $0x0  }
0x2b3: {  	[sflag:s30] =	ssyncadd.s32 $0xFFFF0000  }
0x2b4: {  	v20 =	vld [tilespmem:$0x1060];
	_ =	sdelay $0x4  }
0x2b5: {  	v21 =	vshll.u32 v20, $0x4  }
0x2b6: {  	v20 =	vand.u32 $0x7, v20;
	v21 =	vand.u32 $0xFFFFFF80, v21  }
0x2b7: {  	v20 =	vor.u32 v20, v21  }
0x2b8: {  	v21 =	vperm.xlane v20, v17;
	_ =	sdelay $0x1  }
0x2b9: {  	v21 =	vadd.s32 v18, v21;
	_ =	sdelay $0x3  }
0x2ba: {  	s2 =	simm.s32 $0x1300;
	s25 =	rddreg [dreg:$0x1]  }
0x2bb: {  	[tilespmem:s2], [sflag:$0x1] =	stream.indirect_vreg.gather [hbm4b:s25+s4], $0x80, v21, vm0, $0xb8;
	[tilespmem:$0x11380] =	vst v63  }
0x2bc: {  	s5 =	simm.s32 $0x1B00;
	s10 =	rddreg [dreg:$0x9]  }
0x2bd: {  	[tilespmem:s5], [sflag:$0x1] =	stream.indirect_vreg.gather [hbm4b:s10+s4], $0x80, v21, vm0, $0xb8;
	[tilespmem:$0x11380] =	vst v63  }
0x2be: {  	s8 =	simm.s32 $0x2300;
	s20 =	rddreg [dreg:$0x11]  }
0x2bf: {  	[tilespmem:s8], [sflag:$0x1] =	stream.indirect_vreg.gather [hbm4b:s20+s4], $0x80, v21, vm0, $0xb8;
	[tilespmem:$0x11380] =	vst v63  }
0x2c0: {  	s17 =	simm.s32 $0x2B00;
	s21 =	rddreg [dreg:$0x12]  }
0x2c1: {  	[tilespmem:s17], [sflag:$0x1] =	stream.indirect_vreg.gather [hbm4b:s21+s4], $0x80, v21, vm0, $0xb8;
	[tilespmem:$0x11380] =	vst v63  }
0x2c2: {  	s18 =	simm.s32 $0x3300;
	s22 =	rddreg [dreg:$0x13]  }
0x2c3: {  	[tilespmem:s18], [sflag:$0x1] =	stream.indirect_vreg.gather [hbm4b:s22+s4], $0x80, v21, vm0, $0xb8;
	[tilespmem:$0x11380] =	vst v63  }
0x2c4: {  	s28 =	simm.s32 $0x3B00;
	s23 =	rddreg [dreg:$0x14];
	v20 =	vperm.xlane v20, v19  }
0x2c5: {  	[tilespmem:s28], [sflag:$0x1] =	stream.indirect_vreg.gather [hbm4b:s23+s4], $0x80, v21, vm0, $0xb8;
	[tilespmem:$0x11380] =	vst v63  }
0x2c6: {  	s29 =	simm.s32 $0x4300;
	s24 =	rddreg [dreg:$0x15];
	v20 =	vadd.s32 v18, v20  }
0x2c7: {  	[tilespmem:s29], [sflag:$0x1] =	stream.indirect_vreg.gather [hbm4b:s24+s4], $0x80, v21, vm0, $0xb8;
	[tilespmem:$0x11380] =	vst v63  }
0x2c8: {  	s30 =	simm.s32 $0x4B00;
	s3 =	rddreg [dreg:$0x16]  }
0x2c9: {  	[tilespmem:s30], [sflag:$0x1] =	stream.indirect_vreg.gather [hbm4b:s3+s4], $0x80, v21, vm0, $0xb8;
	[tilespmem:$0x11380] =	vst v63  }
0x2ca: {  	s0 =	simm.s32 $0x5300  }
0x2cb: {  	[tilespmem:s0], [sflag:$0x1] =	stream.indirect_vreg.gather [hbm4b:s25+s4], $0x80, v20, vm0, $0xb8;
	[tilespmem:$0x11380] =	vst v63  }
0x2cc: {  	s26 =	simm.s32 $0x5B00  }
0x2cd: {  	[tilespmem:s26], [sflag:$0x1] =	stream.indirect_vreg.gather [hbm4b:s10+s4], $0x80, v20, vm0, $0xb8;
	[tilespmem:$0x11380] =	vst v63  }
0x2ce: {  	s26 =	simm.s32 $0x6300  }
0x2cf: {  	[tilespmem:s26], [sflag:$0x1] =	stream.indirect_vreg.gather [hbm4b:s20+s4], $0x80, v20, vm0, $0xb8;
	[tilespmem:$0x11380] =	vst v63  }
0x2d0: {  	s31 =	simm.s32 $0x6B00  }
0x2d1: {  	[tilespmem:s31], [sflag:$0x1] =	stream.indirect_vreg.gather [hbm4b:s21+s4], $0x80, v20, vm0, $0xb8;
	[tilespmem:$0x11380] =	vst v63  }
0x2d2: {  	s9 =	simm.s32 $0x7300  }
0x2d3: {  	[tilespmem:s9], [sflag:$0x1] =	stream.indirect_vreg.gather [hbm4b:s22+s4], $0x80, v20, vm0, $0xb8;
	[tilespmem:$0x11380] =	vst v63  }
0x2d4: {  	s11 =	simm.s32 $0x7B00  }
0x2d5: {  	[tilespmem:s11], [sflag:$0x1] =	stream.indirect_vreg.gather [hbm4b:s23+s4], $0x80, v20, vm0, $0xb8;
	[tilespmem:$0x11380] =	vst v63  }
0x2d6: {  	s12 =	simm.s32 $0x8300  }
0x2d7: {  	[tilespmem:s12], [sflag:$0x1] =	stream.indirect_vreg.gather [hbm4b:s24+s4], $0x80, v20, vm0, $0xb8;
	[tilespmem:$0x11380] =	vst v63  }
0x2d8: {  	s13 =	simm.s32 $0x8B00  }
0x2d9: {  	[tilespmem:s13], [sflag:$0x1] =	stream.indirect_vreg.gather [hbm4b:s3+s4], $0x80, v20, vm0, $0xb8;
	[tilespmem:$0x11380] =	vst v63  }
0x2da: {  	v20 =	vld [tilespmem:$0x1070];
	_ =	sdelay $0x4  }
0x2db: {  	v61 =	vshll.u32 v20, $0x4  }
0x2dc: {  	v20 =	vand.u32 $0x7, v20;
	v21 =	vand.u32 $0xFFFFFF80, v61  }
0x2dd: {  	v20 =	vor.u32 v20, v21  }
0x2de: {  	v21 =	vperm.xlane v20, v17;
	_ =	sdelay $0x1  }
0x2df: {  	v21 =	vadd.s32 v18, v21;
	_ =	sdelay $0x3  }
0x2e0: {  	s14 =	simm.s32 $0x9300  }
0x2e1: {  	[tilespmem:s14], [sflag:$0x1] =	stream.indirect_vreg.gather [hbm4b:s25+s4], $0x80, v21, vm0, $0xb8;
	[tilespmem:$0x11380] =	vst v63  }
0x2e2: {  	s15 =	simm.s32 $0x9B00  }
0x2e3: {  	[tilespmem:s15], [sflag:$0x1] =	stream.indirect_vreg.gather [hbm4b:s10+s4], $0x80, v21, vm0, $0xb8;
	[tilespmem:$0x11380] =	vst v63  }
0x2e4: {  	s16 =	simm.s32 $0xA300  }
0x2e5: {  	[tilespmem:s16], [sflag:$0x1] =	stream.indirect_vreg.gather [hbm4b:s20+s4], $0x80, v21, vm0, $0xb8;
	[tilespmem:$0x11380] =	vst v63  }
0x2e6: {  	s19 =	simm.s32 $0xAB00  }
0x2e7: {  	[tilespmem:s19], [sflag:$0x1] =	stream.indirect_vreg.gather [hbm4b:s21+s4], $0x80, v21, vm0, $0xb8;
	[tilespmem:$0x11380] =	vst v63  }
0x2e8: {  	s7 =	simm.s32 $0xB300  }
0x2e9: {  	[tilespmem:s7], [sflag:$0x1] =	stream.indirect_vreg.gather [hbm4b:s22+s4], $0x80, v21, vm0, $0xb8;
	[tilespmem:$0x11380] =	vst v63  }
0x2ea: {  	s31 =	simm.s32 $0xBB00;
	v20 =	vperm.xlane v20, v19  }
0x2eb: {  	[tilespmem:s31], [sflag:$0x1] =	stream.indirect_vreg.gather [hbm4b:s23+s4], $0x80, v21, vm0, $0xb8;
	[tilespmem:$0x11380] =	vst v63  }
0x2ec: {  	s1 =	simm.s32 $0xC300;
	v20 =	vadd.s32 v18, v20  }
0x2ed: {  	[tilespmem:s1], [sflag:$0x1] =	stream.indirect_vreg.gather [hbm4b:s24+s4], $0x80, v21, vm0, $0xb8;
	[tilespmem:$0x11380] =	vst v63  }
0x2ee: {  	s6 =	simm.s32 $0xCB00  }
0x2ef: {  	[tilespmem:s6], [sflag:$0x1] =	stream.indirect_vreg.gather [hbm4b:s3+s4], $0x80, v21, vm0, $0xb8;
	[tilespmem:$0x11380] =	vst v63  }
0x2f0: {  	s0 =	simm.s32 $0xD300  }
0x2f1: {  	[tilespmem:s0], [sflag:$0x1] =	stream.indirect_vreg.gather [hbm4b:s25+s4], $0x80, v20, vm0, $0xb8;
	[tilespmem:$0x11380] =	vst v63  }
0x2f2: {  	s1 =	simm.s32 $0xDB00  }
0x2f3: {  	[tilespmem:s1], [sflag:$0x1] =	stream.indirect_vreg.gather [hbm4b:s10+s4], $0x80, v20, vm0, $0xb8;
	[tilespmem:$0x11380] =	vst v63  }
0x2f4: {  	s6 =	simm.s32 $0xE300  }
0x2f5: {  	[tilespmem:s6], [sflag:$0x1] =	stream.indirect_vreg.gather [hbm4b:s20+s4], $0x80, v20, vm0, $0xb8;
	[tilespmem:$0x11380] =	vst v63  }
0x2f6: {  	s20 =	simm.s32 $0xEB00  }
0x2f7: {  	[tilespmem:s20], [sflag:$0x1] =	stream.indirect_vreg.gather [hbm4b:s21+s4], $0x80, v20, vm0, $0xb8;
	[tilespmem:$0x11380] =	vst v63  }
0x2f8: {  	s21 =	simm.s32 $0xF300  }
0x2f9: {  	[tilespmem:s21], [sflag:$0x1] =	stream.indirect_vreg.gather [hbm4b:s22+s4], $0x80, v20, vm0, $0xb8;
	[tilespmem:$0x11380] =	vst v63  }
0x2fa: {  	s22 =	simm.s32 $0xFB00  }
0x2fb: {  	[tilespmem:s22], [sflag:$0x1] =	stream.indirect_vreg.gather [hbm4b:s23+s4], $0x80, v20, vm0, $0xb8;
	[tilespmem:$0x11380] =	vst v63  }
0x2fc: {  	s23 =	simm.s32 $0x10300  }
0x2fd: {  	[tilespmem:s23], [sflag:$0x1] =	stream.indirect_vreg.gather [hbm4b:s24+s4], $0x80, v20, vm0, $0xb8;
	[tilespmem:$0x11380] =	vst v63  }
0x2fe: {  	s25 =	simm.s32 $0x1;
	s24 =	simm.s32 $0x10B00  }
0x2ff: {  	[tilespmem:s24], [sflag:$0x1] =	stream.indirect_vreg.gather [hbm4b:s3+s4], $0x80, v20, vm0, $0xb8;
	[tilespmem:$0x11380] =	vst v63  }
0x300: {  	_ =	swait.ge [sflag:s25], $0x10000  }
0x301: {  	[sflag:s25] =	ssyncset.done $0x0  }
0x302: {  	[sflag:s25] =	ssyncadd.s32 $0xFFFF0000  }
0x303: {  	v20 =	vld [tilespmem:$0x1280];
	_ =	sdelay $0x4  }
0x304: {  	v62 =	vshll.u32 v20, $0x4  }
0x305: {  	v20 =	vand.u32 $0x7, v20;
	v21 =	vand.u32 $0xFFFFFF80, v62  }
0x306: {  	v20 =	vor.u32 v20, v21  }
0x307: {  	v21 =	vperm.xlane v20, v17;
	_ =	sdelay $0x1  }
0x308: {  	v21 =	vadd.s32 v18, v21;
	_ =	sdelay $0x3  }
0x309: {  	s25 =	rddreg [dreg:$0x8]  }
0x30a: {  	[hbm4b:s25+s4] =	stream.indirect_vreg.scatter [tilespmem:s2], [sflag:$0x2], $0x80, v21, vm0, $0xb8;
	[tilespmem:$0x11380] =	vst v63  }
0x30b: {  	s2 =	rddreg [dreg:$0xa]  }
0x30c: {  	[hbm4b:s2+s4] =	stream.indirect_vreg.scatter [tilespmem:s5], [sflag:$0x2], $0x80, v21, vm0, $0xb8;
	[tilespmem:$0x11380] =	vst v63  }
0x30d: {  	s5 =	rddreg [dreg:$0xb]  }
0x30e: {  	[hbm4b:s5+s4] =	stream.indirect_vreg.scatter [tilespmem:s8], [sflag:$0x2], $0x80, v21, vm0, $0xb8;
	[tilespmem:$0x11380] =	vst v63  }
0x30f: {  	s8 =	rddreg [dreg:$0xc]  }
0x310: {  	[hbm4b:s8+s4] =	stream.indirect_vreg.scatter [tilespmem:s17], [sflag:$0x2], $0x80, v21, vm0, $0xb8;
	[tilespmem:$0x11380] =	vst v63  }
0x311: {  	s10 =	rddreg [dreg:$0xd]  }
0x312: {  	[hbm4b:s10+s4] =	stream.indirect_vreg.scatter [tilespmem:s18], [sflag:$0x2], $0x80, v21, vm0, $0xb8;
	[tilespmem:$0x11380] =	vst v63  }
0x313: {  	v20 =	vperm.xlane v20, v19;
	s17 =	rddreg [dreg:$0xe]  }
0x314: {  	[hbm4b:s17+s4] =	stream.indirect_vreg.scatter [tilespmem:s28], [sflag:$0x2], $0x80, v21, vm0, $0xb8;
	[tilespmem:$0x11380] =	vst v63  }
0x315: {  	v20 =	vadd.s32 v18, v20;
	s18 =	rddreg [dreg:$0xf]  }
0x316: {  	[hbm4b:s18+s4] =	stream.indirect_vreg.scatter [tilespmem:s29], [sflag:$0x2], $0x80, v21, vm0, $0xb8;
	[tilespmem:$0x11380] =	vst v63  }
0x317: {  	s28 =	rddreg [dreg:$0x10]  }
0x318: {  	[hbm4b:s28+s4] =	stream.indirect_vreg.scatter [tilespmem:s30], [sflag:$0x2], $0x80, v21, vm0, $0xb8;
	[tilespmem:$0x11380] =	vst v63  }
0x319: {  	s29 =	simm.s32 $0x5300  }
0x31a: {  	[hbm4b:s25+s4] =	stream.indirect_vreg.scatter [tilespmem:s29], [sflag:$0x2], $0x80, v20, vm0, $0xb8;
	[tilespmem:$0x11380] =	vst v63  }
0x31b: {  	s30 =	simm.s32 $0x5B00  }
0x31c: {  	[hbm4b:s2+s4] =	stream.indirect_vreg.scatter [tilespmem:s30], [sflag:$0x2], $0x80, v20, vm0, $0xb8;
	[tilespmem:$0x11380] =	vst v63  }
0x31d: {  	_ = 	snop  }
0x31e: {  	[hbm4b:s5+s4] =	stream.indirect_vreg.scatter [tilespmem:s26], [sflag:$0x2], $0x80, v20, vm0, $0xb8;
	[tilespmem:$0x11380] =	vst v63  }
0x31f: {  	s26 =	simm.s32 $0x6B00  }
0x320: {  	[hbm4b:s8+s4] =	stream.indirect_vreg.scatter [tilespmem:s26], [sflag:$0x2], $0x80, v20, vm0, $0xb8;
	[tilespmem:$0x11380] =	vst v63  }
0x321: {  	_ = 	snop  }
0x322: {  	[hbm4b:s10+s4] =	stream.indirect_vreg.scatter [tilespmem:s9], [sflag:$0x2], $0x80, v20, vm0, $0xb8;
	[tilespmem:$0x11380] =	vst v63  }
0x323: {  	_ = 	snop  }
0x324: {  	[hbm4b:s17+s4] =	stream.indirect_vreg.scatter [tilespmem:s11], [sflag:$0x2], $0x80, v20, vm0, $0xb8;
	[tilespmem:$0x11380] =	vst v63  }
0x325: {  	_ = 	snop  }
0x326: {  	[hbm4b:s18+s4] =	stream.indirect_vreg.scatter [tilespmem:s12], [sflag:$0x2], $0x80, v20, vm0, $0xb8;
	[tilespmem:$0x11380] =	vst v63  }
0x327: {  	_ = 	snop  }
0x328: {  	[hbm4b:s28+s4] =	stream.indirect_vreg.scatter [tilespmem:s13], [sflag:$0x2], $0x80, v20, vm0, $0xb8;
	[tilespmem:$0x11380] =	vst v63  }
0x329: {  	v20 =	vld [tilespmem:$0x1290];
	_ =	sdelay $0x4  }
0x32a: {  	v63 =	vshll.u32 v20, $0x4  }
0x32b: {  	v20 =	vand.u32 $0x7, v20;
	v21 =	vand.u32 $0xFFFFFF80, v63  }
0x32c: {  	v20 =	vor.u32 v20, v21  }
0x32d: {  	v21 =	vperm.xlane v20, v17;
	_ =	sdelay $0x1  }
0x32e: {  	v21 =	vadd.s32 v18, v21;
	_ =	sdelay $0x4  }
0x32f: {  	[hbm4b:s25+s4] =	stream.indirect_vreg.scatter [tilespmem:s14], [sflag:$0x2], $0x80, v21, vm0, $0xb8;
	[tilespmem:$0x11380] =	vst v63  }
0x330: {  	_ = 	snop  }
0x331: {  	[hbm4b:s2+s4] =	stream.indirect_vreg.scatter [tilespmem:s15], [sflag:$0x2], $0x80, v21, vm0, $0xb8;
	[tilespmem:$0x11380] =	vst v63  }
0x332: {  	_ = 	snop  }
0x333: {  	[hbm4b:s5+s4] =	stream.indirect_vreg.scatter [tilespmem:s16], [sflag:$0x2], $0x80, v21, vm0, $0xb8;
	[tilespmem:$0x11380] =	vst v63  }
0x334: {  	_ = 	snop  }
0x335: {  	[hbm4b:s8+s4] =	stream.indirect_vreg.scatter [tilespmem:s19], [sflag:$0x2], $0x80, v21, vm0, $0xb8;
	[tilespmem:$0x11380] =	vst v63  }
0x336: {  	_ = 	snop  }
0x337: {  	[hbm4b:s10+s4] =	stream.indirect_vreg.scatter [tilespmem:s7], [sflag:$0x2], $0x80, v21, vm0, $0xb8;
	[tilespmem:$0x11380] =	vst v63  }
0x338: {  	v20 =	vperm.xlane v20, v19  }
0x339: {  	[hbm4b:s17+s4] =	stream.indirect_vreg.scatter [tilespmem:s31], [sflag:$0x2], $0x80, v21, vm0, $0xb8;
	[tilespmem:$0x11380] =	vst v63  }
0x33a: {  	s29 =	simm.s32 $0xC300;
	v20 =	vadd.s32 v18, v20  }
0x33b: {  	[hbm4b:s18+s4] =	stream.indirect_vreg.scatter [tilespmem:s29], [sflag:$0x2], $0x80, v21, vm0, $0xb8;
	[tilespmem:$0x11380] =	vst v63  }
0x33c: {  	s30 =	simm.s32 $0xCB00  }
0x33d: {  	[hbm4b:s28+s4] =	stream.indirect_vreg.scatter [tilespmem:s30], [sflag:$0x2], $0x80, v21, vm0, $0xb8;
	[tilespmem:$0x11380] =	vst v63  }
0x33e: {  	_ = 	snop  }
0x33f: {  	[hbm4b:s25+s4] =	stream.indirect_vreg.scatter [tilespmem:s0], [sflag:$0x2], $0x80, v20, vm0, $0xb8;
	[tilespmem:$0x11380] =	vst v63  }
0x340: {  	_ = 	snop  }
0x341: {  	[hbm4b:s2+s4] =	stream.indirect_vreg.scatter [tilespmem:s1], [sflag:$0x2], $0x80, v20, vm0, $0xb8;
	[tilespmem:$0x11380] =	vst v63  }
0x342: {  	_ = 	snop  }
0x343: {  	[hbm4b:s5+s4] =	stream.indirect_vreg.scatter [tilespmem:s6], [sflag:$0x2], $0x80, v20, vm0, $0xb8;
	[tilespmem:$0x11380] =	vst v63  }
0x344: {  	_ = 	snop  }
0x345: {  	[hbm4b:s8+s4] =	stream.indirect_vreg.scatter [tilespmem:s20], [sflag:$0x2], $0x80, v20, vm0, $0xb8;
	[tilespmem:$0x11380] =	vst v63  }
0x346: {  	_ = 	snop  }
0x347: {  	[hbm4b:s10+s4] =	stream.indirect_vreg.scatter [tilespmem:s21], [sflag:$0x2], $0x80, v20, vm0, $0xb8;
	[tilespmem:$0x11380] =	vst v63  }
0x348: {  	_ = 	snop  }
0x349: {  	[hbm4b:s17+s4] =	stream.indirect_vreg.scatter [tilespmem:s22], [sflag:$0x2], $0x80, v20, vm0, $0xb8;
	[tilespmem:$0x11380] =	vst v63  }
0x34a: {  	_ = 	snop  }
0x34b: {  	[hbm4b:s18+s4] =	stream.indirect_vreg.scatter [tilespmem:s23], [sflag:$0x2], $0x80, v20, vm0, $0xb8;
	[tilespmem:$0x11380] =	vst v63  }
.Ltmp13:
0x34c: {  	s31 =	simm.s32 $0x2;
	(pc) =	sbr.rel .LBB2_9-.Ltmp13, $4  }
0x34d: {  	[hbm4b:s28+s4] =	stream.indirect_vreg.scatter [tilespmem:s24], [sflag:$0x2], $0x80, v20, vm0, $0xb8;
	[tilespmem:$0x11380] =	vst v63  }
0x34e: {  	_ =	swait.ge [sflag:s31], $0x10000  }
0x34f: {  	[sflag:s31] =	ssyncset.done $0x0  }
0x350: {  	[sflag:s31] =	ssyncadd.s32 $0xFFFF0000  }
.LBB2_12:
.Ltmp14:
0x351: {  	(pc) =	sbr.rel .LBB2_20-.Ltmp14, $2  }
0x352: {  	_ =	sdelay $0x2  }
0x353: {  	s2 =	simm.s32 $0x0  }
.LBB2_14:
.Ltmp15:
0x354: {  	(pc) =	sbr.rel .LBB2_20-.Ltmp15, $2  }
0x355: {  	_ =	sdelay $0x2  }
0x356: {  	s2 =	simm.s32 $0x0  }
.LBB2_16:
.Ltmp16:
0x357: {  	(pc) =	sbr.rel .LBB2_20-.Ltmp16, $2  }
0x358: {  	_ =	sdelay $0x2  }
0x359: {  	s2 =	simm.s32 $0x0  }
.LBB2_18:
.Ltmp17:
0x35a: {  	(pc) =	sbr.rel .LBB2_20-.Ltmp17, $2  }
0x35b: {  	_ =	sdelay $0x2  }
0x35c: {  	s2 =	simm.s32 $0x0  }
.LBB2_10:
0x35d: {  	_ =	sfence.sel $0x180000  }
0x35e: {  	[bflag:$0x0] =	sbarrier.arrive $0xFFFF  }
0x35f: {  	_ =	strace $0x90000047  }
0x360: {  	s0 =	stileid.u32;
	[bflag:$0x2] =	sbarrier.arrive $0xFFFF  }
0x361: {  	p0 =	sne.s32 s0, $0x0;
	s0 =	rddreg [dreg:$0x3]  }
0x362: {  	s0 =	sadd.s32 @!p0 $0x100000, s0  }
0x363: {  	[sflag:s0] =	ssyncadd.tile.s32 @!p0 $0x1;
	_ =	shalt  }
.Lfunc_end2:
_tile_overlayer_lowered:
.L_overlay_start_2:
0x364: {  	(tag) =	ssettag $0x2  }
0x365: {  	s0 =	rddreg [dreg:$0x0];
	s2 =	stileid.u32  }
0x366: {  	s1 =	rddreg [dreg:$0x1];
	p0 =	sne.s32 s2, $0x0  }
0x367: {  	s3 =	rddreg [dreg:$0x2];
	[bflag:$0x3] =	sbarrier.arrive $0xFFFF;
	s2 =	simm.s32 @!p0 $0x1C03  }
0x368: {  	[timem:s3], [sflag:s2] =	dma.local @!p0 [hbm:s0], s1  }
0x369: {  	s0 =	simm.s32 @!p0 $0x3  }
0x36a: {  	_ =	swait.ge @!p0 [sflag:s0], s1  }
0x36b: {  	s1 =	ssub.s32 @!p0 $0x0, s1;
	[sflag:s0] =	ssyncset.done @!p0 $0x0  }
0x36c: {  	[sflag:s0] =	ssyncadd.s32 @!p0 s1  }
0x36d: {  	[bflag:$0x3] =	sbarrier.arrive $0xFFFF  }
0x36e: {  	_ =	shalt  }

// kernel: kernel.8.cloned.1.call-start
scs
__scs_entry_jumppad:
0x0: {  	(pc) =	sbr.rel $0x88, $3  }
0x1: {  	(tag) =	ssettag $0x0;
	lr =	simm.s32 $0x1  }
0x2: {  	[smem:$0x3F97] =	sst lr;
	_ =	strace $0xD0000000  }
0x3: {  	_ = 	snop  }
0x4: {  	_ = 	snop  }
0x5: {  	_ = 	snop  }
0x6: {  	_ = 	snop  }
0x7: {  	_ = 	snop  }
__scs_overlays_trampoline_lowered:
0x8: {  	[smem:$0x3FA6] =	sst s0  }
0x9: {  	[smem:$0x3FA7] =	sst s1  }
0xa: {  	[smem:$0x3FA8] =	sst s2  }
0xb: {  	[smem:$0x3FA9] =	sst s3  }
0xc: {  	[smem:$0x3FAA] =	sst s4  }
0xd: {  	[smem:$0x3FAB] =	sst s5  }
0xe: {  	[smem:$0x3FAC] =	sst s6  }
0xf: {  	[smem:$0x3FAD] =	sst s7  }
0x10: {  	[smem:$0x3FAE] =	sst s8  }
0x11: {  	[smem:$0x3FAF] =	sst s9;
	s0 =	simm.s32 @!p0 $0x0  }
0x12: {  	s1 =	sld [smem:$0x3F95];
	s0 =	simm.s32 @p0 $0x1  }
0x13: {  	[smem:$0x3FB0] =	sst s0;
	s0 =	simm.s32 @!p1 $0x0  }
0x14: {  	s2 =	sld [smem:$0x3F94];
	s0 =	simm.s32 @p1 $0x1  }
0x15: {  	[smem:$0x3FB1] =	sst s0;
	s0 =	simm.s32 @!p2 $0x0  }
0x16: {  	s3 =	sld [smem:$0x3FDB];
	s0 =	simm.s32 @p2 $0x1  }
0x17: {  	s4 =	simm.s32 $0x1BF5;
	[smem:$0x3FB3] =	sst s0  }
0x18: {  	s0 =	sld [smem:$0x3F96];
	_ =	swait.ge [sflag:s4], $0x0  }
0x19: {  	s7 =	sld [smem:$0x3F97]  }
0x1a: {  	s8 =	sadd.s32 $0xFFFFE003, lr  }
0x1b: {  	s9 =	sadd.s32 $0xFFFFFEF7, lr;
	s5 =	simm.s32 $0xFFFFFFFF;
	p2 =	slt.u32 s8, $0xFFFFF086  }
0x1c: {  	p1 =	slt.u32 s9, $0xF7A;
	s5 =	simm.s32 @!p2 $0x0  }
0x1d: {  	s5 =	simm.s32 @p1 $0x1;
	p0 =	seq.s32 s7, s2  }
0x1e: {  	s7 =	smul.u32 @!p0 $0xF7A, s2;
	p2 =	seq.s32 @!p0 s5, $0x0  }
0x1f: {  	s9 =	smul.u32 $0xF7A, s1;
	s8 =	simm.s32 @!p0 $0x1BF5;
	p2 =	por !p2, p0  }
0x20: {  	[sflag:s8] =	ssyncset.s32 @!p0 $0xFFFFF086;
	s6 =	sadd.s32 @!p0 s3, s7;
	s7 =	simm.s32 @!p0 $0x108  }
0x21: {  	s3 =	sadd.s32 s3, s9;
	s6 =	sadd.s32 @!p0 $0x88, s6;
	s7 =	simm.s32 @p2 $0x1082  }
0x22: {  	[simem:s7], [sflag:s8] =	dma.local @!p0 [hbm:s6], $0xF7A  }
0x23: {  	s9 =	sor.u32 $0xD0000000, s2;
	s6 =	simm.s32 $0x108;
	_ =	swait.ge @!p0 [sflag:s8], $0x0  }
0x24: {  	s3 =	sadd.s32 $0x88, s3;
	s6 =	simm.s32 @!p1 $0x1082;
	[sflag:s4] =	ssyncset.s32 $0xFFFFF086  }
0x25: {  	[simem:s6], [sflag:s4] =	dma.local [hbm:s3], $0xF7A  }
0x26: {  	[smem:$0x3F97] =	sst s1;
	(tag) =	ssettag s2;
	_ =	strace s9  }
0x27: {  	s1 =	sld [smem:$0x3FA7]  }
0x28: {  	s2 =	sld [smem:$0x3FA8]  }
0x29: {  	s4 =	sld [smem:$0x3FAA]  }
0x2a: {  	p0 =	seq.s32 s5, $0x0;
	s5 =	sld [smem:$0x3FAB]  }
0x2b: {  	s6 =	sld [smem:$0x3FAC]  }
0x2c: {  	s7 =	sld [smem:$0x3FAD]  }
0x2d: {  	s3 =	simm.s32 $0x108;
	s8 =	sld [smem:$0x3FAE]  }
0x2e: {  	s3 =	simm.s32 @!p0 $0x1082;
	s9 =	sld [smem:$0x3FAF]  }
0x2f: {  	lr =	sadd.s32 s0, s3;
	s0 =	sld [smem:$0x3FA6]  }
0x30: {  	s3 =	sld [smem:$0x3FA9]  }
0x31: {  	[smem:$0x3FB2] =	sst s10  }
0x32: {  	s10 =	sld [smem:$0x3FB0];
	_ =	sdelay $0x3  }
0x33: {  	p0 =	seq.s32 s10, $0x1;
	s10 =	sld [smem:$0x3FB2];
	_ =	sdelay $0x3  }
0x34: {  	[smem:$0x3FB2] =	sst s10  }
0x35: {  	s10 =	sld [smem:$0x3FB1];
	_ =	sdelay $0x3  }
0x36: {  	p1 =	seq.s32 s10, $0x1;
	s10 =	sld [smem:$0x3FB2];
	_ =	sdelay $0x3  }
0x37: {  	[smem:$0x3FB2] =	sst s10  }
0x38: {  	s10 =	sld [smem:$0x3FB3]  }
0x39: {  	_ = 	snop;
	(pc) =	sbr.ind lr, $3  }
0x3a: {  	_ = 	snop  }
0x3b: {  	_ = 	snop  }
0x3c: {  	p2 =	seq.s32 s10, $0x1;
	s10 =	sld [smem:$0x3FB2]  }
0x3d: {  	_ =	shalt  }
0x3e: {  	_ =	shalt  }
0x3f: {  	_ =	shalt  }
0x40: {  	_ =	shalt  }
0x41: {  	_ =	shalt  }
0x42: {  	_ =	shalt  }
0x43: {  	_ =	shalt  }
0x44: {  	_ =	shalt  }
0x45: {  	_ =	shalt  }
0x46: {  	_ =	shalt  }
0x47: {  	_ =	shalt  }
0x48: {  	_ =	shalt  }
0x49: {  	_ =	shalt  }
0x4a: {  	_ =	shalt  }
0x4b: {  	_ =	shalt  }
0x4c: {  	_ =	shalt  }
0x4d: {  	_ =	shalt  }
0x4e: {  	_ =	shalt  }
0x4f: {  	_ =	shalt  }
0x50: {  	_ =	shalt  }
0x51: {  	_ =	shalt  }
0x52: {  	_ =	shalt  }
0x53: {  	_ =	shalt  }
0x54: {  	_ =	shalt  }
0x55: {  	_ =	shalt  }
0x56: {  	_ =	shalt  }
0x57: {  	_ =	shalt  }
0x58: {  	_ =	shalt  }
0x59: {  	_ =	shalt  }
0x5a: {  	_ =	shalt  }
0x5b: {  	_ =	shalt  }
0x5c: {  	_ =	shalt  }
0x5d: {  	_ =	shalt  }
0x5e: {  	_ =	shalt  }
0x5f: {  	_ =	shalt  }
0x60: {  	_ =	shalt  }
0x61: {  	_ =	shalt  }
0x62: {  	_ =	shalt  }
0x63: {  	_ =	shalt  }
0x64: {  	_ =	shalt  }
0x65: {  	_ =	shalt  }
0x66: {  	_ =	shalt  }
0x67: {  	_ =	shalt  }
0x68: {  	_ =	shalt  }
0x69: {  	_ =	shalt  }
0x6a: {  	_ =	shalt  }
0x6b: {  	_ =	shalt  }
0x6c: {  	_ =	shalt  }
0x6d: {  	_ =	shalt  }
0x6e: {  	_ =	shalt  }
0x6f: {  	_ =	shalt  }
0x70: {  	_ =	shalt  }
0x71: {  	_ =	shalt  }
0x72: {  	_ =	shalt  }
0x73: {  	_ =	shalt  }
0x74: {  	_ =	shalt  }
0x75: {  	_ =	shalt  }
0x76: {  	_ =	shalt  }
0x77: {  	_ =	shalt  }
0x78: {  	_ =	shalt  }
0x79: {  	_ =	shalt  }
0x7a: {  	_ =	shalt  }
0x7b: {  	_ =	shalt  }
0x7c: {  	_ =	shalt  }
0x7d: {  	_ =	shalt  }
0x7e: {  	_ =	shalt  }
0x7f: {  	_ =	shalt  }
0x80: {  	_ =	shalt  }
0x81: {  	_ =	shalt  }
0x82: {  	_ =	shalt  }
0x83: {  	_ =	shalt  }
0x84: {  	_ =	shalt  }
0x85: {  	_ =	shalt  }
0x86: {  	_ =	shalt  }
0x87: {  	_ =	shalt  }
.Lfunc_end0:
.L_simem_size_0:
called_computation.1_lowered:
.L_overlay_start_0:
0x88: {  	s2 =	sld [smem:$0x3FD9]  }
0x89: {  	s3 =	sld [smem:$0x3FFE];
	_ =	sdelay $0x1  }
0x8a: {  	s1 =	srdreg.scid  }
0x8b: {  	s0 =	sand.u32 $0x1, s1  }
0x8c: {  	s14 =	sshll.u32 s0, $0xA;
	s2 =	sadd.s32 s3, s2  }
0x8d: {  	s2 =	sadd.s32 s2, s14  }
0x8e: {  	[smem:$0x3FBE] =	sst s2  }
0x8f: {  	_ = 	snop  }
0x90: {  	s2 =	sld [smem:$0x3FD0];
	_ =	sdelay $0x2  }
0x91: {  	s15 =	simm.s32 $0xA;
	s4 =	simm.s32 $0x10  }
0x92: {  	[smem:s4], [sflag:s15] =	dma.local [hbm:s2], $0x1  }
0x93: {  	_ =	swait.eq [sflag:s15], $0x1  }
0x94: {  	[sflag:s15] =	ssyncset.done $0x0  }
0x95: {  	[sflag:s15] =	ssyncadd.s32 $0xFFFFFFFF  }
0x96: {  	s16 =	sld [smem:$0x11];
	(tm) =	ssettm $0x1  }
0x97: {  	s17 =	sld [smem:$0x3FFB];
	_ =	sdelay $0x3  }
0x98: {  	_ =	strace s17  }
0x99: {  	s3 =	sld [smem:$0x3FFC];
	_ =	sdelay $0x3  }
0x9a: {  	_ =	strace s3  }
0x9b: {  	s3 =	sld [smem:$0x3FFD];
	_ =	sdelay $0x3  }
0x9c: {  	_ =	strace s3  }
0x9d: {  	_ =	strace $0x8FFFFFFF  }
0x9e: {  	s18 =	sld [smem:$0x3FDB];
	_ =	sdelay $0x1  }
0x9f: {  	s19 =	simm.s32 $_scs_section_size  }
0xa0: {  	s5 =	simm.s32 $_size__tile_overlayer_lowered;
	s6 =	simm.s32 $_tile_overlayer_lowered  }
0xa1: {  	s22 =	simm.s32 $0x1BFF;
	s21 =	sshll.u32 s6, $0x1;
	s3 =	sadd.s32 s19, s18  }
0xa2: {  	s7 =	simm.s32 $0x0;
	s20 =	sshll.u32 s5, $0x1;
	s5 =	sadd.s32 s21, s3  }
0xa3: {  	[timem:s7], [sflag:s22] =	dma.local [hbm:s5], s20  }
0xa4: {  	_ =	swait.ge [sflag:s22], s20  }
0xa5: {  	s4 =	ssub.s32 $0x0, s20;
	[sflag:s22] =	ssyncset.done $0x0  }
0xa6: {  	[sflag:s22] =	ssyncadd.s32 s4;
	_ =	sdelay $0x1  }
0xa7: {  	s23 =	simm.s32 $0x1B8B  }
0xa8: {  	_ =	swait.ge [sflag:s23], $0x1  }
0xa9: {  	[sflag:s23] =	ssyncset.done $0x0  }
0xaa: {  	s25 =	simm.s32 $0x1B8E;
	s24 =	sld [smem:$0x3FFE];
	[sflag:s23] =	ssyncadd.s32 $0xFFFFFFFF  }
0xab: {  	s26 =	simm.s32 $execute0_lowered;
	[smem:$0x3FD2] =	sst s25  }
0xac: {  	s5 =	sshll.u32 s26, $0x1;
	_ =	strace $0x80000049;
	[dreg:$0x1] =	wrdreg $0xFFFFFFFF  }
0xad: {  	s28 =	simm.s32 $_size_execute0_lowered;
	s3 =	sadd.s32 s3, s5;
	[dreg:$0x0] =	wrdreg $0x0  }
0xae: {  	s5 =	sshll.u32 s28, $0x1;
	[dreg:$0x2] =	wrdreg s3  }
0xaf: {  	[dreg:$0x3] =	wrdreg s5  }
0xb0: {  	[dreg:$0x4] =	wrdreg $0xC0  }
0xb1: {  	_ =	task [dreg:s7], $0x5FFFF  }
0xb2: {  	[dreg:$0x1] =	wrdreg $0xFFFFFFFF  }
0xb3: {  	[dreg:$0x0] =	wrdreg $0x60  }
0xb4: {  	[dreg:$0x2] =	wrdreg s16  }
0xb5: {  	[dreg:$0x3] =	wrdreg s24  }
0xb6: {  	[dreg:$0x4] =	wrdreg $0x9  }
0xb7: {  	_ =	task.clear_ibuf [dreg:s7], $0x5FFFF;
	_ =	strace $0x90000049  }
0xb8: {  	s29 =	simm.s32 $0x9;
	_ =	strace $0x8000004B  }
0xb9: {  	_ =	swait.ge [sflag:s29], $0x1  }
0xba: {  	[sflag:s29] =	ssyncadd.s32 $0xFFFFFFFF  }
0xbb: {  	_ =	strace $0x9000004B  }
0xbc: {  	_ =	sfence  }
0xbd: {  	s30 =	sld [smem:$0x0];
	_ =	sdelay $0x2  }
0xbe: {  	s31 =	sshll.u32 s1, $0xD;
	s1 =	sshrl.u32 s1, $0x2  }
0xbf: {  	s3 =	sand.u32 $0x4000, s31;
	s1 =	sadd.s32 s1, s30  }
0xc0: {  	s0 =	sor.u32 s3, s0;
	s1 =	sshll.u32 s1, $0x11  }
0xc1: {  	s0 =	sor.u32 s1, s0  }
0xc2: {  	s0 =	sadd.s32 $0x8F2B, s0  }
0xc3: {  	[sflag:s0] =	ssyncadd.remote.s32 $0x1  }
0xc4: {  	_ =	sfence.sel $0xFFFF  }
0xc5: {  	[dreg:$0x0] =	wrdreg $0xFFFFFFFF;
	(pc) =	sbr.abs _section_cstart, $3  }
0xc6: {  	[dreg:$0x1] =	wrdreg $0xFFFFFFFF  }
0xc7: {  	_ =	task.clear_ibuf [dreg:s7], $0x2FFFF;
	_ =	strace $0x9FFFFFFF  }
0xc8: {  	(tm) =	ssettm $0x7FFFFFFF  }
0xc9: {  	_ =	shalt  }
tec
execute0_lowered:
.L_overlay_start_1:
0x0: {  	(tag) =	ssettag $0x1  }
0x1: {  	s1 =	rddreg [dreg:$0x0]  }
0x2: {  	s4 =	rddreg [dreg:$0x1]  }
0x3: {  	s0 =	rddreg [dreg:$0x2];
	s3 =	simm.s32 $0x0;
	s5 =	srdreg.scid;
	v0 =	vlaneseq.u32  }
0x4: {  	s2 =	stileid.u32;
	s9 =	simm.s32 $0x2000;
	s10 =	simm.s32 $0x2080;
	v0 =	vmul.u32 $0x2, v0  }
0x5: {  	[smem:$0x7FF] =	sst s3;
	s5 =	sand.u32 $0x1, s5;
	s6 =	sshll.u32 s2, $0x1  }
0x6: {  	s11 =	simm.s32 $0x2100;
	_ =	strace $0x8000004A;
	s6 =	sor.u32 s5, s6;
	v1 =	vor.u32 $0x1, v0;
	v2 =	vor.u32 $0x20, v0;
	v3 =	vor.u32 $0x21, v0  }
0x7: {  	s5 =	ssub.s32 $0x2, s5;
	s7 =	sshll.u32 s6, $0x4;
	s6 =	sshll.u32 s6, $0x5;
	v4 =	vor.u32 $0x40, v0;
	v5 =	vor.u32 $0x41, v0;
	v6 =	vor.u32 $0x60, v0  }
0x8: {  	s31 =	sshrl.u32 s5, $0x1;
	v7 =	vor.u32 $0x61, v0;
	v8 =	vor.u32 $0x80, v0;
	v9 =	vor.u32 $0x81, v0;
	s7 =	sadd.s32 s7, s4;
	s6 =	sadd.s32 s6, s4  }
0x9: {  	v10 =	vor.u32 $0xA0, v0;
	v11 =	vor.u32 $0xA1, v0;
	v12 =	vor.u32 $0xC0, v0;
	s8 =	ssub.s32 s5, s31;
	s4 =	sadd.s32 $0x101800, s7;
	s5 =	sadd.s32 $0x1600, s7  }
0xa: {  	v13 =	vor.u32 $0xC1, v0;
	v14 =	vor.u32 $0xE0, v0;
	v15 =	vor.u32 $0xE1, v0;
	s6 =	sadd.s32 $0x101A00, s6;
	s7 =	smax.u32 s8, $0x1;
	s8 =	simm.s32 $0x1  }
.LBB2_1:
0xb: {  	[tilespmem:s3], [sflag:$0x1] =	stream.linear.gather [hbm4b:s1+s3], $0x2000, $0x38;
	[tilespmem:$0x2200] =	vst v63  }
0xc: {  	_ =	swait.ge [sflag:s8], $0x2000  }
0xd: {  	[sflag:s8] =	ssyncset.done $0x0  }
0xe: {  	[sflag:s8] =	ssyncadd.s32 $0xFFFFE000  }
0xf: {  	[tilespmem:s9], [sflag:$0x1] =	stream.linear.gather [hbm4b:s4+s3], $0x80, $0x38;
	[tilespmem:$0x2200] =	vst v63  }
0x10: {  	_ =	swait.ge [sflag:s8], $0x80  }
0x11: {  	[sflag:s8] =	ssyncset.done $0x0  }
0x12: {  	[sflag:s8] =	ssyncadd.s32 $0xFFFFFF80  }
0x13: {  	[tilespmem:s10], [sflag:$0x1] =	stream.linear.gather [hbm4b:s5+s3], $0x80, $0x38;
	[tilespmem:$0x2200] =	vst v63  }
0x14: {  	_ =	swait.ge [sflag:s8], $0x80  }
0x15: {  	[sflag:s8] =	ssyncset.done $0x0  }
0x16: {  	[sflag:s8] =	ssyncadd.s32 $0xFFFFFF80  }
0x17: {  	v16 =	vld [tilespmem:$0x2000];
	_ =	sdelay $0x4  }
0x18: {  	vm0 =	vgt.s32 v16, $0x0  }
0x19: {  	v16 =	vnsel vm0, $0x0, v16  }
0x1a: {  	v16 =	vshll.u32 v16, $0x1  }
0x1b: {  	v17 =	vor.u32 $0x1, v16;
	_ =	sdelay $0x2  }
0x1c: {  	v18 =	vld [tilespmem:$0x2080]  }
0x1d: {  	v16 =	vld.idx.msk [tilespmem:v16+s3+$0x0], $0xffff  }
0x1e: {  	v17 =	vld.idx.msk [tilespmem:v17+s3+$0x0], $0xffff;
	_ =	sdelay $0x2  }
0x1f: {  	vm13 =	veq.s32 v18, $0x0  }
0x20: {  	v16 =	vsel vm13, $0x0, v16  }
0x21: {  	v17 =	vsel vm13, $0x0, v17;
	[tilespmem:v0+s11+$0x0] =	vst.idx.msk $0xffff, v16  }
0x22: {  	[tilespmem:v1+s11+$0x0] =	vst.idx.msk $0xffff, v17  }
0x23: {  	v16 =	vld [tilespmem:$0x2010];
	_ =	sdelay $0x4  }
0x24: {  	vm14 =	vgt.s32 v16, $0x0  }
0x25: {  	v16 =	vnsel vm14, $0x0, v16  }
0x26: {  	v16 =	vshll.u32 v16, $0x1  }
0x27: {  	v17 =	vor.u32 $0x1, v16;
	_ =	sdelay $0x2  }
0x28: {  	v57 =	vld [tilespmem:$0x2090]  }
0x29: {  	v16 =	vld.idx.msk [tilespmem:v16+s3+$0x0], $0xffff  }
0x2a: {  	v17 =	vld.idx.msk [tilespmem:v17+s3+$0x0], $0xffff;
	_ =	sdelay $0x2  }
0x2b: {  	vm15 =	veq.s32 v57, $0x0  }
0x2c: {  	v16 =	vsel vm15, $0x0, v16  }
0x2d: {  	v17 =	vsel vm15, $0x0, v17;
	[tilespmem:v2+s11+$0x0] =	vst.idx.msk $0xffff, v16  }
0x2e: {  	[tilespmem:v3+s11+$0x0] =	vst.idx.msk $0xffff, v17  }
0x2f: {  	v16 =	vld [tilespmem:$0x2020];
	_ =	sdelay $0x4  }
0x30: {  	vm4 =	vgt.s32 v16, $0x0  }
0x31: {  	v16 =	vnsel vm4, $0x0, v16  }
0x32: {  	v16 =	vshll.u32 v16, $0x1  }
0x33: {  	v17 =	vor.u32 $0x1, v16;
	_ =	sdelay $0x2  }
0x34: {  	v58 =	vld [tilespmem:$0x20A0]  }
0x35: {  	v16 =	vld.idx.msk [tilespmem:v16+s3+$0x0], $0xffff  }
0x36: {  	v17 =	vld.idx.msk [tilespmem:v17+s3+$0x0], $0xffff;
	_ =	sdelay $0x2  }
0x37: {  	vm5 =	veq.s32 v58, $0x0  }
0x38: {  	v16 =	vsel vm5, $0x0, v16  }
0x39: {  	v17 =	vsel vm5, $0x0, v17;
	[tilespmem:v4+s11+$0x0] =	vst.idx.msk $0xffff, v16  }
0x3a: {  	[tilespmem:v5+s11+$0x0] =	vst.idx.msk $0xffff, v17  }
0x3b: {  	v16 =	vld [tilespmem:$0x2030];
	_ =	sdelay $0x4  }
0x3c: {  	vm6 =	vgt.s32 v16, $0x0  }
0x3d: {  	v16 =	vnsel vm6, $0x0, v16  }
0x3e: {  	v16 =	vshll.u32 v16, $0x1  }
0x3f: {  	v17 =	vor.u32 $0x1, v16;
	_ =	sdelay $0x2  }
0x40: {  	v59 =	vld [tilespmem:$0x20B0]  }
0x41: {  	v16 =	vld.idx.msk [tilespmem:v16+s3+$0x0], $0xffff  }
0x42: {  	v17 =	vld.idx.msk [tilespmem:v17+s3+$0x0], $0xffff;
	_ =	sdelay $0x2  }
0x43: {  	vm7 =	veq.s32 v59, $0x0  }
0x44: {  	v16 =	vsel vm7, $0x0, v16  }
0x45: {  	v17 =	vsel vm7, $0x0, v17;
	[tilespmem:v6+s11+$0x0] =	vst.idx.msk $0xffff, v16  }
0x46: {  	[tilespmem:v7+s11+$0x0] =	vst.idx.msk $0xffff, v17  }
0x47: {  	v16 =	vld [tilespmem:$0x2040];
	_ =	sdelay $0x4  }
0x48: {  	vm8 =	vgt.s32 v16, $0x0  }
0x49: {  	v16 =	vnsel vm8, $0x0, v16  }
0x4a: {  	v16 =	vshll.u32 v16, $0x1  }
0x4b: {  	v17 =	vor.u32 $0x1, v16;
	_ =	sdelay $0x2  }
0x4c: {  	v60 =	vld [tilespmem:$0x20C0]  }
0x4d: {  	v16 =	vld.idx.msk [tilespmem:v16+s3+$0x0], $0xffff  }
0x4e: {  	v17 =	vld.idx.msk [tilespmem:v17+s3+$0x0], $0xffff;
	_ =	sdelay $0x2  }
0x4f: {  	vm9 =	veq.s32 v60, $0x0  }
0x50: {  	v16 =	vsel vm9, $0x0, v16  }
0x51: {  	v17 =	vsel vm9, $0x0, v17;
	[tilespmem:v8+s11+$0x0] =	vst.idx.msk $0xffff, v16  }
0x52: {  	[tilespmem:v9+s11+$0x0] =	vst.idx.msk $0xffff, v17  }
0x53: {  	v16 =	vld [tilespmem:$0x2050];
	_ =	sdelay $0x4  }
0x54: {  	vm10 =	vgt.s32 v16, $0x0  }
0x55: {  	v16 =	vnsel vm10, $0x0, v16  }
0x56: {  	v16 =	vshll.u32 v16, $0x1  }
0x57: {  	v17 =	vor.u32 $0x1, v16;
	_ =	sdelay $0x2  }
0x58: {  	v61 =	vld [tilespmem:$0x20D0]  }
0x59: {  	v16 =	vld.idx.msk [tilespmem:v16+s3+$0x0], $0xffff  }
0x5a: {  	v17 =	vld.idx.msk [tilespmem:v17+s3+$0x0], $0xffff;
	_ =	sdelay $0x2  }
0x5b: {  	vm11 =	veq.s32 v61, $0x0  }
0x5c: {  	v16 =	vsel vm11, $0x0, v16  }
0x5d: {  	v17 =	vsel vm11, $0x0, v17;
	[tilespmem:v10+s11+$0x0] =	vst.idx.msk $0xffff, v16  }
0x5e: {  	[tilespmem:v11+s11+$0x0] =	vst.idx.msk $0xffff, v17  }
0x5f: {  	v16 =	vld [tilespmem:$0x2060];
	_ =	sdelay $0x4  }
0x60: {  	vm12 =	vgt.s32 v16, $0x0  }
0x61: {  	v16 =	vnsel vm12, $0x0, v16  }
0x62: {  	v16 =	vshll.u32 v16, $0x1  }
0x63: {  	v17 =	vor.u32 $0x1, v16;
	_ =	sdelay $0x2  }
0x64: {  	v62 =	vld [tilespmem:$0x20E0]  }
0x65: {  	v16 =	vld.idx.msk [tilespmem:v16+s3+$0x0], $0xffff  }
0x66: {  	v17 =	vld.idx.msk [tilespmem:v17+s3+$0x0], $0xffff;
	_ =	sdelay $0x2  }
0x67: {  	vm13 =	veq.s32 v62, $0x0  }
0x68: {  	v16 =	vsel vm13, $0x0, v16  }
0x69: {  	v17 =	vsel vm13, $0x0, v17;
	[tilespmem:v12+s11+$0x0] =	vst.idx.msk $0xffff, v16  }
0x6a: {  	[tilespmem:v13+s11+$0x0] =	vst.idx.msk $0xffff, v17  }
0x6b: {  	v16 =	vld [tilespmem:$0x2070];
	_ =	sdelay $0x4  }
0x6c: {  	vm14 =	vgt.s32 v16, $0x0  }
0x6d: {  	v16 =	vnsel vm14, $0x0, v16  }
0x6e: {  	v16 =	vshll.u32 v16, $0x1  }
0x6f: {  	v17 =	vor.u32 $0x1, v16;
	_ =	sdelay $0x2  }
0x70: {  	v63 =	vld [tilespmem:$0x20F0]  }
0x71: {  	v16 =	vld.idx.msk [tilespmem:v16+s3+$0x0], $0xffff  }
0x72: {  	v17 =	vld.idx.msk [tilespmem:v17+s3+$0x0], $0xffff;
	_ =	sdelay $0x2  }
0x73: {  	vm15 =	veq.s32 v63, $0x0  }
0x74: {  	v16 =	vsel vm15, $0x0, v16  }
0x75: {  	p0 =	sne.s32 s7, $0x1;
	v17 =	vsel vm15, $0x0, v17;
	[tilespmem:v14+s11+$0x0] =	vst.idx.msk $0xffff, v16  }
.Ltmp0:
0x76: {  	[tilespmem:v15+s11+$0x0] =	vst.idx.msk $0xffff, v17;
	(pc) =	sbr.rel @p0 .LBB2_1-.Ltmp0, $4  }
0x77: {  	[hbm4b:s6+s3] =	stream.linear.scatter [tilespmem:s11], [sflag:$0x1], $0x100, $0x38;
	[tilespmem:$0x2200] =	vst v63  }
0x78: {  	_ =	swait.ge [sflag:s8], $0x100  }
0x79: {  	[sflag:s8] =	ssyncset.done $0x0  }
0x7a: {  	s7 =	sadd.s32 $0xFFFFFFFF, s7;
	[sflag:s8] =	ssyncadd.s32 $0xFFFFFF00  }
0x7b: {  	_ =	sfence.sel $0x180000  }
0x7c: {  	[bflag:$0x0] =	sbarrier.arrive $0xFFFF  }
0x7d: {  	p0 =	sne.s32 s2, $0x0;
	_ =	strace $0x9000004A  }
0x7e: {  	s0 =	sadd.s32 @!p0 $0x100000, s0;
	[bflag:$0x2] =	sbarrier.arrive $0xFFFF  }
0x7f: {  	[sflag:s0] =	ssyncadd.tile.s32 @!p0 $0x1;
	_ =	shalt  }
.Lfunc_end2:
_tile_overlayer_lowered:
.L_overlay_start_2:
0x80: {  	(tag) =	ssettag $0x2  }
0x81: {  	s0 =	rddreg [dreg:$0x0];
	s2 =	stileid.u32  }
0x82: {  	s1 =	rddreg [dreg:$0x1];
	p0 =	sne.s32 s2, $0x0  }
0x83: {  	s3 =	rddreg [dreg:$0x2];
	[bflag:$0x3] =	sbarrier.arrive $0xFFFF;
	s2 =	simm.s32 @!p0 $0x1C01  }
0x84: {  	[timem:s3], [sflag:s2] =	dma.local @!p0 [hbm:s0], s1  }
0x85: {  	s0 =	simm.s32 @!p0 $0x1  }
0x86: {  	_ =	swait.ge @!p0 [sflag:s0], s1  }
0x87: {  	s1 =	ssub.s32 @!p0 $0x0, s1;
	[sflag:s0] =	ssyncset.done @!p0 $0x0  }
0x88: {  	[sflag:s0] =	ssyncadd.s32 @!p0 s1  }
0x89: {  	[bflag:$0x3] =	sbarrier.arrive $0xFFFF  }
0x8a: {  	_ =	shalt  }

</sc_bundles>
